<compile_context>
chip_gen: v7x
topology: tpu7x:2x2x1
jax: 0.10.2.dev20260603
libtpu: 0.0.44.dev20260713+nightly
codegen_flags: <defaults>
</compile_context>

<pallas_src>
import functools

import jax
import jax.numpy as jnp
from jax import lax
from jax.experimental import pallas as pl
from jax.experimental.pallas import tpu as pltpu
from jax.experimental.pallas import tpu_sc as plsc

N_NODES = 100000
D = 128
G = 512
NC = 2
NS = 16
NW = NC * NS

BLK = 160
BPW = 20
NBUF = 5
SDEPTH = 3
NBLK = NW * BPW
N_PAD = NBLK * BLK
TAIL = N_NODES % BLK
ROWS_PER_TILE_OUT = G // NS
CW = 8


def _sc_segment_sum(h, idxp, zeros_acc, zeros_cnt, ones_col):
  mesh = plsc.VectorSubcoreMesh(core_axis_name="c", subcore_axis_name="s",
                                num_cores=NC, num_subcores=NS)

  @functools.partial(
      pl.kernel,
      mesh=mesh,
      out_type=[
          jax.ShapeDtypeStruct((NC * G, D), jnp.float32),
          jax.ShapeDtypeStruct((NC * G, CW), jnp.float32),
      ],
      scratch_types=(
          [pltpu.VMEM((BLK, D), jnp.float32)] * NBUF
          + [
              pltpu.VMEM((BPW * BLK,), jnp.int32),
              pltpu.VMEM((BLK, CW), jnp.float32),
              pltpu.VMEM_SHARED((G + 1, D), jnp.float32),
              pltpu.VMEM_SHARED((G + 1, CW), jnp.float32),
          ]
          + [pltpu.SemaphoreType.DMA] * NBUF
          + [pltpu.SemaphoreType.DMA] * NBUF
          + [pltpu.SemaphoreType.DMA]
      ),
      compiler_params=pltpu.CompilerParams(use_tc_tiling_on_sc=False),
  )
  def k(h_hbm, idx_hbm, zacc_hbm, zcnt_hbm, ones_hbm, sums_hbm, cnts_hbm,
        *refs):
    bufs = refs[0:NBUF]
    idx_all, ones_v, acc_sh, cnt_sh = refs[NBUF:NBUF + 4]
    lsems = refs[NBUF + 4:2 * NBUF + 4]
    ssems = refs[2 * NBUF + 4:3 * NBUF + 4]
    osem = refs[3 * NBUF + 4]

    cid = lax.axis_index("c")
    sid = lax.axis_index("s")
    wid = cid * NS + sid

    z0 = sid * ROWS_PER_TILE_OUT
    prologue = [
        (zacc_hbm.at[pl.ds(z0, ROWS_PER_TILE_OUT)],
         acc_sh.at[pl.ds(z0, ROWS_PER_TILE_OUT)], lsems[0]),
        (zcnt_hbm.at[pl.ds(z0, ROWS_PER_TILE_OUT)],
         cnt_sh.at[pl.ds(z0, ROWS_PER_TILE_OUT)], lsems[1]),
        (idx_hbm.at[pl.ds(wid * (BPW * BLK), BPW * BLK)], idx_all, lsems[2]),
        (ones_hbm, ones_v, lsems[3]),
    ]
    for s, d, sem in prologue:
      pltpu.async_copy(s, d, sem)
    for s, d, sem in prologue:
      pltpu.make_async_copy(s, d, sem).wait()
    plsc.subcore_barrier()

    def bfull(j):
      return (wid * BPW + j) * BLK + BLK <= N_NODES

    def rstart(j):
      return (wid * BPW + j) * BLK

    def idx_at(j):
      return idx_all.at[pl.ds(j * BLK, BLK)]

    def fire_load(j):
      pltpu.async_copy(h_hbm.at[pl.ds(rstart(j), BLK)], bufs[j % NBUF],
                       lsems[j % NBUF])

    def wait_load(j):
      pltpu.make_async_copy(h_hbm.at[pl.ds(rstart(j), BLK)], bufs[j % NBUF],
                            lsems[j % NBUF]).wait()

    def fire_scatter(j):
      pltpu.async_copy(bufs[j % NBUF], acc_sh.at[idx_at(j)], ssems[j % NBUF],
                       add=True)
      pltpu.async_copy(ones_v, cnt_sh.at[idx_at(j)], osem, add=True)

    def wait_scatter(j):
      pltpu.make_async_copy(bufs[j % NBUF], acc_sh.at[idx_at(j)],
                            ssems[j % NBUF]).wait()
      pltpu.make_async_copy(ones_v, cnt_sh.at[idx_at(j)], osem).wait()

    for j in range(2):
      @pl.when(bfull(j))
      def _(j=j):
        fire_load(j)

    for j in range(BPW):
      @pl.when(bfull(j))
      def _(j=j):
        wait_load(j)

      if j >= SDEPTH:
        @pl.when(bfull(j - SDEPTH))
        def _(j=j):
          wait_scatter(j - SDEPTH)

      if j + 2 < BPW:
        @pl.when(bfull(j + 2))
        def _(j=j):
          fire_load(j + 2)

      @pl.when(bfull(j))
      def _(j=j):
        fire_scatter(j)

    for j in range(max(BPW - SDEPTH, 0), BPW):
      @pl.when(bfull(j))
      def _(j=j):
        wait_scatter(j)

    if TAIL != 0:
      wp = (N_NODES // BLK) // BPW
      jp = (N_NODES // BLK) - wp * BPW

      @pl.when(wid == wp)
      def _():
        pltpu.sync_copy(h_hbm.at[pl.ds(rstart(jp), TAIL)],
                        bufs[0].at[pl.ds(0, TAIL)])
        pltpu.sync_copy(bufs[0], acc_sh.at[idx_at(jp)], add=True)
        pltpu.sync_copy(ones_v, cnt_sh.at[idx_at(jp)], add=True)

    plsc.subcore_barrier()

    o0 = cid * G + z0
    epilogue = [
        (acc_sh.at[pl.ds(z0, ROWS_PER_TILE_OUT)],
         sums_hbm.at[pl.ds(o0, ROWS_PER_TILE_OUT)], lsems[0]),
        (cnt_sh.at[pl.ds(z0, ROWS_PER_TILE_OUT)],
         cnts_hbm.at[pl.ds(o0, ROWS_PER_TILE_OUT)], lsems[1]),
    ]
    for s, d, sem in epilogue:
      pltpu.async_copy(s, d, sem)
    for s, d, sem in epilogue:
      pltpu.make_async_copy(s, d, sem).wait()

  return k(h, idxp, zeros_acc, zeros_cnt, ones_col)


def _mlp_body(sums_ref, cnts_ref, w1_ref, b1_ref, w2_ref, b2_ref, out_ref):
  s = sums_ref[0:G, :] + sums_ref[G:2 * G, :]
  c = cnts_ref[0:G, 0:1] + cnts_ref[G:2 * G, 0:1]
  mean = s / jnp.maximum(c, 1.0)
  x = jnp.dot(mean, w1_ref[...], preferred_element_type=jnp.float32)
  x = jnp.maximum(x + b1_ref[...], 0.0)
  y = jnp.dot(x, w2_ref[...], preferred_element_type=jnp.float32)
  out_ref[...] = y + b2_ref[...]


def kernel(h, W1, b1, W2, b2, batch):
  idxp = jnp.pad(batch.astype(jnp.int32), (0, N_PAD - N_NODES),
                 constant_values=G)
  zeros_acc = jnp.zeros((G, D), jnp.float32)
  zeros_cnt = jnp.zeros((G, CW), jnp.float32)
  ones_col = jnp.ones((BLK, CW), jnp.float32)

  sums, cnts = _sc_segment_sum(h, idxp, zeros_acc, zeros_cnt, ones_col)

  out = pl.pallas_call(
      _mlp_body,
      out_shape=jax.ShapeDtypeStruct((G, D), jnp.float32),
  )(sums, cnts, W1, b1.reshape(1, D), W2, b2.reshape(1, D))
  return out

# --- scband reference (transcript-rebuilt; emitter-appended) ---
"""Pipeline reference for scband-graph-head-79852031967905 (READ-ONLY COPY).

The authoritative reference and input builder live on the scoring server;
editing this copy changes nothing except your own understanding.
"""

import jax, jax.numpy as jnp
import numpy as np

N_NODES = 100000
D_IN = 128
D_HID = 128
D_OUT = 128
NUM_GRAPHS = 512


def setup_inputs(seed: int = 0) -> dict:
    key = jax.random.key(seed)
    k_h, k_b, k_w1, k_b1, k_w2, k_b2 = jax.random.split(key, 6)
    h = jax.random.normal(k_h, (N_NODES, D_IN), dtype=jnp.float32)
    batch = jnp.sort(jax.random.randint(k_b, (N_NODES,), 0, NUM_GRAPHS, dtype=jnp.int64))
    W1 = jax.random.normal(k_w1, (D_IN, D_HID), dtype=jnp.float32) * 0.02
    b1 = jnp.zeros((D_HID,), dtype=jnp.float32)
    W2 = jax.random.normal(k_w2, (D_HID, D_OUT), dtype=jnp.float32) * 0.02
    b2 = jnp.zeros((D_OUT,), dtype=jnp.float32)
    return {"h": h, "W1": W1, "b1": b1, "W2": W2, "b2": b2, "batch": batch}


def reference(h, W1, b1, W2, b2, batch):
    num_segments = NUM_GRAPHS
    # unsorted_segment_mean: segment_sum / counts (clamped to >= 1)
    sums = jax.ops.segment_sum(h, batch, num_segments=num_segments)
    counts = jax.ops.segment_sum(jnp.ones((h.shape[0], 1), dtype=h.dtype), batch, num_segments=num_segments)
    graph_features = sums / jnp.clip(counts, 1.0)
    # MLP head: Linear -> ReLU -> Linear
    x = jnp.maximum(graph_features @ W1 + b1, 0.0)
    out = x @ W2 + b2
    return out

if __name__ == "__main__":
    import jax
    _d = setup_inputs()
    print(jax.jit(kernel)(*tuple(_d.values())))

</pallas_src>

<mosaic_0001>
#map = affine_map<(d0, d1) -> (0, 0)>
#map1 = affine_map<(d0, d1) -> (0)>
module attributes {stable_mosaic.version = 14 : i64} {
  func.func @k(%arg0: i32, %arg1: i32, %arg2: memref<100000x128xf32, #tpu.memory_space<hbm>>, %arg3: memref<102400xi32, #tpu.memory_space<hbm>>, %arg4: memref<512x128xf32, #tpu.memory_space<hbm>>, %arg5: memref<512x8xf32, #tpu.memory_space<hbm>>, %arg6: memref<160x8xf32, #tpu.memory_space<hbm>>, %arg7: memref<1024x128xf32, #tpu.memory_space<hbm>>, %arg8: memref<1024x8xf32, #tpu.memory_space<hbm>>, %arg9: memref<160x128xf32, #tpu.memory_space<vmem>>, %arg10: memref<160x128xf32, #tpu.memory_space<vmem>>, %arg11: memref<160x128xf32, #tpu.memory_space<vmem>>, %arg12: memref<160x128xf32, #tpu.memory_space<vmem>>, %arg13: memref<160x128xf32, #tpu.memory_space<vmem>>, %arg14: memref<3200xi32, #tpu.memory_space<vmem>>, %arg15: memref<160x8xf32, #tpu.memory_space<vmem>>, %arg16: memref<513x128xf32, #tpu.memory_space<vmem_shared>>, %arg17: memref<513x8xf32, #tpu.memory_space<vmem_shared>>, %arg18: memref<!tpu.dma_semaphore, #tpu.memory_space<semaphore_mem>>, %arg19: memref<!tpu.dma_semaphore, #tpu.memory_space<semaphore_mem>>, %arg20: memref<!tpu.dma_semaphore, #tpu.memory_space<semaphore_mem>>, %arg21: memref<!tpu.dma_semaphore, #tpu.memory_space<semaphore_mem>>, %arg22: memref<!tpu.dma_semaphore, #tpu.memory_space<semaphore_mem>>, %arg23: memref<!tpu.dma_semaphore, #tpu.memory_space<semaphore_mem>>, %arg24: memref<!tpu.dma_semaphore, #tpu.memory_space<semaphore_mem>>, %arg25: memref<!tpu.dma_semaphore, #tpu.memory_space<semaphore_mem>>, %arg26: memref<!tpu.dma_semaphore, #tpu.memory_space<semaphore_mem>>, %arg27: memref<!tpu.dma_semaphore, #tpu.memory_space<semaphore_mem>>, %arg28: memref<!tpu.dma_semaphore, #tpu.memory_space<semaphore_mem>>) attributes {dimension_semantics = [#tpu.dimension_semantics<core_parallel>, #tpu.dimension_semantics<subcore_parallel>], iteration_bounds = array<i64: 2, 16>, scalar_prefetch = 0 : i64, scratch_operands = 20 : i64, tpu.core_type = #tpu.core_type<sc_vector_subcore>, window_params = [{transform_indices = #map}, {transform_indices = #map1}, {transform_indices = #map}, {transform_indices = #map}, {transform_indices = #map}, {transform_indices = #map}, {transform_indices = #map}]} {
    %mul3A = arith.constant 16 : i32
    %mul3A_0 = arith.muli %arg0, %mul3A : i32
    %add3A = arith.addi %mul3A_0, %arg1 : i32
    %mul3A_1 = arith.constant 32 : i32
    %mul3A_2 = arith.muli %arg1, %mul3A_1 : i32
    %mul3A_3 = arith.constant 3200 : i32
    %mul3A_4 = arith.muli %add3A, %mul3A_3 : i32
    %dma_start3A = arith.constant 0 : i32
    %dma_start3A_5 = tpu.memref_slice %arg16[%mul3A_2, %dma_start3A] : memref<513x128xf32, #tpu.memory_space<vmem_shared>> -> memref<32x128xf32, #tpu.memory_space<vmem_shared>>
    %dma_start3A_6 = arith.constant 0 : i32
    %dma_start3A_7 = tpu.memref_slice %arg4[%mul3A_2, %dma_start3A_6] : memref<512x128xf32, #tpu.memory_space<hbm>> -> memref<32x128xf32, #tpu.memory_space<hbm>>
    tpu.enqueue_dma source(%dma_start3A_7 : memref<32x128xf32, #tpu.memory_space<hbm>>) target(%dma_start3A_5 : memref<32x128xf32, #tpu.memory_space<vmem_shared>>) target_semaphore(%arg18 : memref<!tpu.dma_semaphore, #tpu.memory_space<semaphore_mem>>)
    %dma_start3A_8 = arith.constant 0 : i32
    %dma_start3A_9 = tpu.memref_slice %arg17[%mul3A_2, %dma_start3A_8] : memref<513x8xf32, #tpu.memory_space<vmem_shared>> -> memref<32x8xf32, #tpu.memory_space<vmem_shared>>
    %dma_start3A_10 = arith.constant 0 : i32
    %dma_start3A_11 = tpu.memref_slice %arg5[%mul3A_2, %dma_start3A_10] : memref<512x8xf32, #tpu.memory_space<hbm>> -> memref<32x8xf32, #tpu.memory_space<hbm>>
    tpu.enqueue_dma source(%dma_start3A_11 : memref<32x8xf32, #tpu.memory_space<hbm>>) target(%dma_start3A_9 : memref<32x8xf32, #tpu.memory_space<vmem_shared>>) target_semaphore(%arg19 : memref<!tpu.dma_semaphore, #tpu.memory_space<semaphore_mem>>)
    %dma_start3A_12 = tpu.memref_slice %arg3[%mul3A_4] : memref<102400xi32, #tpu.memory_space<hbm>> -> memref<3200xi32, #tpu.memory_space<hbm>>
    %dma_start3A_13 = tpu.memref_slice %arg3[%mul3A_4] : memref<102400xi32, #tpu.memory_space<hbm>> -> memref<3200xi32, #tpu.memory_space<hbm>>
    tpu.enqueue_dma source(%dma_start3A_13 : memref<3200xi32, #tpu.memory_space<hbm>>) target(%arg14 : memref<3200xi32, #tpu.memory_space<vmem>>) target_semaphore(%arg20 : memref<!tpu.dma_semaphore, #tpu.memory_space<semaphore_mem>>)
    tpu.enqueue_dma source(%arg6 : memref<160x8xf32, #tpu.memory_space<hbm>>) target(%arg15 : memref<160x8xf32, #tpu.memory_space<vmem>>) target_semaphore(%arg21 : memref<!tpu.dma_semaphore, #tpu.memory_space<semaphore_mem>>)
    %dma_wait3A = arith.constant 0 : i32
    %dma_wait3A_14 = tpu.memref_slice %arg16[%mul3A_2, %dma_wait3A] : memref<513x128xf32, #tpu.memory_space<vmem_shared>> -> memref<32x128xf32, #tpu.memory_space<vmem_shared>>
    %dma_wait3A_15 = arith.constant 0 : i32
    %dma_wait3A_16 = tpu.memref_slice %arg4[%mul3A_2, %dma_wait3A_15] : memref<512x128xf32, #tpu.memory_space<hbm>> -> memref<32x128xf32, #tpu.memory_space<hbm>>
    tpu.wait_dma2 semaphore(%arg18 : memref<!tpu.dma_semaphore, #tpu.memory_space<semaphore_mem>>) src(%dma_wait3A_16 : memref<32x128xf32, #tpu.memory_space<hbm>>) dst(%dma_wait3A_14 : memref<32x128xf32, #tpu.memory_space<vmem_shared>>)
    %dma_wait3A_17 = arith.constant 0 : i32
    %dma_wait3A_18 = tpu.memref_slice %arg17[%mul3A_2, %dma_wait3A_17] : memref<513x8xf32, #tpu.memory_space<vmem_shared>> -> memref<32x8xf32, #tpu.memory_space<vmem_shared>>
    %dma_wait3A_19 = arith.constant 0 : i32
    %dma_wait3A_20 = tpu.memref_slice %arg5[%mul3A_2, %dma_wait3A_19] : memref<512x8xf32, #tpu.memory_space<hbm>> -> memref<32x8xf32, #tpu.memory_space<hbm>>
    tpu.wait_dma2 semaphore(%arg19 : memref<!tpu.dma_semaphore, #tpu.memory_space<semaphore_mem>>) src(%dma_wait3A_20 : memref<32x8xf32, #tpu.memory_space<hbm>>) dst(%dma_wait3A_18 : memref<32x8xf32, #tpu.memory_space<vmem_shared>>)
    %dma_wait3A_21 = tpu.memref_slice %arg3[%mul3A_4] : memref<102400xi32, #tpu.memory_space<hbm>> -> memref<3200xi32, #tpu.memory_space<hbm>>
    %dma_wait3A_22 = tpu.memref_slice %arg3[%mul3A_4] : memref<102400xi32, #tpu.memory_space<hbm>> -> memref<3200xi32, #tpu.memory_space<hbm>>
    tpu.wait_dma2 semaphore(%arg20 : memref<!tpu.dma_semaphore, #tpu.memory_space<semaphore_mem>>) src(%dma_wait3A_22 : memref<3200xi32, #tpu.memory_space<hbm>>) dst(%arg14 : memref<3200xi32, #tpu.memory_space<vmem>>)
    tpu.wait_dma2 semaphore(%arg21 : memref<!tpu.dma_semaphore, #tpu.memory_space<semaphore_mem>>) src(%arg6 : memref<160x8xf32, #tpu.memory_space<hbm>>) dst(%arg15 : memref<160x8xf32, #tpu.memory_space<vmem>>)
    %barrier3A = arith.constant 0 : index
    tpu.barrier barrier_id(%barrier3A)
    %mul3A_23 = arith.constant 20 : i32
    %mul3A_24 = arith.muli %add3A, %mul3A_23 : i32
    %add3A_25 = arith.constant 0 : i32
    %add3A_26 = arith.addi %mul3A_24, %add3A_25 : i32
    %mul3A_27 = arith.constant 160 : i32
    %mul3A_28 = arith.muli %add3A_26, %mul3A_27 : i32
    %add3A_29 = arith.constant 160 : i32
    %add3A_30 = arith.addi %mul3A_28, %add3A_29 : i32
    %le3A = arith.constant 100000 : i32
    %le3A_31 = arith.cmpi sle, %add3A_30, %le3A : i32
    %convert_element_type3A = arith.extui %le3A_31 : i1 to i32
    %cond3A = arith.constant 0 : i32
    %cond3A_32 = arith.cmpi ne, %convert_element_type3A, %cond3A : i32
    scf.if %cond3A_32 {
      %mul3A_1080 = arith.constant 20 : i32
      %mul3A_1081 = arith.muli %add3A, %mul3A_1080 : i32
      %add3A_1082 = arith.constant 0 : i32
      %add3A_1083 = arith.addi %mul3A_1081, %add3A_1082 : i32
      %mul3A_1084 = arith.constant 160 : i32
      %mul3A_1085 = arith.muli %add3A_1083, %mul3A_1084 : i32
      %dma_start3A_1086 = arith.constant 0 : i32
      %dma_start3A_1087 = tpu.memref_slice %arg2[%mul3A_1085, %dma_start3A_1086] : memref<100000x128xf32, #tpu.memory_space<hbm>> -> memref<160x128xf32, #tpu.memory_space<hbm>>
      %dma_start3A_1088 = arith.constant 0 : i32
      %dma_start3A_1089 = tpu.memref_slice %arg2[%mul3A_1085, %dma_start3A_1088] : memref<100000x128xf32, #tpu.memory_space<hbm>> -> memref<160x128xf32, #tpu.memory_space<hbm>>
      tpu.enqueue_dma source(%dma_start3A_1089 : memref<160x128xf32, #tpu.memory_space<hbm>>) target(%arg9 : memref<160x128xf32, #tpu.memory_space<vmem>>) target_semaphore(%arg18 : memref<!tpu.dma_semaphore, #tpu.memory_space<semaphore_mem>>)
    } else {
    }
    %mul3A_33 = arith.constant 20 : i32
    %mul3A_34 = arith.muli %add3A, %mul3A_33 : i32
    %add3A_35 = arith.constant 1 : i32
    %add3A_36 = arith.addi %mul3A_34, %add3A_35 : i32
    %mul3A_37 = arith.constant 160 : i32
    %mul3A_38 = arith.muli %add3A_36, %mul3A_37 : i32
    %add3A_39 = arith.constant 160 : i32
    %add3A_40 = arith.addi %mul3A_38, %add3A_39 : i32
    %le3A_41 = arith.constant 100000 : i32
    %le3A_42 = arith.cmpi sle, %add3A_40, %le3A_41 : i32
    %convert_element_type3A_43 = arith.extui %le3A_42 : i1 to i32
    %cond3A_44 = arith.constant 0 : i32
    %cond3A_45 = arith.cmpi ne, %convert_element_type3A_43, %cond3A_44 : i32
    scf.if %cond3A_45 {
      %mul3A_1080 = arith.constant 20 : i32
      %mul3A_1081 = arith.muli %add3A, %mul3A_1080 : i32
      %add3A_1082 = arith.constant 1 : i32
      %add3A_1083 = arith.addi %mul3A_1081, %add3A_1082 : i32
      %mul3A_1084 = arith.constant 160 : i32
      %mul3A_1085 = arith.muli %add3A_1083, %mul3A_1084 : i32
      %dma_start3A_1086 = arith.constant 0 : i32
      %dma_start3A_1087 = tpu.memref_slice %arg2[%mul3A_1085, %dma_start3A_1086] : memref<100000x128xf32, #tpu.memory_space<hbm>> -> memref<160x128xf32, #tpu.memory_space<hbm>>
      %dma_start3A_1088 = arith.constant 0 : i32
      %dma_start3A_1089 = tpu.memref_slice %arg2[%mul3A_1085, %dma_start3A_1088] : memref<100000x128xf32, #tpu.memory_space<hbm>> -> memref<160x128xf32, #tpu.memory_space<hbm>>
      tpu.enqueue_dma source(%dma_start3A_1089 : memref<160x128xf32, #tpu.memory_space<hbm>>) target(%arg10 : memref<160x128xf32, #tpu.memory_space<vmem>>) target_semaphore(%arg19 : memref<!tpu.dma_semaphore, #tpu.memory_space<semaphore_mem>>)
    } else {
    }
    %mul3A_46 = arith.constant 20 : i32
    %mul3A_47 = arith.muli %add3A, %mul3A_46 : i32
    %add3A_48 = arith.constant 0 : i32
    %add3A_49 = arith.addi %mul3A_47, %add3A_48 : i32
    %mul3A_50 = arith.constant 160 : i32
    %mul3A_51 = arith.muli %add3A_49, %mul3A_50 : i32
    %add3A_52 = arith.constant 160 : i32
    %add3A_53 = arith.addi %mul3A_51, %add3A_52 : i32
    %le3A_54 = arith.constant 100000 : i32
    %le3A_55 = arith.cmpi sle, %add3A_53, %le3A_54 : i32
    %convert_element_type3A_56 = arith.extui %le3A_55 : i1 to i32
    %cond3A_57 = arith.constant 0 : i32
    %cond3A_58 = arith.cmpi ne, %convert_element_type3A_56, %cond3A_57 : i32
    scf.if %cond3A_58 {
      %mul3A_1080 = arith.constant 20 : i32
      %mul3A_1081 = arith.muli %add3A, %mul3A_1080 : i32
      %add3A_1082 = arith.constant 0 : i32
      %add3A_1083 = arith.addi %mul3A_1081, %add3A_1082 : i32
      %mul3A_1084 = arith.constant 160 : i32
      %mul3A_1085 = arith.muli %add3A_1083, %mul3A_1084 : i32
      %dma_wait3A_1086 = arith.constant 0 : i32
      %dma_wait3A_1087 = tpu.memref_slice %arg2[%mul3A_1085, %dma_wait3A_1086] : memref<100000x128xf32, #tpu.memory_space<hbm>> -> memref<160x128xf32, #tpu.memory_space<hbm>>
      %dma_wait3A_1088 = arith.constant 0 : i32
      %dma_wait3A_1089 = tpu.memref_slice %arg2[%mul3A_1085, %dma_wait3A_1088] : memref<100000x128xf32, #tpu.memory_space<hbm>> -> memref<160x128xf32, #tpu.memory_space<hbm>>
      tpu.wait_dma2 semaphore(%arg18 : memref<!tpu.dma_semaphore, #tpu.memory_space<semaphore_mem>>) src(%dma_wait3A_1089 : memref<160x128xf32, #tpu.memory_space<hbm>>) dst(%arg9 : memref<160x128xf32, #tpu.memory_space<vmem>>)
    } else {
    }
    %mul3A_59 = arith.constant 20 : i32
    %mul3A_60 = arith.muli %add3A, %mul3A_59 : i32
    %add3A_61 = arith.constant 2 : i32
    %add3A_62 = arith.addi %mul3A_60, %add3A_61 : i32
    %mul3A_63 = arith.constant 160 : i32
    %mul3A_64 = arith.muli %add3A_62, %mul3A_63 : i32
    %add3A_65 = arith.constant 160 : i32
    %add3A_66 = arith.addi %mul3A_64, %add3A_65 : i32
    %le3A_67 = arith.constant 100000 : i32
    %le3A_68 = arith.cmpi sle, %add3A_66, %le3A_67 : i32
    %convert_element_type3A_69 = arith.extui %le3A_68 : i1 to i32
    %cond3A_70 = arith.constant 0 : i32
    %cond3A_71 = arith.cmpi ne, %convert_element_type3A_69, %cond3A_70 : i32
    scf.if %cond3A_71 {
      %mul3A_1080 = arith.constant 20 : i32
      %mul3A_1081 = arith.muli %add3A, %mul3A_1080 : i32
      %add3A_1082 = arith.constant 2 : i32
      %add3A_1083 = arith.addi %mul3A_1081, %add3A_1082 : i32
      %mul3A_1084 = arith.constant 160 : i32
      %mul3A_1085 = arith.muli %add3A_1083, %mul3A_1084 : i32
      %dma_start3A_1086 = arith.constant 0 : i32
      %dma_start3A_1087 = tpu.memref_slice %arg2[%mul3A_1085, %dma_start3A_1086] : memref<100000x128xf32, #tpu.memory_space<hbm>> -> memref<160x128xf32, #tpu.memory_space<hbm>>
      %dma_start3A_1088 = arith.constant 0 : i32
      %dma_start3A_1089 = tpu.memref_slice %arg2[%mul3A_1085, %dma_start3A_1088] : memref<100000x128xf32, #tpu.memory_space<hbm>> -> memref<160x128xf32, #tpu.memory_space<hbm>>
      tpu.enqueue_dma source(%dma_start3A_1089 : memref<160x128xf32, #tpu.memory_space<hbm>>) target(%arg11 : memref<160x128xf32, #tpu.memory_space<vmem>>) target_semaphore(%arg20 : memref<!tpu.dma_semaphore, #tpu.memory_space<semaphore_mem>>)
    } else {
    }
    %mul3A_72 = arith.constant 20 : i32
    %mul3A_73 = arith.muli %add3A, %mul3A_72 : i32
    %add3A_74 = arith.constant 0 : i32
    %add3A_75 = arith.addi %mul3A_73, %add3A_74 : i32
    %mul3A_76 = arith.constant 160 : i32
    %mul3A_77 = arith.muli %add3A_75, %mul3A_76 : i32
    %add3A_78 = arith.constant 160 : i32
    %add3A_79 = arith.addi %mul3A_77, %add3A_78 : i32
    %le3A_80 = arith.constant 100000 : i32
    %le3A_81 = arith.cmpi sle, %add3A_79, %le3A_80 : i32
    %convert_element_type3A_82 = arith.extui %le3A_81 : i1 to i32
    %cond3A_83 = arith.constant 0 : i32
    %cond3A_84 = arith.cmpi ne, %convert_element_type3A_82, %cond3A_83 : i32
    scf.if %cond3A_84 {
      %dma_start3A_1080 = arith.constant 0 : i32
      %dma_start3A_1081 = tpu.memref_slice %arg14[%dma_start3A_1080] : memref<3200xi32, #tpu.memory_space<vmem>> -> memref<160xi32, #tpu.memory_space<vmem>>
      %dma_start3A_1082 = arith.constant 0 : i32
      %dma_start3A_1083 = arith.constant 0 : i32
      %dma_start3A_1084 = tpu.memref_slice %arg16[%dma_start3A_1082, %dma_start3A_1083] : memref<513x128xf32, #tpu.memory_space<vmem_shared>> -> memref<513x128xf32, #tpu.memory_space<vmem_shared>>
      tpu.enqueue_indirect_dma source(%arg9 : memref<160x128xf32, #tpu.memory_space<vmem>>) target(%dma_start3A_1084 : memref<513x128xf32, #tpu.memory_space<vmem_shared>>) offsets(%dma_start3A_1081 : memref<160xi32, #tpu.memory_space<vmem>>) semaphore(%arg23 : memref<!tpu.dma_semaphore, #tpu.memory_space<semaphore_mem>>) {add = true}
      %dma_start3A_1085 = arith.constant 0 : i32
      %dma_start3A_1086 = tpu.memref_slice %arg14[%dma_start3A_1085] : memref<3200xi32, #tpu.memory_space<vmem>> -> memref<160xi32, #tpu.memory_space<vmem>>
      %dma_start3A_1087 = arith.constant 0 : i32
      %dma_start3A_1088 = arith.constant 0 : i32
      %dma_start3A_1089 = tpu.memref_slice %arg17[%dma_start3A_1087, %dma_start3A_1088] : memref<513x8xf32, #tpu.memory_space<vmem_shared>> -> memref<513x8xf32, #tpu.memory_space<vmem_shared>>
      tpu.enqueue_indirect_dma source(%arg15 : memref<160x8xf32, #tpu.memory_space<vmem>>) target(%dma_start3A_1089 : memref<513x8xf32, #tpu.memory_space<vmem_shared>>) offsets(%dma_start3A_1086 : memref<160xi32, #tpu.memory_space<vmem>>) semaphore(%arg28 : memref<!tpu.dma_semaphore, #tpu.memory_space<semaphore_mem>>) {add = true}
    } else {
    }
    %mul3A_85 = arith.constant 20 : i32
    %mul3A_86 = arith.muli %add3A, %mul3A_85 : i32
    %add3A_87 = arith.constant 1 : i32
    %add3A_88 = arith.addi %mul3A_86, %add3A_87 : i32
    %mul3A_89 = arith.constant 160 : i32
    %mul3A_90 = arith.muli %add3A_88, %mul3A_89 : i32
    %add3A_91 = arith.constant 160 : i32
    %add3A_92 = arith.addi %mul3A_90, %add3A_91 : i32
    %le3A_93 = arith.constant 100000 : i32
    %le3A_94 = arith.cmpi sle, %add3A_92, %le3A_93 : i32
    %convert_element_type3A_95 = arith.extui %le3A_94 : i1 to i32
    %cond3A_96 = arith.constant 0 : i32
    %cond3A_97 = arith.cmpi ne, %convert_element_type3A_95, %cond3A_96 : i32
    scf.if %cond3A_97 {
      %mul3A_1080 = arith.constant 20 : i32
      %mul3A_1081 = arith.muli %add3A, %mul3A_1080 : i32
      %add3A_1082 = arith.constant 1 : i32
      %add3A_1083 = arith.addi %mul3A_1081, %add3A_1082 : i32
      %mul3A_1084 = arith.constant 160 : i32
      %mul3A_1085 = arith.muli %add3A_1083, %mul3A_1084 : i32
      %dma_wait3A_1086 = arith.constant 0 : i32
      %dma_wait3A_1087 = tpu.memref_slice %arg2[%mul3A_1085, %dma_wait3A_1086] : memref<100000x128xf32, #tpu.memory_space<hbm>> -> memref<160x128xf32, #tpu.memory_space<hbm>>
      %dma_wait3A_1088 = arith.constant 0 : i32
      %dma_wait3A_1089 = tpu.memref_slice %arg2[%mul3A_1085, %dma_wait3A_1088] : memref<100000x128xf32, #tpu.memory_space<hbm>> -> memref<160x128xf32, #tpu.memory_space<hbm>>
      tpu.wait_dma2 semaphore(%arg19 : memref<!tpu.dma_semaphore, #tpu.memory_space<semaphore_mem>>) src(%dma_wait3A_1089 : memref<160x128xf32, #tpu.memory_space<hbm>>) dst(%arg10 : memref<160x128xf32, #tpu.memory_space<vmem>>)
    } else {
    }
    %mul3A_98 = arith.constant 20 : i32
    %mul3A_99 = arith.muli %add3A, %mul3A_98 : i32
    %add3A_100 = arith.constant 3 : i32
    %add3A_101 = arith.addi %mul3A_99, %add3A_100 : i32
    %mul3A_102 = arith.constant 160 : i32
    %mul3A_103 = arith.muli %add3A_101, %mul3A_102 : i32
    %add3A_104 = arith.constant 160 : i32
    %add3A_105 = arith.addi %mul3A_103, %add3A_104 : i32
    %le3A_106 = arith.constant 100000 : i32
    %le3A_107 = arith.cmpi sle, %add3A_105, %le3A_106 : i32
    %convert_element_type3A_108 = arith.extui %le3A_107 : i1 to i32
    %cond3A_109 = arith.constant 0 : i32
    %cond3A_110 = arith.cmpi ne, %convert_element_type3A_108, %cond3A_109 : i32
    scf.if %cond3A_110 {
      %mul3A_1080 = arith.constant 20 : i32
      %mul3A_1081 = arith.muli %add3A, %mul3A_1080 : i32
      %add3A_1082 = arith.constant 3 : i32
      %add3A_1083 = arith.addi %mul3A_1081, %add3A_1082 : i32
      %mul3A_1084 = arith.constant 160 : i32
      %mul3A_1085 = arith.muli %add3A_1083, %mul3A_1084 : i32
      %dma_start3A_1086 = arith.constant 0 : i32
      %dma_start3A_1087 = tpu.memref_slice %arg2[%mul3A_1085, %dma_start3A_1086] : memref<100000x128xf32, #tpu.memory_space<hbm>> -> memref<160x128xf32, #tpu.memory_space<hbm>>
      %dma_start3A_1088 = arith.constant 0 : i32
      %dma_start3A_1089 = tpu.memref_slice %arg2[%mul3A_1085, %dma_start3A_1088] : memref<100000x128xf32, #tpu.memory_space<hbm>> -> memref<160x128xf32, #tpu.memory_space<hbm>>
      tpu.enqueue_dma source(%dma_start3A_1089 : memref<160x128xf32, #tpu.memory_space<hbm>>) target(%arg12 : memref<160x128xf32, #tpu.memory_space<vmem>>) target_semaphore(%arg21 : memref<!tpu.dma_semaphore, #tpu.memory_space<semaphore_mem>>)
    } else {
    }
    %mul3A_111 = arith.constant 20 : i32
    %mul3A_112 = arith.muli %add3A, %mul3A_111 : i32
    %add3A_113 = arith.constant 1 : i32
    %add3A_114 = arith.addi %mul3A_112, %add3A_113 : i32
    %mul3A_115 = arith.constant 160 : i32
    %mul3A_116 = arith.muli %add3A_114, %mul3A_115 : i32
    %add3A_117 = arith.constant 160 : i32
    %add3A_118 = arith.addi %mul3A_116, %add3A_117 : i32
    %le3A_119 = arith.constant 100000 : i32
    %le3A_120 = arith.cmpi sle, %add3A_118, %le3A_119 : i32
    %convert_element_type3A_121 = arith.extui %le3A_120 : i1 to i32
    %cond3A_122 = arith.constant 0 : i32
    %cond3A_123 = arith.cmpi ne, %convert_element_type3A_121, %cond3A_122 : i32
    scf.if %cond3A_123 {
      %dma_start3A_1080 = arith.constant 160 : i32
      %dma_start3A_1081 = tpu.memref_slice %arg14[%dma_start3A_1080] : memref<3200xi32, #tpu.memory_space<vmem>> -> memref<160xi32, #tpu.memory_space<vmem>>
      %dma_start3A_1082 = arith.constant 0 : i32
      %dma_start3A_1083 = arith.constant 0 : i32
      %dma_start3A_1084 = tpu.memref_slice %arg16[%dma_start3A_1082, %dma_start3A_1083] : memref<513x128xf32, #tpu.memory_space<vmem_shared>> -> memref<513x128xf32, #tpu.memory_space<vmem_shared>>
      tpu.enqueue_indirect_dma source(%arg10 : memref<160x128xf32, #tpu.memory_space<vmem>>) target(%dma_start3A_1084 : memref<513x128xf32, #tpu.memory_space<vmem_shared>>) offsets(%dma_start3A_1081 : memref<160xi32, #tpu.memory_space<vmem>>) semaphore(%arg24 : memref<!tpu.dma_semaphore, #tpu.memory_space<semaphore_mem>>) {add = true}
      %dma_start3A_1085 = arith.constant 160 : i32
      %dma_start3A_1086 = tpu.memref_slice %arg14[%dma_start3A_1085] : memref<3200xi32, #tpu.memory_space<vmem>> -> memref<160xi32, #tpu.memory_space<vmem>>
      %dma_start3A_1087 = arith.constant 0 : i32
      %dma_start3A_1088 = arith.constant 0 : i32
      %dma_start3A_1089 = tpu.memref_slice %arg17[%dma_start3A_1087, %dma_start3A_1088] : memref<513x8xf32, #tpu.memory_space<vmem_shared>> -> memref<513x8xf32, #tpu.memory_space<vmem_shared>>
      tpu.enqueue_indirect_dma source(%arg15 : memref<160x8xf32, #tpu.memory_space<vmem>>) target(%dma_start3A_1089 : memref<513x8xf32, #tpu.memory_space<vmem_shared>>) offsets(%dma_start3A_1086 : memref<160xi32, #tpu.memory_space<vmem>>) semaphore(%arg28 : memref<!tpu.dma_semaphore, #tpu.memory_space<semaphore_mem>>) {add = true}
    } else {
    }
    %mul3A_124 = arith.constant 20 : i32
    %mul3A_125 = arith.muli %add3A, %mul3A_124 : i32
    %add3A_126 = arith.constant 2 : i32
    %add3A_127 = arith.addi %mul3A_125, %add3A_126 : i32
    %mul3A_128 = arith.constant 160 : i32
    %mul3A_129 = arith.muli %add3A_127, %mul3A_128 : i32
    %add3A_130 = arith.constant 160 : i32
    %add3A_131 = arith.addi %mul3A_129, %add3A_130 : i32
    %le3A_132 = arith.constant 100000 : i32
    %le3A_133 = arith.cmpi sle, %add3A_131, %le3A_132 : i32
    %convert_element_type3A_134 = arith.extui %le3A_133 : i1 to i32
    %cond3A_135 = arith.constant 0 : i32
    %cond3A_136 = arith.cmpi ne, %convert_element_type3A_134, %cond3A_135 : i32
    scf.if %cond3A_136 {
      %mul3A_1080 = arith.constant 20 : i32
      %mul3A_1081 = arith.muli %add3A, %mul3A_1080 : i32
      %add3A_1082 = arith.constant 2 : i32
      %add3A_1083 = arith.addi %mul3A_1081, %add3A_1082 : i32
      %mul3A_1084 = arith.constant 160 : i32
      %mul3A_1085 = arith.muli %add3A_1083, %mul3A_1084 : i32
      %dma_wait3A_1086 = arith.constant 0 : i32
      %dma_wait3A_1087 = tpu.memref_slice %arg2[%mul3A_1085, %dma_wait3A_1086] : memref<100000x128xf32, #tpu.memory_space<hbm>> -> memref<160x128xf32, #tpu.memory_space<hbm>>
      %dma_wait3A_1088 = arith.constant 0 : i32
      %dma_wait3A_1089 = tpu.memref_slice %arg2[%mul3A_1085, %dma_wait3A_1088] : memref<100000x128xf32, #tpu.memory_space<hbm>> -> memref<160x128xf32, #tpu.memory_space<hbm>>
      tpu.wait_dma2 semaphore(%arg20 : memref<!tpu.dma_semaphore, #tpu.memory_space<semaphore_mem>>) src(%dma_wait3A_1089 : memref<160x128xf32, #tpu.memory_space<hbm>>) dst(%arg11 : memref<160x128xf32, #tpu.memory_space<vmem>>)
    } else {
    }
    %mul3A_137 = arith.constant 20 : i32
    %mul3A_138 = arith.muli %add3A, %mul3A_137 : i32
    %add3A_139 = arith.constant 4 : i32
    %add3A_140 = arith.addi %mul3A_138, %add3A_139 : i32
    %mul3A_141 = arith.constant 160 : i32
    %mul3A_142 = arith.muli %add3A_140, %mul3A_141 : i32
    %add3A_143 = arith.constant 160 : i32
    %add3A_144 = arith.addi %mul3A_142, %add3A_143 : i32
    %le3A_145 = arith.constant 100000 : i32
    %le3A_146 = arith.cmpi sle, %add3A_144, %le3A_145 : i32
    %convert_element_type3A_147 = arith.extui %le3A_146 : i1 to i32
    %cond3A_148 = arith.constant 0 : i32
    %cond3A_149 = arith.cmpi ne, %convert_element_type3A_147, %cond3A_148 : i32
    scf.if %cond3A_149 {
      %mul3A_1080 = arith.constant 20 : i32
      %mul3A_1081 = arith.muli %add3A, %mul3A_1080 : i32
      %add3A_1082 = arith.constant 4 : i32
      %add3A_1083 = arith.addi %mul3A_1081, %add3A_1082 : i32
      %mul3A_1084 = arith.constant 160 : i32
      %mul3A_1085 = arith.muli %add3A_1083, %mul3A_1084 : i32
      %dma_start3A_1086 = arith.constant 0 : i32
      %dma_start3A_1087 = tpu.memref_slice %arg2[%mul3A_1085, %dma_start3A_1086] : memref<100000x128xf32, #tpu.memory_space<hbm>> -> memref<160x128xf32, #tpu.memory_space<hbm>>
      %dma_start3A_1088 = arith.constant 0 : i32
      %dma_start3A_1089 = tpu.memref_slice %arg2[%mul3A_1085, %dma_start3A_1088] : memref<100000x128xf32, #tpu.memory_space<hbm>> -> memref<160x128xf32, #tpu.memory_space<hbm>>
      tpu.enqueue_dma source(%dma_start3A_1089 : memref<160x128xf32, #tpu.memory_space<hbm>>) target(%arg13 : memref<160x128xf32, #tpu.memory_space<vmem>>) target_semaphore(%arg22 : memref<!tpu.dma_semaphore, #tpu.memory_space<semaphore_mem>>)
    } else {
    }
    %mul3A_150 = arith.constant 20 : i32
    %mul3A_151 = arith.muli %add3A, %mul3A_150 : i32
    %add3A_152 = arith.constant 2 : i32
    %add3A_153 = arith.addi %mul3A_151, %add3A_152 : i32
    %mul3A_154 = arith.constant 160 : i32
    %mul3A_155 = arith.muli %add3A_153, %mul3A_154 : i32
    %add3A_156 = arith.constant 160 : i32
    %add3A_157 = arith.addi %mul3A_155, %add3A_156 : i32
    %le3A_158 = arith.constant 100000 : i32
    %le3A_159 = arith.cmpi sle, %add3A_157, %le3A_158 : i32
    %convert_element_type3A_160 = arith.extui %le3A_159 : i1 to i32
    %cond3A_161 = arith.constant 0 : i32
    %cond3A_162 = arith.cmpi ne, %convert_element_type3A_160, %cond3A_161 : i32
    scf.if %cond3A_162 {
      %dma_start3A_1080 = arith.constant 320 : i32
      %dma_start3A_1081 = tpu.memref_slice %arg14[%dma_start3A_1080] : memref<3200xi32, #tpu.memory_space<vmem>> -> memref<160xi32, #tpu.memory_space<vmem>>
      %dma_start3A_1082 = arith.constant 0 : i32
      %dma_start3A_1083 = arith.constant 0 : i32
      %dma_start3A_1084 = tpu.memref_slice %arg16[%dma_start3A_1082, %dma_start3A_1083] : memref<513x128xf32, #tpu.memory_space<vmem_shared>> -> memref<513x128xf32, #tpu.memory_space<vmem_shared>>
      tpu.enqueue_indirect_dma source(%arg11 : memref<160x128xf32, #tpu.memory_space<vmem>>) target(%dma_start3A_1084 : memref<513x128xf32, #tpu.memory_space<vmem_shared>>) offsets(%dma_start3A_1081 : memref<160xi32, #tpu.memory_space<vmem>>) semaphore(%arg25 : memref<!tpu.dma_semaphore, #tpu.memory_space<semaphore_mem>>) {add = true}
      %dma_start3A_1085 = arith.constant 320 : i32
      %dma_start3A_1086 = tpu.memref_slice %arg14[%dma_start3A_1085] : memref<3200xi32, #tpu.memory_space<vmem>> -> memref<160xi32, #tpu.memory_space<vmem>>
      %dma_start3A_1087 = arith.constant 0 : i32
      %dma_start3A_1088 = arith.constant 0 : i32
      %dma_start3A_1089 = tpu.memref_slice %arg17[%dma_start3A_1087, %dma_start3A_1088] : memref<513x8xf32, #tpu.memory_space<vmem_shared>> -> memref<513x8xf32, #tpu.memory_space<vmem_shared>>
      tpu.enqueue_indirect_dma source(%arg15 : memref<160x8xf32, #tpu.memory_space<vmem>>) target(%dma_start3A_1089 : memref<513x8xf32, #tpu.memory_space<vmem_shared>>) offsets(%dma_start3A_1086 : memref<160xi32, #tpu.memory_space<vmem>>) semaphore(%arg28 : memref<!tpu.dma_semaphore, #tpu.memory_space<semaphore_mem>>) {add = true}
    } else {
    }
    %mul3A_163 = arith.constant 20 : i32
    %mul3A_164 = arith.muli %add3A, %mul3A_163 : i32
    %add3A_165 = arith.constant 3 : i32
    %add3A_166 = arith.addi %mul3A_164, %add3A_165 : i32
    %mul3A_167 = arith.constant 160 : i32
    %mul3A_168 = arith.muli %add3A_166, %mul3A_167 : i32
    %add3A_169 = arith.constant 160 : i32
    %add3A_170 = arith.addi %mul3A_168, %add3A_169 : i32
    %le3A_171 = arith.constant 100000 : i32
    %le3A_172 = arith.cmpi sle, %add3A_170, %le3A_171 : i32
    %convert_element_type3A_173 = arith.extui %le3A_172 : i1 to i32
    %cond3A_174 = arith.constant 0 : i32
    %cond3A_175 = arith.cmpi ne, %convert_element_type3A_173, %cond3A_174 : i32
    scf.if %cond3A_175 {
      %mul3A_1080 = arith.constant 20 : i32
      %mul3A_1081 = arith.muli %add3A, %mul3A_1080 : i32
      %add3A_1082 = arith.constant 3 : i32
      %add3A_1083 = arith.addi %mul3A_1081, %add3A_1082 : i32
      %mul3A_1084 = arith.constant 160 : i32
      %mul3A_1085 = arith.muli %add3A_1083, %mul3A_1084 : i32
      %dma_wait3A_1086 = arith.constant 0 : i32
      %dma_wait3A_1087 = tpu.memref_slice %arg2[%mul3A_1085, %dma_wait3A_1086] : memref<100000x128xf32, #tpu.memory_space<hbm>> -> memref<160x128xf32, #tpu.memory_space<hbm>>
      %dma_wait3A_1088 = arith.constant 0 : i32
      %dma_wait3A_1089 = tpu.memref_slice %arg2[%mul3A_1085, %dma_wait3A_1088] : memref<100000x128xf32, #tpu.memory_space<hbm>> -> memref<160x128xf32, #tpu.memory_space<hbm>>
      tpu.wait_dma2 semaphore(%arg21 : memref<!tpu.dma_semaphore, #tpu.memory_space<semaphore_mem>>) src(%dma_wait3A_1089 : memref<160x128xf32, #tpu.memory_space<hbm>>) dst(%arg12 : memref<160x128xf32, #tpu.memory_space<vmem>>)
    } else {
    }
    %mul3A_176 = arith.constant 20 : i32
    %mul3A_177 = arith.muli %add3A, %mul3A_176 : i32
    %add3A_178 = arith.constant 0 : i32
    %add3A_179 = arith.addi %mul3A_177, %add3A_178 : i32
    %mul3A_180 = arith.constant 160 : i32
    %mul3A_181 = arith.muli %add3A_179, %mul3A_180 : i32
    %add3A_182 = arith.constant 160 : i32
    %add3A_183 = arith.addi %mul3A_181, %add3A_182 : i32
    %le3A_184 = arith.constant 100000 : i32
    %le3A_185 = arith.cmpi sle, %add3A_183, %le3A_184 : i32
    %convert_element_type3A_186 = arith.extui %le3A_185 : i1 to i32
    %cond3A_187 = arith.constant 0 : i32
    %cond3A_188 = arith.cmpi ne, %convert_element_type3A_186, %cond3A_187 : i32
    scf.if %cond3A_188 {
      %dma_wait3A_1080 = arith.constant 0 : i32
      %dma_wait3A_1081 = tpu.memref_slice %arg14[%dma_wait3A_1080] : memref<3200xi32, #tpu.memory_space<vmem>> -> memref<160xi32, #tpu.memory_space<vmem>>
      %dma_wait3A_1082 = arith.constant 0 : i32
      %dma_wait3A_1083 = arith.constant 0 : i32
      %dma_wait3A_1084 = tpu.memref_slice %arg16[%dma_wait3A_1082, %dma_wait3A_1083] : memref<513x128xf32, #tpu.memory_space<vmem_shared>> -> memref<513x128xf32, #tpu.memory_space<vmem_shared>>
      tpu.wait_indirect_dma semaphore(%arg23 : memref<!tpu.dma_semaphore, #tpu.memory_space<semaphore_mem>>) src(%arg9 : memref<160x128xf32, #tpu.memory_space<vmem>>) dst(%dma_wait3A_1084 : memref<513x128xf32, #tpu.memory_space<vmem_shared>>)
      %dma_wait3A_1085 = arith.constant 0 : i32
      %dma_wait3A_1086 = tpu.memref_slice %arg14[%dma_wait3A_1085] : memref<3200xi32, #tpu.memory_space<vmem>> -> memref<160xi32, #tpu.memory_space<vmem>>
      %dma_wait3A_1087 = arith.constant 0 : i32
      %dma_wait3A_1088 = arith.constant 0 : i32
      %dma_wait3A_1089 = tpu.memref_slice %arg17[%dma_wait3A_1087, %dma_wait3A_1088] : memref<513x8xf32, #tpu.memory_space<vmem_shared>> -> memref<513x8xf32, #tpu.memory_space<vmem_shared>>
      tpu.wait_indirect_dma semaphore(%arg28 : memref<!tpu.dma_semaphore, #tpu.memory_space<semaphore_mem>>) src(%arg15 : memref<160x8xf32, #tpu.memory_space<vmem>>) dst(%dma_wait3A_1089 : memref<513x8xf32, #tpu.memory_space<vmem_shared>>)
    } else {
    }
    %mul3A_189 = arith.constant 20 : i32
    %mul3A_190 = arith.muli %add3A, %mul3A_189 : i32
    %add3A_191 = arith.constant 5 : i32
    %add3A_192 = arith.addi %mul3A_190, %add3A_191 : i32
    %mul3A_193 = arith.constant 160 : i32
    %mul3A_194 = arith.muli %add3A_192, %mul3A_193 : i32
    %add3A_195 = arith.constant 160 : i32
    %add3A_196 = arith.addi %mul3A_194, %add3A_195 : i32
    %le3A_197 = arith.constant 100000 : i32
    %le3A_198 = arith.cmpi sle, %add3A_196, %le3A_197 : i32
    %convert_element_type3A_199 = arith.extui %le3A_198 : i1 to i32
    %cond3A_200 = arith.constant 0 : i32
    %cond3A_201 = arith.cmpi ne, %convert_element_type3A_199, %cond3A_200 : i32
    scf.if %cond3A_201 {
      %mul3A_1080 = arith.constant 20 : i32
      %mul3A_1081 = arith.muli %add3A, %mul3A_1080 : i32
      %add3A_1082 = arith.constant 5 : i32
      %add3A_1083 = arith.addi %mul3A_1081, %add3A_1082 : i32
      %mul3A_1084 = arith.constant 160 : i32
      %mul3A_1085 = arith.muli %add3A_1083, %mul3A_1084 : i32
      %dma_start3A_1086 = arith.constant 0 : i32
      %dma_start3A_1087 = tpu.memref_slice %arg2[%mul3A_1085, %dma_start3A_1086] : memref<100000x128xf32, #tpu.memory_space<hbm>> -> memref<160x128xf32, #tpu.memory_space<hbm>>
      %dma_start3A_1088 = arith.constant 0 : i32
      %dma_start3A_1089 = tpu.memref_slice %arg2[%mul3A_1085, %dma_start3A_1088] : memref<100000x128xf32, #tpu.memory_space<hbm>> -> memref<160x128xf32, #tpu.memory_space<hbm>>
      tpu.enqueue_dma source(%dma_start3A_1089 : memref<160x128xf32, #tpu.memory_space<hbm>>) target(%arg9 : memref<160x128xf32, #tpu.memory_space<vmem>>) target_semaphore(%arg18 : memref<!tpu.dma_semaphore, #tpu.memory_space<semaphore_mem>>)
    } else {
    }
    %mul3A_202 = arith.constant 20 : i32
    %mul3A_203 = arith.muli %add3A, %mul3A_202 : i32
    %add3A_204 = arith.constant 3 : i32
    %add3A_205 = arith.addi %mul3A_203, %add3A_204 : i32
    %mul3A_206 = arith.constant 160 : i32
    %mul3A_207 = arith.muli %add3A_205, %mul3A_206 : i32
    %add3A_208 = arith.constant 160 : i32
    %add3A_209 = arith.addi %mul3A_207, %add3A_208 : i32
    %le3A_210 = arith.constant 100000 : i32
    %le3A_211 = arith.cmpi sle, %add3A_209, %le3A_210 : i32
    %convert_element_type3A_212 = arith.extui %le3A_211 : i1 to i32
    %cond3A_213 = arith.constant 0 : i32
    %cond3A_214 = arith.cmpi ne, %convert_element_type3A_212, %cond3A_213 : i32
    scf.if %cond3A_214 {
      %dma_start3A_1080 = arith.constant 480 : i32
      %dma_start3A_1081 = tpu.memref_slice %arg14[%dma_start3A_1080] : memref<3200xi32, #tpu.memory_space<vmem>> -> memref<160xi32, #tpu.memory_space<vmem>>
      %dma_start3A_1082 = arith.constant 0 : i32
      %dma_start3A_1083 = arith.constant 0 : i32
      %dma_start3A_1084 = tpu.memref_slice %arg16[%dma_start3A_1082, %dma_start3A_1083] : memref<513x128xf32, #tpu.memory_space<vmem_shared>> -> memref<513x128xf32, #tpu.memory_space<vmem_shared>>
      tpu.enqueue_indirect_dma source(%arg12 : memref<160x128xf32, #tpu.memory_space<vmem>>) target(%dma_start3A_1084 : memref<513x128xf32, #tpu.memory_space<vmem_shared>>) offsets(%dma_start3A_1081 : memref<160xi32, #tpu.memory_space<vmem>>) semaphore(%arg26 : memref<!tpu.dma_semaphore, #tpu.memory_space<semaphore_mem>>) {add = true}
      %dma_start3A_1085 = arith.constant 480 : i32
      %dma_start3A_1086 = tpu.memref_slice %arg14[%dma_start3A_1085] : memref<3200xi32, #tpu.memory_space<vmem>> -> memref<160xi32, #tpu.memory_space<vmem>>
      %dma_start3A_1087 = arith.constant 0 : i32
      %dma_start3A_1088 = arith.constant 0 : i32
      %dma_start3A_1089 = tpu.memref_slice %arg17[%dma_start3A_1087, %dma_start3A_1088] : memref<513x8xf32, #tpu.memory_space<vmem_shared>> -> memref<513x8xf32, #tpu.memory_space<vmem_shared>>
      tpu.enqueue_indirect_dma source(%arg15 : memref<160x8xf32, #tpu.memory_space<vmem>>) target(%dma_start3A_1089 : memref<513x8xf32, #tpu.memory_space<vmem_shared>>) offsets(%dma_start3A_1086 : memref<160xi32, #tpu.memory_space<vmem>>) semaphore(%arg28 : memref<!tpu.dma_semaphore, #tpu.memory_space<semaphore_mem>>) {add = true}
    } else {
    }
    %mul3A_215 = arith.constant 20 : i32
    %mul3A_216 = arith.muli %add3A, %mul3A_215 : i32
    %add3A_217 = arith.constant 4 : i32
    %add3A_218 = arith.addi %mul3A_216, %add3A_217 : i32
    %mul3A_219 = arith.constant 160 : i32
    %mul3A_220 = arith.muli %add3A_218, %mul3A_219 : i32
    %add3A_221 = arith.constant 160 : i32
    %add3A_222 = arith.addi %mul3A_220, %add3A_221 : i32
    %le3A_223 = arith.constant 100000 : i32
    %le3A_224 = arith.cmpi sle, %add3A_222, %le3A_223 : i32
    %convert_element_type3A_225 = arith.extui %le3A_224 : i1 to i32
    %cond3A_226 = arith.constant 0 : i32
    %cond3A_227 = arith.cmpi ne, %convert_element_type3A_225, %cond3A_226 : i32
    scf.if %cond3A_227 {
      %mul3A_1080 = arith.constant 20 : i32
      %mul3A_1081 = arith.muli %add3A, %mul3A_1080 : i32
      %add3A_1082 = arith.constant 4 : i32
      %add3A_1083 = arith.addi %mul3A_1081, %add3A_1082 : i32
      %mul3A_1084 = arith.constant 160 : i32
      %mul3A_1085 = arith.muli %add3A_1083, %mul3A_1084 : i32
      %dma_wait3A_1086 = arith.constant 0 : i32
      %dma_wait3A_1087 = tpu.memref_slice %arg2[%mul3A_1085, %dma_wait3A_1086] : memref<100000x128xf32, #tpu.memory_space<hbm>> -> memref<160x128xf32, #tpu.memory_space<hbm>>
      %dma_wait3A_1088 = arith.constant 0 : i32
      %dma_wait3A_1089 = tpu.memref_slice %arg2[%mul3A_1085, %dma_wait3A_1088] : memref<100000x128xf32, #tpu.memory_space<hbm>> -> memref<160x128xf32, #tpu.memory_space<hbm>>
      tpu.wait_dma2 semaphore(%arg22 : memref<!tpu.dma_semaphore, #tpu.memory_space<semaphore_mem>>) src(%dma_wait3A_1089 : memref<160x128xf32, #tpu.memory_space<hbm>>) dst(%arg13 : memref<160x128xf32, #tpu.memory_space<vmem>>)
    } else {
    }
    %mul3A_228 = arith.constant 20 : i32
    %mul3A_229 = arith.muli %add3A, %mul3A_228 : i32
    %add3A_230 = arith.constant 1 : i32
    %add3A_231 = arith.addi %mul3A_229, %add3A_230 : i32
    %mul3A_232 = arith.constant 160 : i32
    %mul3A_233 = arith.muli %add3A_231, %mul3A_232 : i32
    %add3A_234 = arith.constant 160 : i32
    %add3A_235 = arith.addi %mul3A_233, %add3A_234 : i32
    %le3A_236 = arith.constant 100000 : i32
    %le3A_237 = arith.cmpi sle, %add3A_235, %le3A_236 : i32
    %convert_element_type3A_238 = arith.extui %le3A_237 : i1 to i32
    %cond3A_239 = arith.constant 0 : i32
    %cond3A_240 = arith.cmpi ne, %convert_element_type3A_238, %cond3A_239 : i32
    scf.if %cond3A_240 {
      %dma_wait3A_1080 = arith.constant 160 : i32
      %dma_wait3A_1081 = tpu.memref_slice %arg14[%dma_wait3A_1080] : memref<3200xi32, #tpu.memory_space<vmem>> -> memref<160xi32, #tpu.memory_space<vmem>>
      %dma_wait3A_1082 = arith.constant 0 : i32
      %dma_wait3A_1083 = arith.constant 0 : i32
      %dma_wait3A_1084 = tpu.memref_slice %arg16[%dma_wait3A_1082, %dma_wait3A_1083] : memref<513x128xf32, #tpu.memory_space<vmem_shared>> -> memref<513x128xf32, #tpu.memory_space<vmem_shared>>
      tpu.wait_indirect_dma semaphore(%arg24 : memref<!tpu.dma_semaphore, #tpu.memory_space<semaphore_mem>>) src(%arg10 : memref<160x128xf32, #tpu.memory_space<vmem>>) dst(%dma_wait3A_1084 : memref<513x128xf32, #tpu.memory_space<vmem_shared>>)
      %dma_wait3A_1085 = arith.constant 160 : i32
      %dma_wait3A_1086 = tpu.memref_slice %arg14[%dma_wait3A_1085] : memref<3200xi32, #tpu.memory_space<vmem>> -> memref<160xi32, #tpu.memory_space<vmem>>
      %dma_wait3A_1087 = arith.constant 0 : i32
      %dma_wait3A_1088 = arith.constant 0 : i32
      %dma_wait3A_1089 = tpu.memref_slice %arg17[%dma_wait3A_1087, %dma_wait3A_1088] : memref<513x8xf32, #tpu.memory_space<vmem_shared>> -> memref<513x8xf32, #tpu.memory_space<vmem_shared>>
      tpu.wait_indirect_dma semaphore(%arg28 : memref<!tpu.dma_semaphore, #tpu.memory_space<semaphore_mem>>) src(%arg15 : memref<160x8xf32, #tpu.memory_space<vmem>>) dst(%dma_wait3A_1089 : memref<513x8xf32, #tpu.memory_space<vmem_shared>>)
    } else {
    }
    %mul3A_241 = arith.constant 20 : i32
    %mul3A_242 = arith.muli %add3A, %mul3A_241 : i32
    %add3A_243 = arith.constant 6 : i32
    %add3A_244 = arith.addi %mul3A_242, %add3A_243 : i32
    %mul3A_245 = arith.constant 160 : i32
    %mul3A_246 = arith.muli %add3A_244, %mul3A_245 : i32
    %add3A_247 = arith.constant 160 : i32
    %add3A_248 = arith.addi %mul3A_246, %add3A_247 : i32
    %le3A_249 = arith.constant 100000 : i32
    %le3A_250 = arith.cmpi sle, %add3A_248, %le3A_249 : i32
    %convert_element_type3A_251 = arith.extui %le3A_250 : i1 to i32
    %cond3A_252 = arith.constant 0 : i32
    %cond3A_253 = arith.cmpi ne, %convert_element_type3A_251, %cond3A_252 : i32
    scf.if %cond3A_253 {
      %mul3A_1080 = arith.constant 20 : i32
      %mul3A_1081 = arith.muli %add3A, %mul3A_1080 : i32
      %add3A_1082 = arith.constant 6 : i32
      %add3A_1083 = arith.addi %mul3A_1081, %add3A_1082 : i32
      %mul3A_1084 = arith.constant 160 : i32
      %mul3A_1085 = arith.muli %add3A_1083, %mul3A_1084 : i32
      %dma_start3A_1086 = arith.constant 0 : i32
      %dma_start3A_1087 = tpu.memref_slice %arg2[%mul3A_1085, %dma_start3A_1086] : memref<100000x128xf32, #tpu.memory_space<hbm>> -> memref<160x128xf32, #tpu.memory_space<hbm>>
      %dma_start3A_1088 = arith.constant 0 : i32
      %dma_start3A_1089 = tpu.memref_slice %arg2[%mul3A_1085, %dma_start3A_1088] : memref<100000x128xf32, #tpu.memory_space<hbm>> -> memref<160x128xf32, #tpu.memory_space<hbm>>
      tpu.enqueue_dma source(%dma_start3A_1089 : memref<160x128xf32, #tpu.memory_space<hbm>>) target(%arg10 : memref<160x128xf32, #tpu.memory_space<vmem>>) target_semaphore(%arg19 : memref<!tpu.dma_semaphore, #tpu.memory_space<semaphore_mem>>)
    } else {
    }
    %mul3A_254 = arith.constant 20 : i32
    %mul3A_255 = arith.muli %add3A, %mul3A_254 : i32
    %add3A_256 = arith.constant 4 : i32
    %add3A_257 = arith.addi %mul3A_255, %add3A_256 : i32
    %mul3A_258 = arith.constant 160 : i32
    %mul3A_259 = arith.muli %add3A_257, %mul3A_258 : i32
    %add3A_260 = arith.constant 160 : i32
    %add3A_261 = arith.addi %mul3A_259, %add3A_260 : i32
    %le3A_262 = arith.constant 100000 : i32
    %le3A_263 = arith.cmpi sle, %add3A_261, %le3A_262 : i32
    %convert_element_type3A_264 = arith.extui %le3A_263 : i1 to i32
    %cond3A_265 = arith.constant 0 : i32
    %cond3A_266 = arith.cmpi ne, %convert_element_type3A_264, %cond3A_265 : i32
    scf.if %cond3A_266 {
      %dma_start3A_1080 = arith.constant 640 : i32
      %dma_start3A_1081 = tpu.memref_slice %arg14[%dma_start3A_1080] : memref<3200xi32, #tpu.memory_space<vmem>> -> memref<160xi32, #tpu.memory_space<vmem>>
      %dma_start3A_1082 = arith.constant 0 : i32
      %dma_start3A_1083 = arith.constant 0 : i32
      %dma_start3A_1084 = tpu.memref_slice %arg16[%dma_start3A_1082, %dma_start3A_1083] : memref<513x128xf32, #tpu.memory_space<vmem_shared>> -> memref<513x128xf32, #tpu.memory_space<vmem_shared>>
      tpu.enqueue_indirect_dma source(%arg13 : memref<160x128xf32, #tpu.memory_space<vmem>>) target(%dma_start3A_1084 : memref<513x128xf32, #tpu.memory_space<vmem_shared>>) offsets(%dma_start3A_1081 : memref<160xi32, #tpu.memory_space<vmem>>) semaphore(%arg27 : memref<!tpu.dma_semaphore, #tpu.memory_space<semaphore_mem>>) {add = true}
      %dma_start3A_1085 = arith.constant 640 : i32
      %dma_start3A_1086 = tpu.memref_slice %arg14[%dma_start3A_1085] : memref<3200xi32, #tpu.memory_space<vmem>> -> memref<160xi32, #tpu.memory_space<vmem>>
      %dma_start3A_1087 = arith.constant 0 : i32
      %dma_start3A_1088 = arith.constant 0 : i32
      %dma_start3A_1089 = tpu.memref_slice %arg17[%dma_start3A_1087, %dma_start3A_1088] : memref<513x8xf32, #tpu.memory_space<vmem_shared>> -> memref<513x8xf32, #tpu.memory_space<vmem_shared>>
      tpu.enqueue_indirect_dma source(%arg15 : memref<160x8xf32, #tpu.memory_space<vmem>>) target(%dma_start3A_1089 : memref<513x8xf32, #tpu.memory_space<vmem_shared>>) offsets(%dma_start3A_1086 : memref<160xi32, #tpu.memory_space<vmem>>) semaphore(%arg28 : memref<!tpu.dma_semaphore, #tpu.memory_space<semaphore_mem>>) {add = true}
    } else {
    }
    %mul3A_267 = arith.constant 20 : i32
    %mul3A_268 = arith.muli %add3A, %mul3A_267 : i32
    %add3A_269 = arith.constant 5 : i32
    %add3A_270 = arith.addi %mul3A_268, %add3A_269 : i32
    %mul3A_271 = arith.constant 160 : i32
    %mul3A_272 = arith.muli %add3A_270, %mul3A_271 : i32
    %add3A_273 = arith.constant 160 : i32
    %add3A_274 = arith.addi %mul3A_272, %add3A_273 : i32
    %le3A_275 = arith.constant 100000 : i32
    %le3A_276 = arith.cmpi sle, %add3A_274, %le3A_275 : i32
    %convert_element_type3A_277 = arith.extui %le3A_276 : i1 to i32
    %cond3A_278 = arith.constant 0 : i32
    %cond3A_279 = arith.cmpi ne, %convert_element_type3A_277, %cond3A_278 : i32
    scf.if %cond3A_279 {
      %mul3A_1080 = arith.constant 20 : i32
      %mul3A_1081 = arith.muli %add3A, %mul3A_1080 : i32
      %add3A_1082 = arith.constant 5 : i32
      %add3A_1083 = arith.addi %mul3A_1081, %add3A_1082 : i32
      %mul3A_1084 = arith.constant 160 : i32
      %mul3A_1085 = arith.muli %add3A_1083, %mul3A_1084 : i32
      %dma_wait3A_1086 = arith.constant 0 : i32
      %dma_wait3A_1087 = tpu.memref_slice %arg2[%mul3A_1085, %dma_wait3A_1086] : memref<100000x128xf32, #tpu.memory_space<hbm>> -> memref<160x128xf32, #tpu.memory_space<hbm>>
      %dma_wait3A_1088 = arith.constant 0 : i32
      %dma_wait3A_1089 = tpu.memref_slice %arg2[%mul3A_1085, %dma_wait3A_1088] : memref<100000x128xf32, #tpu.memory_space<hbm>> -> memref<160x128xf32, #tpu.memory_space<hbm>>
      tpu.wait_dma2 semaphore(%arg18 : memref<!tpu.dma_semaphore, #tpu.memory_space<semaphore_mem>>) src(%dma_wait3A_1089 : memref<160x128xf32, #tpu.memory_space<hbm>>) dst(%arg9 : memref<160x128xf32, #tpu.memory_space<vmem>>)
    } else {
    }
    %mul3A_280 = arith.constant 20 : i32
    %mul3A_281 = arith.muli %add3A, %mul3A_280 : i32
    %add3A_282 = arith.constant 2 : i32
    %add3A_283 = arith.addi %mul3A_281, %add3A_282 : i32
    %mul3A_284 = arith.constant 160 : i32
    %mul3A_285 = arith.muli %add3A_283, %mul3A_284 : i32
    %add3A_286 = arith.constant 160 : i32
    %add3A_287 = arith.addi %mul3A_285, %add3A_286 : i32
    %le3A_288 = arith.constant 100000 : i32
    %le3A_289 = arith.cmpi sle, %add3A_287, %le3A_288 : i32
    %convert_element_type3A_290 = arith.extui %le3A_289 : i1 to i32
    %cond3A_291 = arith.constant 0 : i32
    %cond3A_292 = arith.cmpi ne, %convert_element_type3A_290, %cond3A_291 : i32
    scf.if %cond3A_292 {
      %dma_wait3A_1080 = arith.constant 320 : i32
      %dma_wait3A_1081 = tpu.memref_slice %arg14[%dma_wait3A_1080] : memref<3200xi32, #tpu.memory_space<vmem>> -> memref<160xi32, #tpu.memory_space<vmem>>
      %dma_wait3A_1082 = arith.constant 0 : i32
      %dma_wait3A_1083 = arith.constant 0 : i32
      %dma_wait3A_1084 = tpu.memref_slice %arg16[%dma_wait3A_1082, %dma_wait3A_1083] : memref<513x128xf32, #tpu.memory_space<vmem_shared>> -> memref<513x128xf32, #tpu.memory_space<vmem_shared>>
      tpu.wait_indirect_dma semaphore(%arg25 : memref<!tpu.dma_semaphore, #tpu.memory_space<semaphore_mem>>) src(%arg11 : memref<160x128xf32, #tpu.memory_space<vmem>>) dst(%dma_wait3A_1084 : memref<513x128xf32, #tpu.memory_space<vmem_shared>>)
      %dma_wait3A_1085 = arith.constant 320 : i32
      %dma_wait3A_1086 = tpu.memref_slice %arg14[%dma_wait3A_1085] : memref<3200xi32, #tpu.memory_space<vmem>> -> memref<160xi32, #tpu.memory_space<vmem>>
      %dma_wait3A_1087 = arith.constant 0 : i32
      %dma_wait3A_1088 = arith.constant 0 : i32
      %dma_wait3A_1089 = tpu.memref_slice %arg17[%dma_wait3A_1087, %dma_wait3A_1088] : memref<513x8xf32, #tpu.memory_space<vmem_shared>> -> memref<513x8xf32, #tpu.memory_space<vmem_shared>>
      tpu.wait_indirect_dma semaphore(%arg28 : memref<!tpu.dma_semaphore, #tpu.memory_space<semaphore_mem>>) src(%arg15 : memref<160x8xf32, #tpu.memory_space<vmem>>) dst(%dma_wait3A_1089 : memref<513x8xf32, #tpu.memory_space<vmem_shared>>)
    } else {
    }
    %mul3A_293 = arith.constant 20 : i32
    %mul3A_294 = arith.muli %add3A, %mul3A_293 : i32
    %add3A_295 = arith.constant 7 : i32
    %add3A_296 = arith.addi %mul3A_294, %add3A_295 : i32
    %mul3A_297 = arith.constant 160 : i32
    %mul3A_298 = arith.muli %add3A_296, %mul3A_297 : i32
    %add3A_299 = arith.constant 160 : i32
    %add3A_300 = arith.addi %mul3A_298, %add3A_299 : i32
    %le3A_301 = arith.constant 100000 : i32
    %le3A_302 = arith.cmpi sle, %add3A_300, %le3A_301 : i32
    %convert_element_type3A_303 = arith.extui %le3A_302 : i1 to i32
    %cond3A_304 = arith.constant 0 : i32
    %cond3A_305 = arith.cmpi ne, %convert_element_type3A_303, %cond3A_304 : i32
    scf.if %cond3A_305 {
      %mul3A_1080 = arith.constant 20 : i32
      %mul3A_1081 = arith.muli %add3A, %mul3A_1080 : i32
      %add3A_1082 = arith.constant 7 : i32
      %add3A_1083 = arith.addi %mul3A_1081, %add3A_1082 : i32
      %mul3A_1084 = arith.constant 160 : i32
      %mul3A_1085 = arith.muli %add3A_1083, %mul3A_1084 : i32
      %dma_start3A_1086 = arith.constant 0 : i32
      %dma_start3A_1087 = tpu.memref_slice %arg2[%mul3A_1085, %dma_start3A_1086] : memref<100000x128xf32, #tpu.memory_space<hbm>> -> memref<160x128xf32, #tpu.memory_space<hbm>>
      %dma_start3A_1088 = arith.constant 0 : i32
      %dma_start3A_1089 = tpu.memref_slice %arg2[%mul3A_1085, %dma_start3A_1088] : memref<100000x128xf32, #tpu.memory_space<hbm>> -> memref<160x128xf32, #tpu.memory_space<hbm>>
      tpu.enqueue_dma source(%dma_start3A_1089 : memref<160x128xf32, #tpu.memory_space<hbm>>) target(%arg11 : memref<160x128xf32, #tpu.memory_space<vmem>>) target_semaphore(%arg20 : memref<!tpu.dma_semaphore, #tpu.memory_space<semaphore_mem>>)
    } else {
    }
    %mul3A_306 = arith.constant 20 : i32
    %mul3A_307 = arith.muli %add3A, %mul3A_306 : i32
    %add3A_308 = arith.constant 5 : i32
    %add3A_309 = arith.addi %mul3A_307, %add3A_308 : i32
    %mul3A_310 = arith.constant 160 : i32
    %mul3A_311 = arith.muli %add3A_309, %mul3A_310 : i32
    %add3A_312 = arith.constant 160 : i32
    %add3A_313 = arith.addi %mul3A_311, %add3A_312 : i32
    %le3A_314 = arith.constant 100000 : i32
    %le3A_315 = arith.cmpi sle, %add3A_313, %le3A_314 : i32
    %convert_element_type3A_316 = arith.extui %le3A_315 : i1 to i32
    %cond3A_317 = arith.constant 0 : i32
    %cond3A_318 = arith.cmpi ne, %convert_element_type3A_316, %cond3A_317 : i32
    scf.if %cond3A_318 {
      %dma_start3A_1080 = arith.constant 800 : i32
      %dma_start3A_1081 = tpu.memref_slice %arg14[%dma_start3A_1080] : memref<3200xi32, #tpu.memory_space<vmem>> -> memref<160xi32, #tpu.memory_space<vmem>>
      %dma_start3A_1082 = arith.constant 0 : i32
      %dma_start3A_1083 = arith.constant 0 : i32
      %dma_start3A_1084 = tpu.memref_slice %arg16[%dma_start3A_1082, %dma_start3A_1083] : memref<513x128xf32, #tpu.memory_space<vmem_shared>> -> memref<513x128xf32, #tpu.memory_space<vmem_shared>>
      tpu.enqueue_indirect_dma source(%arg9 : memref<160x128xf32, #tpu.memory_space<vmem>>) target(%dma_start3A_1084 : memref<513x128xf32, #tpu.memory_space<vmem_shared>>) offsets(%dma_start3A_1081 : memref<160xi32, #tpu.memory_space<vmem>>) semaphore(%arg23 : memref<!tpu.dma_semaphore, #tpu.memory_space<semaphore_mem>>) {add = true}
      %dma_start3A_1085 = arith.constant 800 : i32
      %dma_start3A_1086 = tpu.memref_slice %arg14[%dma_start3A_1085] : memref<3200xi32, #tpu.memory_space<vmem>> -> memref<160xi32, #tpu.memory_space<vmem>>
      %dma_start3A_1087 = arith.constant 0 : i32
      %dma_start3A_1088 = arith.constant 0 : i32
      %dma_start3A_1089 = tpu.memref_slice %arg17[%dma_start3A_1087, %dma_start3A_1088] : memref<513x8xf32, #tpu.memory_space<vmem_shared>> -> memref<513x8xf32, #tpu.memory_space<vmem_shared>>
      tpu.enqueue_indirect_dma source(%arg15 : memref<160x8xf32, #tpu.memory_space<vmem>>) target(%dma_start3A_1089 : memref<513x8xf32, #tpu.memory_space<vmem_shared>>) offsets(%dma_start3A_1086 : memref<160xi32, #tpu.memory_space<vmem>>) semaphore(%arg28 : memref<!tpu.dma_semaphore, #tpu.memory_space<semaphore_mem>>) {add = true}
    } else {
    }
    %mul3A_319 = arith.constant 20 : i32
    %mul3A_320 = arith.muli %add3A, %mul3A_319 : i32
    %add3A_321 = arith.constant 6 : i32
    %add3A_322 = arith.addi %mul3A_320, %add3A_321 : i32
    %mul3A_323 = arith.constant 160 : i32
    %mul3A_324 = arith.muli %add3A_322, %mul3A_323 : i32
    %add3A_325 = arith.constant 160 : i32
    %add3A_326 = arith.addi %mul3A_324, %add3A_325 : i32
    %le3A_327 = arith.constant 100000 : i32
    %le3A_328 = arith.cmpi sle, %add3A_326, %le3A_327 : i32
    %convert_element_type3A_329 = arith.extui %le3A_328 : i1 to i32
    %cond3A_330 = arith.constant 0 : i32
    %cond3A_331 = arith.cmpi ne, %convert_element_type3A_329, %cond3A_330 : i32
    scf.if %cond3A_331 {
      %mul3A_1080 = arith.constant 20 : i32
      %mul3A_1081 = arith.muli %add3A, %mul3A_1080 : i32
      %add3A_1082 = arith.constant 6 : i32
      %add3A_1083 = arith.addi %mul3A_1081, %add3A_1082 : i32
      %mul3A_1084 = arith.constant 160 : i32
      %mul3A_1085 = arith.muli %add3A_1083, %mul3A_1084 : i32
      %dma_wait3A_1086 = arith.constant 0 : i32
      %dma_wait3A_1087 = tpu.memref_slice %arg2[%mul3A_1085, %dma_wait3A_1086] : memref<100000x128xf32, #tpu.memory_space<hbm>> -> memref<160x128xf32, #tpu.memory_space<hbm>>
      %dma_wait3A_1088 = arith.constant 0 : i32
      %dma_wait3A_1089 = tpu.memref_slice %arg2[%mul3A_1085, %dma_wait3A_1088] : memref<100000x128xf32, #tpu.memory_space<hbm>> -> memref<160x128xf32, #tpu.memory_space<hbm>>
      tpu.wait_dma2 semaphore(%arg19 : memref<!tpu.dma_semaphore, #tpu.memory_space<semaphore_mem>>) src(%dma_wait3A_1089 : memref<160x128xf32, #tpu.memory_space<hbm>>) dst(%arg10 : memref<160x128xf32, #tpu.memory_space<vmem>>)
    } else {
    }
    %mul3A_332 = arith.constant 20 : i32
    %mul3A_333 = arith.muli %add3A, %mul3A_332 : i32
    %add3A_334 = arith.constant 3 : i32
    %add3A_335 = arith.addi %mul3A_333, %add3A_334 : i32
    %mul3A_336 = arith.constant 160 : i32
    %mul3A_337 = arith.muli %add3A_335, %mul3A_336 : i32
    %add3A_338 = arith.constant 160 : i32
    %add3A_339 = arith.addi %mul3A_337, %add3A_338 : i32
    %le3A_340 = arith.constant 100000 : i32
    %le3A_341 = arith.cmpi sle, %add3A_339, %le3A_340 : i32
    %convert_element_type3A_342 = arith.extui %le3A_341 : i1 to i32
    %cond3A_343 = arith.constant 0 : i32
    %cond3A_344 = arith.cmpi ne, %convert_element_type3A_342, %cond3A_343 : i32
    scf.if %cond3A_344 {
      %dma_wait3A_1080 = arith.constant 480 : i32
      %dma_wait3A_1081 = tpu.memref_slice %arg14[%dma_wait3A_1080] : memref<3200xi32, #tpu.memory_space<vmem>> -> memref<160xi32, #tpu.memory_space<vmem>>
      %dma_wait3A_1082 = arith.constant 0 : i32
      %dma_wait3A_1083 = arith.constant 0 : i32
      %dma_wait3A_1084 = tpu.memref_slice %arg16[%dma_wait3A_1082, %dma_wait3A_1083] : memref<513x128xf32, #tpu.memory_space<vmem_shared>> -> memref<513x128xf32, #tpu.memory_space<vmem_shared>>
      tpu.wait_indirect_dma semaphore(%arg26 : memref<!tpu.dma_semaphore, #tpu.memory_space<semaphore_mem>>) src(%arg12 : memref<160x128xf32, #tpu.memory_space<vmem>>) dst(%dma_wait3A_1084 : memref<513x128xf32, #tpu.memory_space<vmem_shared>>)
      %dma_wait3A_1085 = arith.constant 480 : i32
      %dma_wait3A_1086 = tpu.memref_slice %arg14[%dma_wait3A_1085] : memref<3200xi32, #tpu.memory_space<vmem>> -> memref<160xi32, #tpu.memory_space<vmem>>
      %dma_wait3A_1087 = arith.constant 0 : i32
      %dma_wait3A_1088 = arith.constant 0 : i32
      %dma_wait3A_1089 = tpu.memref_slice %arg17[%dma_wait3A_1087, %dma_wait3A_1088] : memref<513x8xf32, #tpu.memory_space<vmem_shared>> -> memref<513x8xf32, #tpu.memory_space<vmem_shared>>
      tpu.wait_indirect_dma semaphore(%arg28 : memref<!tpu.dma_semaphore, #tpu.memory_space<semaphore_mem>>) src(%arg15 : memref<160x8xf32, #tpu.memory_space<vmem>>) dst(%dma_wait3A_1089 : memref<513x8xf32, #tpu.memory_space<vmem_shared>>)
    } else {
    }
    %mul3A_345 = arith.constant 20 : i32
    %mul3A_346 = arith.muli %add3A, %mul3A_345 : i32
    %add3A_347 = arith.constant 8 : i32
    %add3A_348 = arith.addi %mul3A_346, %add3A_347 : i32
    %mul3A_349 = arith.constant 160 : i32
    %mul3A_350 = arith.muli %add3A_348, %mul3A_349 : i32
    %add3A_351 = arith.constant 160 : i32
    %add3A_352 = arith.addi %mul3A_350, %add3A_351 : i32
    %le3A_353 = arith.constant 100000 : i32
    %le3A_354 = arith.cmpi sle, %add3A_352, %le3A_353 : i32
    %convert_element_type3A_355 = arith.extui %le3A_354 : i1 to i32
    %cond3A_356 = arith.constant 0 : i32
    %cond3A_357 = arith.cmpi ne, %convert_element_type3A_355, %cond3A_356 : i32
    scf.if %cond3A_357 {
      %mul3A_1080 = arith.constant 20 : i32
      %mul3A_1081 = arith.muli %add3A, %mul3A_1080 : i32
      %add3A_1082 = arith.constant 8 : i32
      %add3A_1083 = arith.addi %mul3A_1081, %add3A_1082 : i32
      %mul3A_1084 = arith.constant 160 : i32
      %mul3A_1085 = arith.muli %add3A_1083, %mul3A_1084 : i32
      %dma_start3A_1086 = arith.constant 0 : i32
      %dma_start3A_1087 = tpu.memref_slice %arg2[%mul3A_1085, %dma_start3A_1086] : memref<100000x128xf32, #tpu.memory_space<hbm>> -> memref<160x128xf32, #tpu.memory_space<hbm>>
      %dma_start3A_1088 = arith.constant 0 : i32
      %dma_start3A_1089 = tpu.memref_slice %arg2[%mul3A_1085, %dma_start3A_1088] : memref<100000x128xf32, #tpu.memory_space<hbm>> -> memref<160x128xf32, #tpu.memory_space<hbm>>
      tpu.enqueue_dma source(%dma_start3A_1089 : memref<160x128xf32, #tpu.memory_space<hbm>>) target(%arg12 : memref<160x128xf32, #tpu.memory_space<vmem>>) target_semaphore(%arg21 : memref<!tpu.dma_semaphore, #tpu.memory_space<semaphore_mem>>)
    } else {
    }
    %mul3A_358 = arith.constant 20 : i32
    %mul3A_359 = arith.muli %add3A, %mul3A_358 : i32
    %add3A_360 = arith.constant 6 : i32
    %add3A_361 = arith.addi %mul3A_359, %add3A_360 : i32
    %mul3A_362 = arith.constant 160 : i32
    %mul3A_363 = arith.muli %add3A_361, %mul3A_362 : i32
    %add3A_364 = arith.constant 160 : i32
    %add3A_365 = arith.addi %mul3A_363, %add3A_364 : i32
    %le3A_366 = arith.constant 100000 : i32
    %le3A_367 = arith.cmpi sle, %add3A_365, %le3A_366 : i32
    %convert_element_type3A_368 = arith.extui %le3A_367 : i1 to i32
    %cond3A_369 = arith.constant 0 : i32
    %cond3A_370 = arith.cmpi ne, %convert_element_type3A_368, %cond3A_369 : i32
    scf.if %cond3A_370 {
      %dma_start3A_1080 = arith.constant 960 : i32
      %dma_start3A_1081 = tpu.memref_slice %arg14[%dma_start3A_1080] : memref<3200xi32, #tpu.memory_space<vmem>> -> memref<160xi32, #tpu.memory_space<vmem>>
      %dma_start3A_1082 = arith.constant 0 : i32
      %dma_start3A_1083 = arith.constant 0 : i32
      %dma_start3A_1084 = tpu.memref_slice %arg16[%dma_start3A_1082, %dma_start3A_1083] : memref<513x128xf32, #tpu.memory_space<vmem_shared>> -> memref<513x128xf32, #tpu.memory_space<vmem_shared>>
      tpu.enqueue_indirect_dma source(%arg10 : memref<160x128xf32, #tpu.memory_space<vmem>>) target(%dma_start3A_1084 : memref<513x128xf32, #tpu.memory_space<vmem_shared>>) offsets(%dma_start3A_1081 : memref<160xi32, #tpu.memory_space<vmem>>) semaphore(%arg24 : memref<!tpu.dma_semaphore, #tpu.memory_space<semaphore_mem>>) {add = true}
      %dma_start3A_1085 = arith.constant 960 : i32
      %dma_start3A_1086 = tpu.memref_slice %arg14[%dma_start3A_1085] : memref<3200xi32, #tpu.memory_space<vmem>> -> memref<160xi32, #tpu.memory_space<vmem>>
      %dma_start3A_1087 = arith.constant 0 : i32
      %dma_start3A_1088 = arith.constant 0 : i32
      %dma_start3A_1089 = tpu.memref_slice %arg17[%dma_start3A_1087, %dma_start3A_1088] : memref<513x8xf32, #tpu.memory_space<vmem_shared>> -> memref<513x8xf32, #tpu.memory_space<vmem_shared>>
      tpu.enqueue_indirect_dma source(%arg15 : memref<160x8xf32, #tpu.memory_space<vmem>>) target(%dma_start3A_1089 : memref<513x8xf32, #tpu.memory_space<vmem_shared>>) offsets(%dma_start3A_1086 : memref<160xi32, #tpu.memory_space<vmem>>) semaphore(%arg28 : memref<!tpu.dma_semaphore, #tpu.memory_space<semaphore_mem>>) {add = true}
    } else {
    }
    %mul3A_371 = arith.constant 20 : i32
    %mul3A_372 = arith.muli %add3A, %mul3A_371 : i32
    %add3A_373 = arith.constant 7 : i32
    %add3A_374 = arith.addi %mul3A_372, %add3A_373 : i32
    %mul3A_375 = arith.constant 160 : i32
    %mul3A_376 = arith.muli %add3A_374, %mul3A_375 : i32
    %add3A_377 = arith.constant 160 : i32
    %add3A_378 = arith.addi %mul3A_376, %add3A_377 : i32
    %le3A_379 = arith.constant 100000 : i32
    %le3A_380 = arith.cmpi sle, %add3A_378, %le3A_379 : i32
    %convert_element_type3A_381 = arith.extui %le3A_380 : i1 to i32
    %cond3A_382 = arith.constant 0 : i32
    %cond3A_383 = arith.cmpi ne, %convert_element_type3A_381, %cond3A_382 : i32
    scf.if %cond3A_383 {
      %mul3A_1080 = arith.constant 20 : i32
      %mul3A_1081 = arith.muli %add3A, %mul3A_1080 : i32
      %add3A_1082 = arith.constant 7 : i32
      %add3A_1083 = arith.addi %mul3A_1081, %add3A_1082 : i32
      %mul3A_1084 = arith.constant 160 : i32
      %mul3A_1085 = arith.muli %add3A_1083, %mul3A_1084 : i32
      %dma_wait3A_1086 = arith.constant 0 : i32
      %dma_wait3A_1087 = tpu.memref_slice %arg2[%mul3A_1085, %dma_wait3A_1086] : memref<100000x128xf32, #tpu.memory_space<hbm>> -> memref<160x128xf32, #tpu.memory_space<hbm>>
      %dma_wait3A_1088 = arith.constant 0 : i32
      %dma_wait3A_1089 = tpu.memref_slice %arg2[%mul3A_1085, %dma_wait3A_1088] : memref<100000x128xf32, #tpu.memory_space<hbm>> -> memref<160x128xf32, #tpu.memory_space<hbm>>
      tpu.wait_dma2 semaphore(%arg20 : memref<!tpu.dma_semaphore, #tpu.memory_space<semaphore_mem>>) src(%dma_wait3A_1089 : memref<160x128xf32, #tpu.memory_space<hbm>>) dst(%arg11 : memref<160x128xf32, #tpu.memory_space<vmem>>)
    } else {
    }
    %mul3A_384 = arith.constant 20 : i32
    %mul3A_385 = arith.muli %add3A, %mul3A_384 : i32
    %add3A_386 = arith.constant 4 : i32
    %add3A_387 = arith.addi %mul3A_385, %add3A_386 : i32
    %mul3A_388 = arith.constant 160 : i32
    %mul3A_389 = arith.muli %add3A_387, %mul3A_388 : i32
    %add3A_390 = arith.constant 160 : i32
    %add3A_391 = arith.addi %mul3A_389, %add3A_390 : i32
    %le3A_392 = arith.constant 100000 : i32
    %le3A_393 = arith.cmpi sle, %add3A_391, %le3A_392 : i32
    %convert_element_type3A_394 = arith.extui %le3A_393 : i1 to i32
    %cond3A_395 = arith.constant 0 : i32
    %cond3A_396 = arith.cmpi ne, %convert_element_type3A_394, %cond3A_395 : i32
    scf.if %cond3A_396 {
      %dma_wait3A_1080 = arith.constant 640 : i32
      %dma_wait3A_1081 = tpu.memref_slice %arg14[%dma_wait3A_1080] : memref<3200xi32, #tpu.memory_space<vmem>> -> memref<160xi32, #tpu.memory_space<vmem>>
      %dma_wait3A_1082 = arith.constant 0 : i32
      %dma_wait3A_1083 = arith.constant 0 : i32
      %dma_wait3A_1084 = tpu.memref_slice %arg16[%dma_wait3A_1082, %dma_wait3A_1083] : memref<513x128xf32, #tpu.memory_space<vmem_shared>> -> memref<513x128xf32, #tpu.memory_space<vmem_shared>>
      tpu.wait_indirect_dma semaphore(%arg27 : memref<!tpu.dma_semaphore, #tpu.memory_space<semaphore_mem>>) src(%arg13 : memref<160x128xf32, #tpu.memory_space<vmem>>) dst(%dma_wait3A_1084 : memref<513x128xf32, #tpu.memory_space<vmem_shared>>)
      %dma_wait3A_1085 = arith.constant 640 : i32
      %dma_wait3A_1086 = tpu.memref_slice %arg14[%dma_wait3A_1085] : memref<3200xi32, #tpu.memory_space<vmem>> -> memref<160xi32, #tpu.memory_space<vmem>>
      %dma_wait3A_1087 = arith.constant 0 : i32
      %dma_wait3A_1088 = arith.constant 0 : i32
      %dma_wait3A_1089 = tpu.memref_slice %arg17[%dma_wait3A_1087, %dma_wait3A_1088] : memref<513x8xf32, #tpu.memory_space<vmem_shared>> -> memref<513x8xf32, #tpu.memory_space<vmem_shared>>
      tpu.wait_indirect_dma semaphore(%arg28 : memref<!tpu.dma_semaphore, #tpu.memory_space<semaphore_mem>>) src(%arg15 : memref<160x8xf32, #tpu.memory_space<vmem>>) dst(%dma_wait3A_1089 : memref<513x8xf32, #tpu.memory_space<vmem_shared>>)
    } else {
    }
    %mul3A_397 = arith.constant 20 : i32
    %mul3A_398 = arith.muli %add3A, %mul3A_397 : i32
    %add3A_399 = arith.constant 9 : i32
    %add3A_400 = arith.addi %mul3A_398, %add3A_399 : i32
    %mul3A_401 = arith.constant 160 : i32
    %mul3A_402 = arith.muli %add3A_400, %mul3A_401 : i32
    %add3A_403 = arith.constant 160 : i32
    %add3A_404 = arith.addi %mul3A_402, %add3A_403 : i32
    %le3A_405 = arith.constant 100000 : i32
    %le3A_406 = arith.cmpi sle, %add3A_404, %le3A_405 : i32
    %convert_element_type3A_407 = arith.extui %le3A_406 : i1 to i32
    %cond3A_408 = arith.constant 0 : i32
    %cond3A_409 = arith.cmpi ne, %convert_element_type3A_407, %cond3A_408 : i32
    scf.if %cond3A_409 {
      %mul3A_1080 = arith.constant 20 : i32
      %mul3A_1081 = arith.muli %add3A, %mul3A_1080 : i32
      %add3A_1082 = arith.constant 9 : i32
      %add3A_1083 = arith.addi %mul3A_1081, %add3A_1082 : i32
      %mul3A_1084 = arith.constant 160 : i32
      %mul3A_1085 = arith.muli %add3A_1083, %mul3A_1084 : i32
      %dma_start3A_1086 = arith.constant 0 : i32
      %dma_start3A_1087 = tpu.memref_slice %arg2[%mul3A_1085, %dma_start3A_1086] : memref<100000x128xf32, #tpu.memory_space<hbm>> -> memref<160x128xf32, #tpu.memory_space<hbm>>
      %dma_start3A_1088 = arith.constant 0 : i32
      %dma_start3A_1089 = tpu.memref_slice %arg2[%mul3A_1085, %dma_start3A_1088] : memref<100000x128xf32, #tpu.memory_space<hbm>> -> memref<160x128xf32, #tpu.memory_space<hbm>>
      tpu.enqueue_dma source(%dma_start3A_1089 : memref<160x128xf32, #tpu.memory_space<hbm>>) target(%arg13 : memref<160x128xf32, #tpu.memory_space<vmem>>) target_semaphore(%arg22 : memref<!tpu.dma_semaphore, #tpu.memory_space<semaphore_mem>>)
    } else {
    }
    %mul3A_410 = arith.constant 20 : i32
    %mul3A_411 = arith.muli %add3A, %mul3A_410 : i32
    %add3A_412 = arith.constant 7 : i32
    %add3A_413 = arith.addi %mul3A_411, %add3A_412 : i32
    %mul3A_414 = arith.constant 160 : i32
    %mul3A_415 = arith.muli %add3A_413, %mul3A_414 : i32
    %add3A_416 = arith.constant 160 : i32
    %add3A_417 = arith.addi %mul3A_415, %add3A_416 : i32
    %le3A_418 = arith.constant 100000 : i32
    %le3A_419 = arith.cmpi sle, %add3A_417, %le3A_418 : i32
    %convert_element_type3A_420 = arith.extui %le3A_419 : i1 to i32
    %cond3A_421 = arith.constant 0 : i32
    %cond3A_422 = arith.cmpi ne, %convert_element_type3A_420, %cond3A_421 : i32
    scf.if %cond3A_422 {
      %dma_start3A_1080 = arith.constant 1120 : i32
      %dma_start3A_1081 = tpu.memref_slice %arg14[%dma_start3A_1080] : memref<3200xi32, #tpu.memory_space<vmem>> -> memref<160xi32, #tpu.memory_space<vmem>>
      %dma_start3A_1082 = arith.constant 0 : i32
      %dma_start3A_1083 = arith.constant 0 : i32
      %dma_start3A_1084 = tpu.memref_slice %arg16[%dma_start3A_1082, %dma_start3A_1083] : memref<513x128xf32, #tpu.memory_space<vmem_shared>> -> memref<513x128xf32, #tpu.memory_space<vmem_shared>>
      tpu.enqueue_indirect_dma source(%arg11 : memref<160x128xf32, #tpu.memory_space<vmem>>) target(%dma_start3A_1084 : memref<513x128xf32, #tpu.memory_space<vmem_shared>>) offsets(%dma_start3A_1081 : memref<160xi32, #tpu.memory_space<vmem>>) semaphore(%arg25 : memref<!tpu.dma_semaphore, #tpu.memory_space<semaphore_mem>>) {add = true}
      %dma_start3A_1085 = arith.constant 1120 : i32
      %dma_start3A_1086 = tpu.memref_slice %arg14[%dma_start3A_1085] : memref<3200xi32, #tpu.memory_space<vmem>> -> memref<160xi32, #tpu.memory_space<vmem>>
      %dma_start3A_1087 = arith.constant 0 : i32
      %dma_start3A_1088 = arith.constant 0 : i32
      %dma_start3A_1089 = tpu.memref_slice %arg17[%dma_start3A_1087, %dma_start3A_1088] : memref<513x8xf32, #tpu.memory_space<vmem_shared>> -> memref<513x8xf32, #tpu.memory_space<vmem_shared>>
      tpu.enqueue_indirect_dma source(%arg15 : memref<160x8xf32, #tpu.memory_space<vmem>>) target(%dma_start3A_1089 : memref<513x8xf32, #tpu.memory_space<vmem_shared>>) offsets(%dma_start3A_1086 : memref<160xi32, #tpu.memory_space<vmem>>) semaphore(%arg28 : memref<!tpu.dma_semaphore, #tpu.memory_space<semaphore_mem>>) {add = true}
    } else {
    }
    %mul3A_423 = arith.constant 20 : i32
    %mul3A_424 = arith.muli %add3A, %mul3A_423 : i32
    %add3A_425 = arith.constant 8 : i32
    %add3A_426 = arith.addi %mul3A_424, %add3A_425 : i32
    %mul3A_427 = arith.constant 160 : i32
    %mul3A_428 = arith.muli %add3A_426, %mul3A_427 : i32
    %add3A_429 = arith.constant 160 : i32
    %add3A_430 = arith.addi %mul3A_428, %add3A_429 : i32
    %le3A_431 = arith.constant 100000 : i32
    %le3A_432 = arith.cmpi sle, %add3A_430, %le3A_431 : i32
    %convert_element_type3A_433 = arith.extui %le3A_432 : i1 to i32
    %cond3A_434 = arith.constant 0 : i32
    %cond3A_435 = arith.cmpi ne, %convert_element_type3A_433, %cond3A_434 : i32
    scf.if %cond3A_435 {
      %mul3A_1080 = arith.constant 20 : i32
      %mul3A_1081 = arith.muli %add3A, %mul3A_1080 : i32
      %add3A_1082 = arith.constant 8 : i32
      %add3A_1083 = arith.addi %mul3A_1081, %add3A_1082 : i32
      %mul3A_1084 = arith.constant 160 : i32
      %mul3A_1085 = arith.muli %add3A_1083, %mul3A_1084 : i32
      %dma_wait3A_1086 = arith.constant 0 : i32
      %dma_wait3A_1087 = tpu.memref_slice %arg2[%mul3A_1085, %dma_wait3A_1086] : memref<100000x128xf32, #tpu.memory_space<hbm>> -> memref<160x128xf32, #tpu.memory_space<hbm>>
      %dma_wait3A_1088 = arith.constant 0 : i32
      %dma_wait3A_1089 = tpu.memref_slice %arg2[%mul3A_1085, %dma_wait3A_1088] : memref<100000x128xf32, #tpu.memory_space<hbm>> -> memref<160x128xf32, #tpu.memory_space<hbm>>
      tpu.wait_dma2 semaphore(%arg21 : memref<!tpu.dma_semaphore, #tpu.memory_space<semaphore_mem>>) src(%dma_wait3A_1089 : memref<160x128xf32, #tpu.memory_space<hbm>>) dst(%arg12 : memref<160x128xf32, #tpu.memory_space<vmem>>)
    } else {
    }
    %mul3A_436 = arith.constant 20 : i32
    %mul3A_437 = arith.muli %add3A, %mul3A_436 : i32
    %add3A_438 = arith.constant 5 : i32
    %add3A_439 = arith.addi %mul3A_437, %add3A_438 : i32
    %mul3A_440 = arith.constant 160 : i32
    %mul3A_441 = arith.muli %add3A_439, %mul3A_440 : i32
    %add3A_442 = arith.constant 160 : i32
    %add3A_443 = arith.addi %mul3A_441, %add3A_442 : i32
    %le3A_444 = arith.constant 100000 : i32
    %le3A_445 = arith.cmpi sle, %add3A_443, %le3A_444 : i32
    %convert_element_type3A_446 = arith.extui %le3A_445 : i1 to i32
    %cond3A_447 = arith.constant 0 : i32
    %cond3A_448 = arith.cmpi ne, %convert_element_type3A_446, %cond3A_447 : i32
    scf.if %cond3A_448 {
      %dma_wait3A_1080 = arith.constant 800 : i32
      %dma_wait3A_1081 = tpu.memref_slice %arg14[%dma_wait3A_1080] : memref<3200xi32, #tpu.memory_space<vmem>> -> memref<160xi32, #tpu.memory_space<vmem>>
      %dma_wait3A_1082 = arith.constant 0 : i32
      %dma_wait3A_1083 = arith.constant 0 : i32
      %dma_wait3A_1084 = tpu.memref_slice %arg16[%dma_wait3A_1082, %dma_wait3A_1083] : memref<513x128xf32, #tpu.memory_space<vmem_shared>> -> memref<513x128xf32, #tpu.memory_space<vmem_shared>>
      tpu.wait_indirect_dma semaphore(%arg23 : memref<!tpu.dma_semaphore, #tpu.memory_space<semaphore_mem>>) src(%arg9 : memref<160x128xf32, #tpu.memory_space<vmem>>) dst(%dma_wait3A_1084 : memref<513x128xf32, #tpu.memory_space<vmem_shared>>)
      %dma_wait3A_1085 = arith.constant 800 : i32
      %dma_wait3A_1086 = tpu.memref_slice %arg14[%dma_wait3A_1085] : memref<3200xi32, #tpu.memory_space<vmem>> -> memref<160xi32, #tpu.memory_space<vmem>>
      %dma_wait3A_1087 = arith.constant 0 : i32
      %dma_wait3A_1088 = arith.constant 0 : i32
      %dma_wait3A_1089 = tpu.memref_slice %arg17[%dma_wait3A_1087, %dma_wait3A_1088] : memref<513x8xf32, #tpu.memory_space<vmem_shared>> -> memref<513x8xf32, #tpu.memory_space<vmem_shared>>
      tpu.wait_indirect_dma semaphore(%arg28 : memref<!tpu.dma_semaphore, #tpu.memory_space<semaphore_mem>>) src(%arg15 : memref<160x8xf32, #tpu.memory_space<vmem>>) dst(%dma_wait3A_1089 : memref<513x8xf32, #tpu.memory_space<vmem_shared>>)
    } else {
    }
    %mul3A_449 = arith.constant 20 : i32
    %mul3A_450 = arith.muli %add3A, %mul3A_449 : i32
    %add3A_451 = arith.constant 10 : i32
    %add3A_452 = arith.addi %mul3A_450, %add3A_451 : i32
    %mul3A_453 = arith.constant 160 : i32
    %mul3A_454 = arith.muli %add3A_452, %mul3A_453 : i32
    %add3A_455 = arith.constant 160 : i32
    %add3A_456 = arith.addi %mul3A_454, %add3A_455 : i32
    %le3A_457 = arith.constant 100000 : i32
    %le3A_458 = arith.cmpi sle, %add3A_456, %le3A_457 : i32
    %convert_element_type3A_459 = arith.extui %le3A_458 : i1 to i32
    %cond3A_460 = arith.constant 0 : i32
    %cond3A_461 = arith.cmpi ne, %convert_element_type3A_459, %cond3A_460 : i32
    scf.if %cond3A_461 {
      %mul3A_1080 = arith.constant 20 : i32
      %mul3A_1081 = arith.muli %add3A, %mul3A_1080 : i32
      %add3A_1082 = arith.constant 10 : i32
      %add3A_1083 = arith.addi %mul3A_1081, %add3A_1082 : i32
      %mul3A_1084 = arith.constant 160 : i32
      %mul3A_1085 = arith.muli %add3A_1083, %mul3A_1084 : i32
      %dma_start3A_1086 = arith.constant 0 : i32
      %dma_start3A_1087 = tpu.memref_slice %arg2[%mul3A_1085, %dma_start3A_1086] : memref<100000x128xf32, #tpu.memory_space<hbm>> -> memref<160x128xf32, #tpu.memory_space<hbm>>
      %dma_start3A_1088 = arith.constant 0 : i32
      %dma_start3A_1089 = tpu.memref_slice %arg2[%mul3A_1085, %dma_start3A_1088] : memref<100000x128xf32, #tpu.memory_space<hbm>> -> memref<160x128xf32, #tpu.memory_space<hbm>>
      tpu.enqueue_dma source(%dma_start3A_1089 : memref<160x128xf32, #tpu.memory_space<hbm>>) target(%arg9 : memref<160x128xf32, #tpu.memory_space<vmem>>) target_semaphore(%arg18 : memref<!tpu.dma_semaphore, #tpu.memory_space<semaphore_mem>>)
    } else {
    }
    %mul3A_462 = arith.constant 20 : i32
    %mul3A_463 = arith.muli %add3A, %mul3A_462 : i32
    %add3A_464 = arith.constant 8 : i32
    %add3A_465 = arith.addi %mul3A_463, %add3A_464 : i32
    %mul3A_466 = arith.constant 160 : i32
    %mul3A_467 = arith.muli %add3A_465, %mul3A_466 : i32
    %add3A_468 = arith.constant 160 : i32
    %add3A_469 = arith.addi %mul3A_467, %add3A_468 : i32
    %le3A_470 = arith.constant 100000 : i32
    %le3A_471 = arith.cmpi sle, %add3A_469, %le3A_470 : i32
    %convert_element_type3A_472 = arith.extui %le3A_471 : i1 to i32
    %cond3A_473 = arith.constant 0 : i32
    %cond3A_474 = arith.cmpi ne, %convert_element_type3A_472, %cond3A_473 : i32
    scf.if %cond3A_474 {
      %dma_start3A_1080 = arith.constant 1280 : i32
      %dma_start3A_1081 = tpu.memref_slice %arg14[%dma_start3A_1080] : memref<3200xi32, #tpu.memory_space<vmem>> -> memref<160xi32, #tpu.memory_space<vmem>>
      %dma_start3A_1082 = arith.constant 0 : i32
      %dma_start3A_1083 = arith.constant 0 : i32
      %dma_start3A_1084 = tpu.memref_slice %arg16[%dma_start3A_1082, %dma_start3A_1083] : memref<513x128xf32, #tpu.memory_space<vmem_shared>> -> memref<513x128xf32, #tpu.memory_space<vmem_shared>>
      tpu.enqueue_indirect_dma source(%arg12 : memref<160x128xf32, #tpu.memory_space<vmem>>) target(%dma_start3A_1084 : memref<513x128xf32, #tpu.memory_space<vmem_shared>>) offsets(%dma_start3A_1081 : memref<160xi32, #tpu.memory_space<vmem>>) semaphore(%arg26 : memref<!tpu.dma_semaphore, #tpu.memory_space<semaphore_mem>>) {add = true}
      %dma_start3A_1085 = arith.constant 1280 : i32
      %dma_start3A_1086 = tpu.memref_slice %arg14[%dma_start3A_1085] : memref<3200xi32, #tpu.memory_space<vmem>> -> memref<160xi32, #tpu.memory_space<vmem>>
      %dma_start3A_1087 = arith.constant 0 : i32
      %dma_start3A_1088 = arith.constant 0 : i32
      %dma_start3A_1089 = tpu.memref_slice %arg17[%dma_start3A_1087, %dma_start3A_1088] : memref<513x8xf32, #tpu.memory_space<vmem_shared>> -> memref<513x8xf32, #tpu.memory_space<vmem_shared>>
      tpu.enqueue_indirect_dma source(%arg15 : memref<160x8xf32, #tpu.memory_space<vmem>>) target(%dma_start3A_1089 : memref<513x8xf32, #tpu.memory_space<vmem_shared>>) offsets(%dma_start3A_1086 : memref<160xi32, #tpu.memory_space<vmem>>) semaphore(%arg28 : memref<!tpu.dma_semaphore, #tpu.memory_space<semaphore_mem>>) {add = true}
    } else {
    }
    %mul3A_475 = arith.constant 20 : i32
    %mul3A_476 = arith.muli %add3A, %mul3A_475 : i32
    %add3A_477 = arith.constant 9 : i32
    %add3A_478 = arith.addi %mul3A_476, %add3A_477 : i32
    %mul3A_479 = arith.constant 160 : i32
    %mul3A_480 = arith.muli %add3A_478, %mul3A_479 : i32
    %add3A_481 = arith.constant 160 : i32
    %add3A_482 = arith.addi %mul3A_480, %add3A_481 : i32
    %le3A_483 = arith.constant 100000 : i32
    %le3A_484 = arith.cmpi sle, %add3A_482, %le3A_483 : i32
    %convert_element_type3A_485 = arith.extui %le3A_484 : i1 to i32
    %cond3A_486 = arith.constant 0 : i32
    %cond3A_487 = arith.cmpi ne, %convert_element_type3A_485, %cond3A_486 : i32
    scf.if %cond3A_487 {
      %mul3A_1080 = arith.constant 20 : i32
      %mul3A_1081 = arith.muli %add3A, %mul3A_1080 : i32
      %add3A_1082 = arith.constant 9 : i32
      %add3A_1083 = arith.addi %mul3A_1081, %add3A_1082 : i32
      %mul3A_1084 = arith.constant 160 : i32
      %mul3A_1085 = arith.muli %add3A_1083, %mul3A_1084 : i32
      %dma_wait3A_1086 = arith.constant 0 : i32
      %dma_wait3A_1087 = tpu.memref_slice %arg2[%mul3A_1085, %dma_wait3A_1086] : memref<100000x128xf32, #tpu.memory_space<hbm>> -> memref<160x128xf32, #tpu.memory_space<hbm>>
      %dma_wait3A_1088 = arith.constant 0 : i32
      %dma_wait3A_1089 = tpu.memref_slice %arg2[%mul3A_1085, %dma_wait3A_1088] : memref<100000x128xf32, #tpu.memory_space<hbm>> -> memref<160x128xf32, #tpu.memory_space<hbm>>
      tpu.wait_dma2 semaphore(%arg22 : memref<!tpu.dma_semaphore, #tpu.memory_space<semaphore_mem>>) src(%dma_wait3A_1089 : memref<160x128xf32, #tpu.memory_space<hbm>>) dst(%arg13 : memref<160x128xf32, #tpu.memory_space<vmem>>)
    } else {
    }
    %mul3A_488 = arith.constant 20 : i32
    %mul3A_489 = arith.muli %add3A, %mul3A_488 : i32
    %add3A_490 = arith.constant 6 : i32
    %add3A_491 = arith.addi %mul3A_489, %add3A_490 : i32
    %mul3A_492 = arith.constant 160 : i32
    %mul3A_493 = arith.muli %add3A_491, %mul3A_492 : i32
    %add3A_494 = arith.constant 160 : i32
    %add3A_495 = arith.addi %mul3A_493, %add3A_494 : i32
    %le3A_496 = arith.constant 100000 : i32
    %le3A_497 = arith.cmpi sle, %add3A_495, %le3A_496 : i32
    %convert_element_type3A_498 = arith.extui %le3A_497 : i1 to i32
    %cond3A_499 = arith.constant 0 : i32
    %cond3A_500 = arith.cmpi ne, %convert_element_type3A_498, %cond3A_499 : i32
    scf.if %cond3A_500 {
      %dma_wait3A_1080 = arith.constant 960 : i32
      %dma_wait3A_1081 = tpu.memref_slice %arg14[%dma_wait3A_1080] : memref<3200xi32, #tpu.memory_space<vmem>> -> memref<160xi32, #tpu.memory_space<vmem>>
      %dma_wait3A_1082 = arith.constant 0 : i32
      %dma_wait3A_1083 = arith.constant 0 : i32
      %dma_wait3A_1084 = tpu.memref_slice %arg16[%dma_wait3A_1082, %dma_wait3A_1083] : memref<513x128xf32, #tpu.memory_space<vmem_shared>> -> memref<513x128xf32, #tpu.memory_space<vmem_shared>>
      tpu.wait_indirect_dma semaphore(%arg24 : memref<!tpu.dma_semaphore, #tpu.memory_space<semaphore_mem>>) src(%arg10 : memref<160x128xf32, #tpu.memory_space<vmem>>) dst(%dma_wait3A_1084 : memref<513x128xf32, #tpu.memory_space<vmem_shared>>)
      %dma_wait3A_1085 = arith.constant 960 : i32
      %dma_wait3A_1086 = tpu.memref_slice %arg14[%dma_wait3A_1085] : memref<3200xi32, #tpu.memory_space<vmem>> -> memref<160xi32, #tpu.memory_space<vmem>>
      %dma_wait3A_1087 = arith.constant 0 : i32
      %dma_wait3A_1088 = arith.constant 0 : i32
      %dma_wait3A_1089 = tpu.memref_slice %arg17[%dma_wait3A_1087, %dma_wait3A_1088] : memref<513x8xf32, #tpu.memory_space<vmem_shared>> -> memref<513x8xf32, #tpu.memory_space<vmem_shared>>
      tpu.wait_indirect_dma semaphore(%arg28 : memref<!tpu.dma_semaphore, #tpu.memory_space<semaphore_mem>>) src(%arg15 : memref<160x8xf32, #tpu.memory_space<vmem>>) dst(%dma_wait3A_1089 : memref<513x8xf32, #tpu.memory_space<vmem_shared>>)
    } else {
    }
    %mul3A_501 = arith.constant 20 : i32
    %mul3A_502 = arith.muli %add3A, %mul3A_501 : i32
    %add3A_503 = arith.constant 11 : i32
    %add3A_504 = arith.addi %mul3A_502, %add3A_503 : i32
    %mul3A_505 = arith.constant 160 : i32
    %mul3A_506 = arith.muli %add3A_504, %mul3A_505 : i32
    %add3A_507 = arith.constant 160 : i32
    %add3A_508 = arith.addi %mul3A_506, %add3A_507 : i32
    %le3A_509 = arith.constant 100000 : i32
    %le3A_510 = arith.cmpi sle, %add3A_508, %le3A_509 : i32
    %convert_element_type3A_511 = arith.extui %le3A_510 : i1 to i32
    %cond3A_512 = arith.constant 0 : i32
    %cond3A_513 = arith.cmpi ne, %convert_element_type3A_511, %cond3A_512 : i32
    scf.if %cond3A_513 {
      %mul3A_1080 = arith.constant 20 : i32
      %mul3A_1081 = arith.muli %add3A, %mul3A_1080 : i32
      %add3A_1082 = arith.constant 11 : i32
      %add3A_1083 = arith.addi %mul3A_1081, %add3A_1082 : i32
      %mul3A_1084 = arith.constant 160 : i32
      %mul3A_1085 = arith.muli %add3A_1083, %mul3A_1084 : i32
      %dma_start3A_1086 = arith.constant 0 : i32
      %dma_start3A_1087 = tpu.memref_slice %arg2[%mul3A_1085, %dma_start3A_1086] : memref<100000x128xf32, #tpu.memory_space<hbm>> -> memref<160x128xf32, #tpu.memory_space<hbm>>
      %dma_start3A_1088 = arith.constant 0 : i32
      %dma_start3A_1089 = tpu.memref_slice %arg2[%mul3A_1085, %dma_start3A_1088] : memref<100000x128xf32, #tpu.memory_space<hbm>> -> memref<160x128xf32, #tpu.memory_space<hbm>>
      tpu.enqueue_dma source(%dma_start3A_1089 : memref<160x128xf32, #tpu.memory_space<hbm>>) target(%arg10 : memref<160x128xf32, #tpu.memory_space<vmem>>) target_semaphore(%arg19 : memref<!tpu.dma_semaphore, #tpu.memory_space<semaphore_mem>>)
    } else {
    }
    %mul3A_514 = arith.constant 20 : i32
    %mul3A_515 = arith.muli %add3A, %mul3A_514 : i32
    %add3A_516 = arith.constant 9 : i32
    %add3A_517 = arith.addi %mul3A_515, %add3A_516 : i32
    %mul3A_518 = arith.constant 160 : i32
    %mul3A_519 = arith.muli %add3A_517, %mul3A_518 : i32
    %add3A_520 = arith.constant 160 : i32
    %add3A_521 = arith.addi %mul3A_519, %add3A_520 : i32
    %le3A_522 = arith.constant 100000 : i32
    %le3A_523 = arith.cmpi sle, %add3A_521, %le3A_522 : i32
    %convert_element_type3A_524 = arith.extui %le3A_523 : i1 to i32
    %cond3A_525 = arith.constant 0 : i32
    %cond3A_526 = arith.cmpi ne, %convert_element_type3A_524, %cond3A_525 : i32
    scf.if %cond3A_526 {
      %dma_start3A_1080 = arith.constant 1440 : i32
      %dma_start3A_1081 = tpu.memref_slice %arg14[%dma_start3A_1080] : memref<3200xi32, #tpu.memory_space<vmem>> -> memref<160xi32, #tpu.memory_space<vmem>>
      %dma_start3A_1082 = arith.constant 0 : i32
      %dma_start3A_1083 = arith.constant 0 : i32
      %dma_start3A_1084 = tpu.memref_slice %arg16[%dma_start3A_1082, %dma_start3A_1083] : memref<513x128xf32, #tpu.memory_space<vmem_shared>> -> memref<513x128xf32, #tpu.memory_space<vmem_shared>>
      tpu.enqueue_indirect_dma source(%arg13 : memref<160x128xf32, #tpu.memory_space<vmem>>) target(%dma_start3A_1084 : memref<513x128xf32, #tpu.memory_space<vmem_shared>>) offsets(%dma_start3A_1081 : memref<160xi32, #tpu.memory_space<vmem>>) semaphore(%arg27 : memref<!tpu.dma_semaphore, #tpu.memory_space<semaphore_mem>>) {add = true}
      %dma_start3A_1085 = arith.constant 1440 : i32
      %dma_start3A_1086 = tpu.memref_slice %arg14[%dma_start3A_1085] : memref<3200xi32, #tpu.memory_space<vmem>> -> memref<160xi32, #tpu.memory_space<vmem>>
      %dma_start3A_1087 = arith.constant 0 : i32
      %dma_start3A_1088 = arith.constant 0 : i32
      %dma_start3A_1089 = tpu.memref_slice %arg17[%dma_start3A_1087, %dma_start3A_1088] : memref<513x8xf32, #tpu.memory_space<vmem_shared>> -> memref<513x8xf32, #tpu.memory_space<vmem_shared>>
      tpu.enqueue_indirect_dma source(%arg15 : memref<160x8xf32, #tpu.memory_space<vmem>>) target(%dma_start3A_1089 : memref<513x8xf32, #tpu.memory_space<vmem_shared>>) offsets(%dma_start3A_1086 : memref<160xi32, #tpu.memory_space<vmem>>) semaphore(%arg28 : memref<!tpu.dma_semaphore, #tpu.memory_space<semaphore_mem>>) {add = true}
    } else {
    }
    %mul3A_527 = arith.constant 20 : i32
    %mul3A_528 = arith.muli %add3A, %mul3A_527 : i32
    %add3A_529 = arith.constant 10 : i32
    %add3A_530 = arith.addi %mul3A_528, %add3A_529 : i32
    %mul3A_531 = arith.constant 160 : i32
    %mul3A_532 = arith.muli %add3A_530, %mul3A_531 : i32
    %add3A_533 = arith.constant 160 : i32
    %add3A_534 = arith.addi %mul3A_532, %add3A_533 : i32
    %le3A_535 = arith.constant 100000 : i32
    %le3A_536 = arith.cmpi sle, %add3A_534, %le3A_535 : i32
    %convert_element_type3A_537 = arith.extui %le3A_536 : i1 to i32
    %cond3A_538 = arith.constant 0 : i32
    %cond3A_539 = arith.cmpi ne, %convert_element_type3A_537, %cond3A_538 : i32
    scf.if %cond3A_539 {
      %mul3A_1080 = arith.constant 20 : i32
      %mul3A_1081 = arith.muli %add3A, %mul3A_1080 : i32
      %add3A_1082 = arith.constant 10 : i32
      %add3A_1083 = arith.addi %mul3A_1081, %add3A_1082 : i32
      %mul3A_1084 = arith.constant 160 : i32
      %mul3A_1085 = arith.muli %add3A_1083, %mul3A_1084 : i32
      %dma_wait3A_1086 = arith.constant 0 : i32
      %dma_wait3A_1087 = tpu.memref_slice %arg2[%mul3A_1085, %dma_wait3A_1086] : memref<100000x128xf32, #tpu.memory_space<hbm>> -> memref<160x128xf32, #tpu.memory_space<hbm>>
      %dma_wait3A_1088 = arith.constant 0 : i32
      %dma_wait3A_1089 = tpu.memref_slice %arg2[%mul3A_1085, %dma_wait3A_1088] : memref<100000x128xf32, #tpu.memory_space<hbm>> -> memref<160x128xf32, #tpu.memory_space<hbm>>
      tpu.wait_dma2 semaphore(%arg18 : memref<!tpu.dma_semaphore, #tpu.memory_space<semaphore_mem>>) src(%dma_wait3A_1089 : memref<160x128xf32, #tpu.memory_space<hbm>>) dst(%arg9 : memref<160x128xf32, #tpu.memory_space<vmem>>)
    } else {
    }
    %mul3A_540 = arith.constant 20 : i32
    %mul3A_541 = arith.muli %add3A, %mul3A_540 : i32
    %add3A_542 = arith.constant 7 : i32
    %add3A_543 = arith.addi %mul3A_541, %add3A_542 : i32
    %mul3A_544 = arith.constant 160 : i32
    %mul3A_545 = arith.muli %add3A_543, %mul3A_544 : i32
    %add3A_546 = arith.constant 160 : i32
    %add3A_547 = arith.addi %mul3A_545, %add3A_546 : i32
    %le3A_548 = arith.constant 100000 : i32
    %le3A_549 = arith.cmpi sle, %add3A_547, %le3A_548 : i32
    %convert_element_type3A_550 = arith.extui %le3A_549 : i1 to i32
    %cond3A_551 = arith.constant 0 : i32
    %cond3A_552 = arith.cmpi ne, %convert_element_type3A_550, %cond3A_551 : i32
    scf.if %cond3A_552 {
      %dma_wait3A_1080 = arith.constant 1120 : i32
      %dma_wait3A_1081 = tpu.memref_slice %arg14[%dma_wait3A_1080] : memref<3200xi32, #tpu.memory_space<vmem>> -> memref<160xi32, #tpu.memory_space<vmem>>
      %dma_wait3A_1082 = arith.constant 0 : i32
      %dma_wait3A_1083 = arith.constant 0 : i32
      %dma_wait3A_1084 = tpu.memref_slice %arg16[%dma_wait3A_1082, %dma_wait3A_1083] : memref<513x128xf32, #tpu.memory_space<vmem_shared>> -> memref<513x128xf32, #tpu.memory_space<vmem_shared>>
      tpu.wait_indirect_dma semaphore(%arg25 : memref<!tpu.dma_semaphore, #tpu.memory_space<semaphore_mem>>) src(%arg11 : memref<160x128xf32, #tpu.memory_space<vmem>>) dst(%dma_wait3A_1084 : memref<513x128xf32, #tpu.memory_space<vmem_shared>>)
      %dma_wait3A_1085 = arith.constant 1120 : i32
      %dma_wait3A_1086 = tpu.memref_slice %arg14[%dma_wait3A_1085] : memref<3200xi32, #tpu.memory_space<vmem>> -> memref<160xi32, #tpu.memory_space<vmem>>
      %dma_wait3A_1087 = arith.constant 0 : i32
      %dma_wait3A_1088 = arith.constant 0 : i32
      %dma_wait3A_1089 = tpu.memref_slice %arg17[%dma_wait3A_1087, %dma_wait3A_1088] : memref<513x8xf32, #tpu.memory_space<vmem_shared>> -> memref<513x8xf32, #tpu.memory_space<vmem_shared>>
      tpu.wait_indirect_dma semaphore(%arg28 : memref<!tpu.dma_semaphore, #tpu.memory_space<semaphore_mem>>) src(%arg15 : memref<160x8xf32, #tpu.memory_space<vmem>>) dst(%dma_wait3A_1089 : memref<513x8xf32, #tpu.memory_space<vmem_shared>>)
    } else {
    }
    %mul3A_553 = arith.constant 20 : i32
    %mul3A_554 = arith.muli %add3A, %mul3A_553 : i32
    %add3A_555 = arith.constant 12 : i32
    %add3A_556 = arith.addi %mul3A_554, %add3A_555 : i32
    %mul3A_557 = arith.constant 160 : i32
    %mul3A_558 = arith.muli %add3A_556, %mul3A_557 : i32
    %add3A_559 = arith.constant 160 : i32
    %add3A_560 = arith.addi %mul3A_558, %add3A_559 : i32
    %le3A_561 = arith.constant 100000 : i32
    %le3A_562 = arith.cmpi sle, %add3A_560, %le3A_561 : i32
    %convert_element_type3A_563 = arith.extui %le3A_562 : i1 to i32
    %cond3A_564 = arith.constant 0 : i32
    %cond3A_565 = arith.cmpi ne, %convert_element_type3A_563, %cond3A_564 : i32
    scf.if %cond3A_565 {
      %mul3A_1080 = arith.constant 20 : i32
      %mul3A_1081 = arith.muli %add3A, %mul3A_1080 : i32
      %add3A_1082 = arith.constant 12 : i32
      %add3A_1083 = arith.addi %mul3A_1081, %add3A_1082 : i32
      %mul3A_1084 = arith.constant 160 : i32
      %mul3A_1085 = arith.muli %add3A_1083, %mul3A_1084 : i32
      %dma_start3A_1086 = arith.constant 0 : i32
      %dma_start3A_1087 = tpu.memref_slice %arg2[%mul3A_1085, %dma_start3A_1086] : memref<100000x128xf32, #tpu.memory_space<hbm>> -> memref<160x128xf32, #tpu.memory_space<hbm>>
      %dma_start3A_1088 = arith.constant 0 : i32
      %dma_start3A_1089 = tpu.memref_slice %arg2[%mul3A_1085, %dma_start3A_1088] : memref<100000x128xf32, #tpu.memory_space<hbm>> -> memref<160x128xf32, #tpu.memory_space<hbm>>
      tpu.enqueue_dma source(%dma_start3A_1089 : memref<160x128xf32, #tpu.memory_space<hbm>>) target(%arg11 : memref<160x128xf32, #tpu.memory_space<vmem>>) target_semaphore(%arg20 : memref<!tpu.dma_semaphore, #tpu.memory_space<semaphore_mem>>)
    } else {
    }
    %mul3A_566 = arith.constant 20 : i32
    %mul3A_567 = arith.muli %add3A, %mul3A_566 : i32
    %add3A_568 = arith.constant 10 : i32
    %add3A_569 = arith.addi %mul3A_567, %add3A_568 : i32
    %mul3A_570 = arith.constant 160 : i32
    %mul3A_571 = arith.muli %add3A_569, %mul3A_570 : i32
    %add3A_572 = arith.constant 160 : i32
    %add3A_573 = arith.addi %mul3A_571, %add3A_572 : i32
    %le3A_574 = arith.constant 100000 : i32
    %le3A_575 = arith.cmpi sle, %add3A_573, %le3A_574 : i32
    %convert_element_type3A_576 = arith.extui %le3A_575 : i1 to i32
    %cond3A_577 = arith.constant 0 : i32
    %cond3A_578 = arith.cmpi ne, %convert_element_type3A_576, %cond3A_577 : i32
    scf.if %cond3A_578 {
      %dma_start3A_1080 = arith.constant 1600 : i32
      %dma_start3A_1081 = tpu.memref_slice %arg14[%dma_start3A_1080] : memref<3200xi32, #tpu.memory_space<vmem>> -> memref<160xi32, #tpu.memory_space<vmem>>
      %dma_start3A_1082 = arith.constant 0 : i32
      %dma_start3A_1083 = arith.constant 0 : i32
      %dma_start3A_1084 = tpu.memref_slice %arg16[%dma_start3A_1082, %dma_start3A_1083] : memref<513x128xf32, #tpu.memory_space<vmem_shared>> -> memref<513x128xf32, #tpu.memory_space<vmem_shared>>
      tpu.enqueue_indirect_dma source(%arg9 : memref<160x128xf32, #tpu.memory_space<vmem>>) target(%dma_start3A_1084 : memref<513x128xf32, #tpu.memory_space<vmem_shared>>) offsets(%dma_start3A_1081 : memref<160xi32, #tpu.memory_space<vmem>>) semaphore(%arg23 : memref<!tpu.dma_semaphore, #tpu.memory_space<semaphore_mem>>) {add = true}
      %dma_start3A_1085 = arith.constant 1600 : i32
      %dma_start3A_1086 = tpu.memref_slice %arg14[%dma_start3A_1085] : memref<3200xi32, #tpu.memory_space<vmem>> -> memref<160xi32, #tpu.memory_space<vmem>>
      %dma_start3A_1087 = arith.constant 0 : i32
      %dma_start3A_1088 = arith.constant 0 : i32
      %dma_start3A_1089 = tpu.memref_slice %arg17[%dma_start3A_1087, %dma_start3A_1088] : memref<513x8xf32, #tpu.memory_space<vmem_shared>> -> memref<513x8xf32, #tpu.memory_space<vmem_shared>>
      tpu.enqueue_indirect_dma source(%arg15 : memref<160x8xf32, #tpu.memory_space<vmem>>) target(%dma_start3A_1089 : memref<513x8xf32, #tpu.memory_space<vmem_shared>>) offsets(%dma_start3A_1086 : memref<160xi32, #tpu.memory_space<vmem>>) semaphore(%arg28 : memref<!tpu.dma_semaphore, #tpu.memory_space<semaphore_mem>>) {add = true}
    } else {
    }
    %mul3A_579 = arith.constant 20 : i32
    %mul3A_580 = arith.muli %add3A, %mul3A_579 : i32
    %add3A_581 = arith.constant 11 : i32
    %add3A_582 = arith.addi %mul3A_580, %add3A_581 : i32
    %mul3A_583 = arith.constant 160 : i32
    %mul3A_584 = arith.muli %add3A_582, %mul3A_583 : i32
    %add3A_585 = arith.constant 160 : i32
    %add3A_586 = arith.addi %mul3A_584, %add3A_585 : i32
    %le3A_587 = arith.constant 100000 : i32
    %le3A_588 = arith.cmpi sle, %add3A_586, %le3A_587 : i32
    %convert_element_type3A_589 = arith.extui %le3A_588 : i1 to i32
    %cond3A_590 = arith.constant 0 : i32
    %cond3A_591 = arith.cmpi ne, %convert_element_type3A_589, %cond3A_590 : i32
    scf.if %cond3A_591 {
      %mul3A_1080 = arith.constant 20 : i32
      %mul3A_1081 = arith.muli %add3A, %mul3A_1080 : i32
      %add3A_1082 = arith.constant 11 : i32
      %add3A_1083 = arith.addi %mul3A_1081, %add3A_1082 : i32
      %mul3A_1084 = arith.constant 160 : i32
      %mul3A_1085 = arith.muli %add3A_1083, %mul3A_1084 : i32
      %dma_wait3A_1086 = arith.constant 0 : i32
      %dma_wait3A_1087 = tpu.memref_slice %arg2[%mul3A_1085, %dma_wait3A_1086] : memref<100000x128xf32, #tpu.memory_space<hbm>> -> memref<160x128xf32, #tpu.memory_space<hbm>>
      %dma_wait3A_1088 = arith.constant 0 : i32
      %dma_wait3A_1089 = tpu.memref_slice %arg2[%mul3A_1085, %dma_wait3A_1088] : memref<100000x128xf32, #tpu.memory_space<hbm>> -> memref<160x128xf32, #tpu.memory_space<hbm>>
      tpu.wait_dma2 semaphore(%arg19 : memref<!tpu.dma_semaphore, #tpu.memory_space<semaphore_mem>>) src(%dma_wait3A_1089 : memref<160x128xf32, #tpu.memory_space<hbm>>) dst(%arg10 : memref<160x128xf32, #tpu.memory_space<vmem>>)
    } else {
    }
    %mul3A_592 = arith.constant 20 : i32
    %mul3A_593 = arith.muli %add3A, %mul3A_592 : i32
    %add3A_594 = arith.constant 8 : i32
    %add3A_595 = arith.addi %mul3A_593, %add3A_594 : i32
    %mul3A_596 = arith.constant 160 : i32
    %mul3A_597 = arith.muli %add3A_595, %mul3A_596 : i32
    %add3A_598 = arith.constant 160 : i32
    %add3A_599 = arith.addi %mul3A_597, %add3A_598 : i32
    %le3A_600 = arith.constant 100000 : i32
    %le3A_601 = arith.cmpi sle, %add3A_599, %le3A_600 : i32
    %convert_element_type3A_602 = arith.extui %le3A_601 : i1 to i32
    %cond3A_603 = arith.constant 0 : i32
    %cond3A_604 = arith.cmpi ne, %convert_element_type3A_602, %cond3A_603 : i32
    scf.if %cond3A_604 {
      %dma_wait3A_1080 = arith.constant 1280 : i32
      %dma_wait3A_1081 = tpu.memref_slice %arg14[%dma_wait3A_1080] : memref<3200xi32, #tpu.memory_space<vmem>> -> memref<160xi32, #tpu.memory_space<vmem>>
      %dma_wait3A_1082 = arith.constant 0 : i32
      %dma_wait3A_1083 = arith.constant 0 : i32
      %dma_wait3A_1084 = tpu.memref_slice %arg16[%dma_wait3A_1082, %dma_wait3A_1083] : memref<513x128xf32, #tpu.memory_space<vmem_shared>> -> memref<513x128xf32, #tpu.memory_space<vmem_shared>>
      tpu.wait_indirect_dma semaphore(%arg26 : memref<!tpu.dma_semaphore, #tpu.memory_space<semaphore_mem>>) src(%arg12 : memref<160x128xf32, #tpu.memory_space<vmem>>) dst(%dma_wait3A_1084 : memref<513x128xf32, #tpu.memory_space<vmem_shared>>)
      %dma_wait3A_1085 = arith.constant 1280 : i32
      %dma_wait3A_1086 = tpu.memref_slice %arg14[%dma_wait3A_1085] : memref<3200xi32, #tpu.memory_space<vmem>> -> memref<160xi32, #tpu.memory_space<vmem>>
      %dma_wait3A_1087 = arith.constant 0 : i32
      %dma_wait3A_1088 = arith.constant 0 : i32
      %dma_wait3A_1089 = tpu.memref_slice %arg17[%dma_wait3A_1087, %dma_wait3A_1088] : memref<513x8xf32, #tpu.memory_space<vmem_shared>> -> memref<513x8xf32, #tpu.memory_space<vmem_shared>>
      tpu.wait_indirect_dma semaphore(%arg28 : memref<!tpu.dma_semaphore, #tpu.memory_space<semaphore_mem>>) src(%arg15 : memref<160x8xf32, #tpu.memory_space<vmem>>) dst(%dma_wait3A_1089 : memref<513x8xf32, #tpu.memory_space<vmem_shared>>)
    } else {
    }
    %mul3A_605 = arith.constant 20 : i32
    %mul3A_606 = arith.muli %add3A, %mul3A_605 : i32
    %add3A_607 = arith.constant 13 : i32
    %add3A_608 = arith.addi %mul3A_606, %add3A_607 : i32
    %mul3A_609 = arith.constant 160 : i32
    %mul3A_610 = arith.muli %add3A_608, %mul3A_609 : i32
    %add3A_611 = arith.constant 160 : i32
    %add3A_612 = arith.addi %mul3A_610, %add3A_611 : i32
    %le3A_613 = arith.constant 100000 : i32
    %le3A_614 = arith.cmpi sle, %add3A_612, %le3A_613 : i32
    %convert_element_type3A_615 = arith.extui %le3A_614 : i1 to i32
    %cond3A_616 = arith.constant 0 : i32
    %cond3A_617 = arith.cmpi ne, %convert_element_type3A_615, %cond3A_616 : i32
    scf.if %cond3A_617 {
      %mul3A_1080 = arith.constant 20 : i32
      %mul3A_1081 = arith.muli %add3A, %mul3A_1080 : i32
      %add3A_1082 = arith.constant 13 : i32
      %add3A_1083 = arith.addi %mul3A_1081, %add3A_1082 : i32
      %mul3A_1084 = arith.constant 160 : i32
      %mul3A_1085 = arith.muli %add3A_1083, %mul3A_1084 : i32
      %dma_start3A_1086 = arith.constant 0 : i32
      %dma_start3A_1087 = tpu.memref_slice %arg2[%mul3A_1085, %dma_start3A_1086] : memref<100000x128xf32, #tpu.memory_space<hbm>> -> memref<160x128xf32, #tpu.memory_space<hbm>>
      %dma_start3A_1088 = arith.constant 0 : i32
      %dma_start3A_1089 = tpu.memref_slice %arg2[%mul3A_1085, %dma_start3A_1088] : memref<100000x128xf32, #tpu.memory_space<hbm>> -> memref<160x128xf32, #tpu.memory_space<hbm>>
      tpu.enqueue_dma source(%dma_start3A_1089 : memref<160x128xf32, #tpu.memory_space<hbm>>) target(%arg12 : memref<160x128xf32, #tpu.memory_space<vmem>>) target_semaphore(%arg21 : memref<!tpu.dma_semaphore, #tpu.memory_space<semaphore_mem>>)
    } else {
    }
    %mul3A_618 = arith.constant 20 : i32
    %mul3A_619 = arith.muli %add3A, %mul3A_618 : i32
    %add3A_620 = arith.constant 11 : i32
    %add3A_621 = arith.addi %mul3A_619, %add3A_620 : i32
    %mul3A_622 = arith.constant 160 : i32
    %mul3A_623 = arith.muli %add3A_621, %mul3A_622 : i32
    %add3A_624 = arith.constant 160 : i32
    %add3A_625 = arith.addi %mul3A_623, %add3A_624 : i32
    %le3A_626 = arith.constant 100000 : i32
    %le3A_627 = arith.cmpi sle, %add3A_625, %le3A_626 : i32
    %convert_element_type3A_628 = arith.extui %le3A_627 : i1 to i32
    %cond3A_629 = arith.constant 0 : i32
    %cond3A_630 = arith.cmpi ne, %convert_element_type3A_628, %cond3A_629 : i32
    scf.if %cond3A_630 {
      %dma_start3A_1080 = arith.constant 1760 : i32
      %dma_start3A_1081 = tpu.memref_slice %arg14[%dma_start3A_1080] : memref<3200xi32, #tpu.memory_space<vmem>> -> memref<160xi32, #tpu.memory_space<vmem>>
      %dma_start3A_1082 = arith.constant 0 : i32
      %dma_start3A_1083 = arith.constant 0 : i32
      %dma_start3A_1084 = tpu.memref_slice %arg16[%dma_start3A_1082, %dma_start3A_1083] : memref<513x128xf32, #tpu.memory_space<vmem_shared>> -> memref<513x128xf32, #tpu.memory_space<vmem_shared>>
      tpu.enqueue_indirect_dma source(%arg10 : memref<160x128xf32, #tpu.memory_space<vmem>>) target(%dma_start3A_1084 : memref<513x128xf32, #tpu.memory_space<vmem_shared>>) offsets(%dma_start3A_1081 : memref<160xi32, #tpu.memory_space<vmem>>) semaphore(%arg24 : memref<!tpu.dma_semaphore, #tpu.memory_space<semaphore_mem>>) {add = true}
      %dma_start3A_1085 = arith.constant 1760 : i32
      %dma_start3A_1086 = tpu.memref_slice %arg14[%dma_start3A_1085] : memref<3200xi32, #tpu.memory_space<vmem>> -> memref<160xi32, #tpu.memory_space<vmem>>
      %dma_start3A_1087 = arith.constant 0 : i32
      %dma_start3A_1088 = arith.constant 0 : i32
      %dma_start3A_1089 = tpu.memref_slice %arg17[%dma_start3A_1087, %dma_start3A_1088] : memref<513x8xf32, #tpu.memory_space<vmem_shared>> -> memref<513x8xf32, #tpu.memory_space<vmem_shared>>
      tpu.enqueue_indirect_dma source(%arg15 : memref<160x8xf32, #tpu.memory_space<vmem>>) target(%dma_start3A_1089 : memref<513x8xf32, #tpu.memory_space<vmem_shared>>) offsets(%dma_start3A_1086 : memref<160xi32, #tpu.memory_space<vmem>>) semaphore(%arg28 : memref<!tpu.dma_semaphore, #tpu.memory_space<semaphore_mem>>) {add = true}
    } else {
    }
    %mul3A_631 = arith.constant 20 : i32
    %mul3A_632 = arith.muli %add3A, %mul3A_631 : i32
    %add3A_633 = arith.constant 12 : i32
    %add3A_634 = arith.addi %mul3A_632, %add3A_633 : i32
    %mul3A_635 = arith.constant 160 : i32
    %mul3A_636 = arith.muli %add3A_634, %mul3A_635 : i32
    %add3A_637 = arith.constant 160 : i32
    %add3A_638 = arith.addi %mul3A_636, %add3A_637 : i32
    %le3A_639 = arith.constant 100000 : i32
    %le3A_640 = arith.cmpi sle, %add3A_638, %le3A_639 : i32
    %convert_element_type3A_641 = arith.extui %le3A_640 : i1 to i32
    %cond3A_642 = arith.constant 0 : i32
    %cond3A_643 = arith.cmpi ne, %convert_element_type3A_641, %cond3A_642 : i32
    scf.if %cond3A_643 {
      %mul3A_1080 = arith.constant 20 : i32
      %mul3A_1081 = arith.muli %add3A, %mul3A_1080 : i32
      %add3A_1082 = arith.constant 12 : i32
      %add3A_1083 = arith.addi %mul3A_1081, %add3A_1082 : i32
      %mul3A_1084 = arith.constant 160 : i32
      %mul3A_1085 = arith.muli %add3A_1083, %mul3A_1084 : i32
      %dma_wait3A_1086 = arith.constant 0 : i32
      %dma_wait3A_1087 = tpu.memref_slice %arg2[%mul3A_1085, %dma_wait3A_1086] : memref<100000x128xf32, #tpu.memory_space<hbm>> -> memref<160x128xf32, #tpu.memory_space<hbm>>
      %dma_wait3A_1088 = arith.constant 0 : i32
      %dma_wait3A_1089 = tpu.memref_slice %arg2[%mul3A_1085, %dma_wait3A_1088] : memref<100000x128xf32, #tpu.memory_space<hbm>> -> memref<160x128xf32, #tpu.memory_space<hbm>>
      tpu.wait_dma2 semaphore(%arg20 : memref<!tpu.dma_semaphore, #tpu.memory_space<semaphore_mem>>) src(%dma_wait3A_1089 : memref<160x128xf32, #tpu.memory_space<hbm>>) dst(%arg11 : memref<160x128xf32, #tpu.memory_space<vmem>>)
    } else {
    }
    %mul3A_644 = arith.constant 20 : i32
    %mul3A_645 = arith.muli %add3A, %mul3A_644 : i32
    %add3A_646 = arith.constant 9 : i32
    %add3A_647 = arith.addi %mul3A_645, %add3A_646 : i32
    %mul3A_648 = arith.constant 160 : i32
    %mul3A_649 = arith.muli %add3A_647, %mul3A_648 : i32
    %add3A_650 = arith.constant 160 : i32
    %add3A_651 = arith.addi %mul3A_649, %add3A_650 : i32
    %le3A_652 = arith.constant 100000 : i32
    %le3A_653 = arith.cmpi sle, %add3A_651, %le3A_652 : i32
    %convert_element_type3A_654 = arith.extui %le3A_653 : i1 to i32
    %cond3A_655 = arith.constant 0 : i32
    %cond3A_656 = arith.cmpi ne, %convert_element_type3A_654, %cond3A_655 : i32
    scf.if %cond3A_656 {
      %dma_wait3A_1080 = arith.constant 1440 : i32
      %dma_wait3A_1081 = tpu.memref_slice %arg14[%dma_wait3A_1080] : memref<3200xi32, #tpu.memory_space<vmem>> -> memref<160xi32, #tpu.memory_space<vmem>>
      %dma_wait3A_1082 = arith.constant 0 : i32
      %dma_wait3A_1083 = arith.constant 0 : i32
      %dma_wait3A_1084 = tpu.memref_slice %arg16[%dma_wait3A_1082, %dma_wait3A_1083] : memref<513x128xf32, #tpu.memory_space<vmem_shared>> -> memref<513x128xf32, #tpu.memory_space<vmem_shared>>
      tpu.wait_indirect_dma semaphore(%arg27 : memref<!tpu.dma_semaphore, #tpu.memory_space<semaphore_mem>>) src(%arg13 : memref<160x128xf32, #tpu.memory_space<vmem>>) dst(%dma_wait3A_1084 : memref<513x128xf32, #tpu.memory_space<vmem_shared>>)
      %dma_wait3A_1085 = arith.constant 1440 : i32
      %dma_wait3A_1086 = tpu.memref_slice %arg14[%dma_wait3A_1085] : memref<3200xi32, #tpu.memory_space<vmem>> -> memref<160xi32, #tpu.memory_space<vmem>>
      %dma_wait3A_1087 = arith.constant 0 : i32
      %dma_wait3A_1088 = arith.constant 0 : i32
      %dma_wait3A_1089 = tpu.memref_slice %arg17[%dma_wait3A_1087, %dma_wait3A_1088] : memref<513x8xf32, #tpu.memory_space<vmem_shared>> -> memref<513x8xf32, #tpu.memory_space<vmem_shared>>
      tpu.wait_indirect_dma semaphore(%arg28 : memref<!tpu.dma_semaphore, #tpu.memory_space<semaphore_mem>>) src(%arg15 : memref<160x8xf32, #tpu.memory_space<vmem>>) dst(%dma_wait3A_1089 : memref<513x8xf32, #tpu.memory_space<vmem_shared>>)
    } else {
    }
    %mul3A_657 = arith.constant 20 : i32
    %mul3A_658 = arith.muli %add3A, %mul3A_657 : i32
    %add3A_659 = arith.constant 14 : i32
    %add3A_660 = arith.addi %mul3A_658, %add3A_659 : i32
    %mul3A_661 = arith.constant 160 : i32
    %mul3A_662 = arith.muli %add3A_660, %mul3A_661 : i32
    %add3A_663 = arith.constant 160 : i32
    %add3A_664 = arith.addi %mul3A_662, %add3A_663 : i32
    %le3A_665 = arith.constant 100000 : i32
    %le3A_666 = arith.cmpi sle, %add3A_664, %le3A_665 : i32
    %convert_element_type3A_667 = arith.extui %le3A_666 : i1 to i32
    %cond3A_668 = arith.constant 0 : i32
    %cond3A_669 = arith.cmpi ne, %convert_element_type3A_667, %cond3A_668 : i32
    scf.if %cond3A_669 {
      %mul3A_1080 = arith.constant 20 : i32
      %mul3A_1081 = arith.muli %add3A, %mul3A_1080 : i32
      %add3A_1082 = arith.constant 14 : i32
      %add3A_1083 = arith.addi %mul3A_1081, %add3A_1082 : i32
      %mul3A_1084 = arith.constant 160 : i32
      %mul3A_1085 = arith.muli %add3A_1083, %mul3A_1084 : i32
      %dma_start3A_1086 = arith.constant 0 : i32
      %dma_start3A_1087 = tpu.memref_slice %arg2[%mul3A_1085, %dma_start3A_1086] : memref<100000x128xf32, #tpu.memory_space<hbm>> -> memref<160x128xf32, #tpu.memory_space<hbm>>
      %dma_start3A_1088 = arith.constant 0 : i32
      %dma_start3A_1089 = tpu.memref_slice %arg2[%mul3A_1085, %dma_start3A_1088] : memref<100000x128xf32, #tpu.memory_space<hbm>> -> memref<160x128xf32, #tpu.memory_space<hbm>>
      tpu.enqueue_dma source(%dma_start3A_1089 : memref<160x128xf32, #tpu.memory_space<hbm>>) target(%arg13 : memref<160x128xf32, #tpu.memory_space<vmem>>) target_semaphore(%arg22 : memref<!tpu.dma_semaphore, #tpu.memory_space<semaphore_mem>>)
    } else {
    }
    %mul3A_670 = arith.constant 20 : i32
    %mul3A_671 = arith.muli %add3A, %mul3A_670 : i32
    %add3A_672 = arith.constant 12 : i32
    %add3A_673 = arith.addi %mul3A_671, %add3A_672 : i32
    %mul3A_674 = arith.constant 160 : i32
    %mul3A_675 = arith.muli %add3A_673, %mul3A_674 : i32
    %add3A_676 = arith.constant 160 : i32
    %add3A_677 = arith.addi %mul3A_675, %add3A_676 : i32
    %le3A_678 = arith.constant 100000 : i32
    %le3A_679 = arith.cmpi sle, %add3A_677, %le3A_678 : i32
    %convert_element_type3A_680 = arith.extui %le3A_679 : i1 to i32
    %cond3A_681 = arith.constant 0 : i32
    %cond3A_682 = arith.cmpi ne, %convert_element_type3A_680, %cond3A_681 : i32
    scf.if %cond3A_682 {
      %dma_start3A_1080 = arith.constant 1920 : i32
      %dma_start3A_1081 = tpu.memref_slice %arg14[%dma_start3A_1080] : memref<3200xi32, #tpu.memory_space<vmem>> -> memref<160xi32, #tpu.memory_space<vmem>>
      %dma_start3A_1082 = arith.constant 0 : i32
      %dma_start3A_1083 = arith.constant 0 : i32
      %dma_start3A_1084 = tpu.memref_slice %arg16[%dma_start3A_1082, %dma_start3A_1083] : memref<513x128xf32, #tpu.memory_space<vmem_shared>> -> memref<513x128xf32, #tpu.memory_space<vmem_shared>>
      tpu.enqueue_indirect_dma source(%arg11 : memref<160x128xf32, #tpu.memory_space<vmem>>) target(%dma_start3A_1084 : memref<513x128xf32, #tpu.memory_space<vmem_shared>>) offsets(%dma_start3A_1081 : memref<160xi32, #tpu.memory_space<vmem>>) semaphore(%arg25 : memref<!tpu.dma_semaphore, #tpu.memory_space<semaphore_mem>>) {add = true}
      %dma_start3A_1085 = arith.constant 1920 : i32
      %dma_start3A_1086 = tpu.memref_slice %arg14[%dma_start3A_1085] : memref<3200xi32, #tpu.memory_space<vmem>> -> memref<160xi32, #tpu.memory_space<vmem>>
      %dma_start3A_1087 = arith.constant 0 : i32
      %dma_start3A_1088 = arith.constant 0 : i32
      %dma_start3A_1089 = tpu.memref_slice %arg17[%dma_start3A_1087, %dma_start3A_1088] : memref<513x8xf32, #tpu.memory_space<vmem_shared>> -> memref<513x8xf32, #tpu.memory_space<vmem_shared>>
      tpu.enqueue_indirect_dma source(%arg15 : memref<160x8xf32, #tpu.memory_space<vmem>>) target(%dma_start3A_1089 : memref<513x8xf32, #tpu.memory_space<vmem_shared>>) offsets(%dma_start3A_1086 : memref<160xi32, #tpu.memory_space<vmem>>) semaphore(%arg28 : memref<!tpu.dma_semaphore, #tpu.memory_space<semaphore_mem>>) {add = true}
    } else {
    }
    %mul3A_683 = arith.constant 20 : i32
    %mul3A_684 = arith.muli %add3A, %mul3A_683 : i32
    %add3A_685 = arith.constant 13 : i32
    %add3A_686 = arith.addi %mul3A_684, %add3A_685 : i32
    %mul3A_687 = arith.constant 160 : i32
    %mul3A_688 = arith.muli %add3A_686, %mul3A_687 : i32
    %add3A_689 = arith.constant 160 : i32
    %add3A_690 = arith.addi %mul3A_688, %add3A_689 : i32
    %le3A_691 = arith.constant 100000 : i32
    %le3A_692 = arith.cmpi sle, %add3A_690, %le3A_691 : i32
    %convert_element_type3A_693 = arith.extui %le3A_692 : i1 to i32
    %cond3A_694 = arith.constant 0 : i32
    %cond3A_695 = arith.cmpi ne, %convert_element_type3A_693, %cond3A_694 : i32
    scf.if %cond3A_695 {
      %mul3A_1080 = arith.constant 20 : i32
      %mul3A_1081 = arith.muli %add3A, %mul3A_1080 : i32
      %add3A_1082 = arith.constant 13 : i32
      %add3A_1083 = arith.addi %mul3A_1081, %add3A_1082 : i32
      %mul3A_1084 = arith.constant 160 : i32
      %mul3A_1085 = arith.muli %add3A_1083, %mul3A_1084 : i32
      %dma_wait3A_1086 = arith.constant 0 : i32
      %dma_wait3A_1087 = tpu.memref_slice %arg2[%mul3A_1085, %dma_wait3A_1086] : memref<100000x128xf32, #tpu.memory_space<hbm>> -> memref<160x128xf32, #tpu.memory_space<hbm>>
      %dma_wait3A_1088 = arith.constant 0 : i32
      %dma_wait3A_1089 = tpu.memref_slice %arg2[%mul3A_1085, %dma_wait3A_1088] : memref<100000x128xf32, #tpu.memory_space<hbm>> -> memref<160x128xf32, #tpu.memory_space<hbm>>
      tpu.wait_dma2 semaphore(%arg21 : memref<!tpu.dma_semaphore, #tpu.memory_space<semaphore_mem>>) src(%dma_wait3A_1089 : memref<160x128xf32, #tpu.memory_space<hbm>>) dst(%arg12 : memref<160x128xf32, #tpu.memory_space<vmem>>)
    } else {
    }
    %mul3A_696 = arith.constant 20 : i32
    %mul3A_697 = arith.muli %add3A, %mul3A_696 : i32
    %add3A_698 = arith.constant 10 : i32
    %add3A_699 = arith.addi %mul3A_697, %add3A_698 : i32
    %mul3A_700 = arith.constant 160 : i32
    %mul3A_701 = arith.muli %add3A_699, %mul3A_700 : i32
    %add3A_702 = arith.constant 160 : i32
    %add3A_703 = arith.addi %mul3A_701, %add3A_702 : i32
    %le3A_704 = arith.constant 100000 : i32
    %le3A_705 = arith.cmpi sle, %add3A_703, %le3A_704 : i32
    %convert_element_type3A_706 = arith.extui %le3A_705 : i1 to i32
    %cond3A_707 = arith.constant 0 : i32
    %cond3A_708 = arith.cmpi ne, %convert_element_type3A_706, %cond3A_707 : i32
    scf.if %cond3A_708 {
      %dma_wait3A_1080 = arith.constant 1600 : i32
      %dma_wait3A_1081 = tpu.memref_slice %arg14[%dma_wait3A_1080] : memref<3200xi32, #tpu.memory_space<vmem>> -> memref<160xi32, #tpu.memory_space<vmem>>
      %dma_wait3A_1082 = arith.constant 0 : i32
      %dma_wait3A_1083 = arith.constant 0 : i32
      %dma_wait3A_1084 = tpu.memref_slice %arg16[%dma_wait3A_1082, %dma_wait3A_1083] : memref<513x128xf32, #tpu.memory_space<vmem_shared>> -> memref<513x128xf32, #tpu.memory_space<vmem_shared>>
      tpu.wait_indirect_dma semaphore(%arg23 : memref<!tpu.dma_semaphore, #tpu.memory_space<semaphore_mem>>) src(%arg9 : memref<160x128xf32, #tpu.memory_space<vmem>>) dst(%dma_wait3A_1084 : memref<513x128xf32, #tpu.memory_space<vmem_shared>>)
      %dma_wait3A_1085 = arith.constant 1600 : i32
      %dma_wait3A_1086 = tpu.memref_slice %arg14[%dma_wait3A_1085] : memref<3200xi32, #tpu.memory_space<vmem>> -> memref<160xi32, #tpu.memory_space<vmem>>
      %dma_wait3A_1087 = arith.constant 0 : i32
      %dma_wait3A_1088 = arith.constant 0 : i32
      %dma_wait3A_1089 = tpu.memref_slice %arg17[%dma_wait3A_1087, %dma_wait3A_1088] : memref<513x8xf32, #tpu.memory_space<vmem_shared>> -> memref<513x8xf32, #tpu.memory_space<vmem_shared>>
      tpu.wait_indirect_dma semaphore(%arg28 : memref<!tpu.dma_semaphore, #tpu.memory_space<semaphore_mem>>) src(%arg15 : memref<160x8xf32, #tpu.memory_space<vmem>>) dst(%dma_wait3A_1089 : memref<513x8xf32, #tpu.memory_space<vmem_shared>>)
    } else {
    }
    %mul3A_709 = arith.constant 20 : i32
    %mul3A_710 = arith.muli %add3A, %mul3A_709 : i32
    %add3A_711 = arith.constant 15 : i32
    %add3A_712 = arith.addi %mul3A_710, %add3A_711 : i32
    %mul3A_713 = arith.constant 160 : i32
    %mul3A_714 = arith.muli %add3A_712, %mul3A_713 : i32
    %add3A_715 = arith.constant 160 : i32
    %add3A_716 = arith.addi %mul3A_714, %add3A_715 : i32
    %le3A_717 = arith.constant 100000 : i32
    %le3A_718 = arith.cmpi sle, %add3A_716, %le3A_717 : i32
    %convert_element_type3A_719 = arith.extui %le3A_718 : i1 to i32
    %cond3A_720 = arith.constant 0 : i32
    %cond3A_721 = arith.cmpi ne, %convert_element_type3A_719, %cond3A_720 : i32
    scf.if %cond3A_721 {
      %mul3A_1080 = arith.constant 20 : i32
      %mul3A_1081 = arith.muli %add3A, %mul3A_1080 : i32
      %add3A_1082 = arith.constant 15 : i32
      %add3A_1083 = arith.addi %mul3A_1081, %add3A_1082 : i32
      %mul3A_1084 = arith.constant 160 : i32
      %mul3A_1085 = arith.muli %add3A_1083, %mul3A_1084 : i32
      %dma_start3A_1086 = arith.constant 0 : i32
      %dma_start3A_1087 = tpu.memref_slice %arg2[%mul3A_1085, %dma_start3A_1086] : memref<100000x128xf32, #tpu.memory_space<hbm>> -> memref<160x128xf32, #tpu.memory_space<hbm>>
      %dma_start3A_1088 = arith.constant 0 : i32
      %dma_start3A_1089 = tpu.memref_slice %arg2[%mul3A_1085, %dma_start3A_1088] : memref<100000x128xf32, #tpu.memory_space<hbm>> -> memref<160x128xf32, #tpu.memory_space<hbm>>
      tpu.enqueue_dma source(%dma_start3A_1089 : memref<160x128xf32, #tpu.memory_space<hbm>>) target(%arg9 : memref<160x128xf32, #tpu.memory_space<vmem>>) target_semaphore(%arg18 : memref<!tpu.dma_semaphore, #tpu.memory_space<semaphore_mem>>)
    } else {
    }
    %mul3A_722 = arith.constant 20 : i32
    %mul3A_723 = arith.muli %add3A, %mul3A_722 : i32
    %add3A_724 = arith.constant 13 : i32
    %add3A_725 = arith.addi %mul3A_723, %add3A_724 : i32
    %mul3A_726 = arith.constant 160 : i32
    %mul3A_727 = arith.muli %add3A_725, %mul3A_726 : i32
    %add3A_728 = arith.constant 160 : i32
    %add3A_729 = arith.addi %mul3A_727, %add3A_728 : i32
    %le3A_730 = arith.constant 100000 : i32
    %le3A_731 = arith.cmpi sle, %add3A_729, %le3A_730 : i32
    %convert_element_type3A_732 = arith.extui %le3A_731 : i1 to i32
    %cond3A_733 = arith.constant 0 : i32
    %cond3A_734 = arith.cmpi ne, %convert_element_type3A_732, %cond3A_733 : i32
    scf.if %cond3A_734 {
      %dma_start3A_1080 = arith.constant 2080 : i32
      %dma_start3A_1081 = tpu.memref_slice %arg14[%dma_start3A_1080] : memref<3200xi32, #tpu.memory_space<vmem>> -> memref<160xi32, #tpu.memory_space<vmem>>
      %dma_start3A_1082 = arith.constant 0 : i32
      %dma_start3A_1083 = arith.constant 0 : i32
      %dma_start3A_1084 = tpu.memref_slice %arg16[%dma_start3A_1082, %dma_start3A_1083] : memref<513x128xf32, #tpu.memory_space<vmem_shared>> -> memref<513x128xf32, #tpu.memory_space<vmem_shared>>
      tpu.enqueue_indirect_dma source(%arg12 : memref<160x128xf32, #tpu.memory_space<vmem>>) target(%dma_start3A_1084 : memref<513x128xf32, #tpu.memory_space<vmem_shared>>) offsets(%dma_start3A_1081 : memref<160xi32, #tpu.memory_space<vmem>>) semaphore(%arg26 : memref<!tpu.dma_semaphore, #tpu.memory_space<semaphore_mem>>) {add = true}
      %dma_start3A_1085 = arith.constant 2080 : i32
      %dma_start3A_1086 = tpu.memref_slice %arg14[%dma_start3A_1085] : memref<3200xi32, #tpu.memory_space<vmem>> -> memref<160xi32, #tpu.memory_space<vmem>>
      %dma_start3A_1087 = arith.constant 0 : i32
      %dma_start3A_1088 = arith.constant 0 : i32
      %dma_start3A_1089 = tpu.memref_slice %arg17[%dma_start3A_1087, %dma_start3A_1088] : memref<513x8xf32, #tpu.memory_space<vmem_shared>> -> memref<513x8xf32, #tpu.memory_space<vmem_shared>>
      tpu.enqueue_indirect_dma source(%arg15 : memref<160x8xf32, #tpu.memory_space<vmem>>) target(%dma_start3A_1089 : memref<513x8xf32, #tpu.memory_space<vmem_shared>>) offsets(%dma_start3A_1086 : memref<160xi32, #tpu.memory_space<vmem>>) semaphore(%arg28 : memref<!tpu.dma_semaphore, #tpu.memory_space<semaphore_mem>>) {add = true}
    } else {
    }
    %mul3A_735 = arith.constant 20 : i32
    %mul3A_736 = arith.muli %add3A, %mul3A_735 : i32
    %add3A_737 = arith.constant 14 : i32
    %add3A_738 = arith.addi %mul3A_736, %add3A_737 : i32
    %mul3A_739 = arith.constant 160 : i32
    %mul3A_740 = arith.muli %add3A_738, %mul3A_739 : i32
    %add3A_741 = arith.constant 160 : i32
    %add3A_742 = arith.addi %mul3A_740, %add3A_741 : i32
    %le3A_743 = arith.constant 100000 : i32
    %le3A_744 = arith.cmpi sle, %add3A_742, %le3A_743 : i32
    %convert_element_type3A_745 = arith.extui %le3A_744 : i1 to i32
    %cond3A_746 = arith.constant 0 : i32
    %cond3A_747 = arith.cmpi ne, %convert_element_type3A_745, %cond3A_746 : i32
    scf.if %cond3A_747 {
      %mul3A_1080 = arith.constant 20 : i32
      %mul3A_1081 = arith.muli %add3A, %mul3A_1080 : i32
      %add3A_1082 = arith.constant 14 : i32
      %add3A_1083 = arith.addi %mul3A_1081, %add3A_1082 : i32
      %mul3A_1084 = arith.constant 160 : i32
      %mul3A_1085 = arith.muli %add3A_1083, %mul3A_1084 : i32
      %dma_wait3A_1086 = arith.constant 0 : i32
      %dma_wait3A_1087 = tpu.memref_slice %arg2[%mul3A_1085, %dma_wait3A_1086] : memref<100000x128xf32, #tpu.memory_space<hbm>> -> memref<160x128xf32, #tpu.memory_space<hbm>>
      %dma_wait3A_1088 = arith.constant 0 : i32
      %dma_wait3A_1089 = tpu.memref_slice %arg2[%mul3A_1085, %dma_wait3A_1088] : memref<100000x128xf32, #tpu.memory_space<hbm>> -> memref<160x128xf32, #tpu.memory_space<hbm>>
      tpu.wait_dma2 semaphore(%arg22 : memref<!tpu.dma_semaphore, #tpu.memory_space<semaphore_mem>>) src(%dma_wait3A_1089 : memref<160x128xf32, #tpu.memory_space<hbm>>) dst(%arg13 : memref<160x128xf32, #tpu.memory_space<vmem>>)
    } else {
    }
    %mul3A_748 = arith.constant 20 : i32
    %mul3A_749 = arith.muli %add3A, %mul3A_748 : i32
    %add3A_750 = arith.constant 11 : i32
    %add3A_751 = arith.addi %mul3A_749, %add3A_750 : i32
    %mul3A_752 = arith.constant 160 : i32
    %mul3A_753 = arith.muli %add3A_751, %mul3A_752 : i32
    %add3A_754 = arith.constant 160 : i32
    %add3A_755 = arith.addi %mul3A_753, %add3A_754 : i32
    %le3A_756 = arith.constant 100000 : i32
    %le3A_757 = arith.cmpi sle, %add3A_755, %le3A_756 : i32
    %convert_element_type3A_758 = arith.extui %le3A_757 : i1 to i32
    %cond3A_759 = arith.constant 0 : i32
    %cond3A_760 = arith.cmpi ne, %convert_element_type3A_758, %cond3A_759 : i32
    scf.if %cond3A_760 {
      %dma_wait3A_1080 = arith.constant 1760 : i32
      %dma_wait3A_1081 = tpu.memref_slice %arg14[%dma_wait3A_1080] : memref<3200xi32, #tpu.memory_space<vmem>> -> memref<160xi32, #tpu.memory_space<vmem>>
      %dma_wait3A_1082 = arith.constant 0 : i32
      %dma_wait3A_1083 = arith.constant 0 : i32
      %dma_wait3A_1084 = tpu.memref_slice %arg16[%dma_wait3A_1082, %dma_wait3A_1083] : memref<513x128xf32, #tpu.memory_space<vmem_shared>> -> memref<513x128xf32, #tpu.memory_space<vmem_shared>>
      tpu.wait_indirect_dma semaphore(%arg24 : memref<!tpu.dma_semaphore, #tpu.memory_space<semaphore_mem>>) src(%arg10 : memref<160x128xf32, #tpu.memory_space<vmem>>) dst(%dma_wait3A_1084 : memref<513x128xf32, #tpu.memory_space<vmem_shared>>)
      %dma_wait3A_1085 = arith.constant 1760 : i32
      %dma_wait3A_1086 = tpu.memref_slice %arg14[%dma_wait3A_1085] : memref<3200xi32, #tpu.memory_space<vmem>> -> memref<160xi32, #tpu.memory_space<vmem>>
      %dma_wait3A_1087 = arith.constant 0 : i32
      %dma_wait3A_1088 = arith.constant 0 : i32
      %dma_wait3A_1089 = tpu.memref_slice %arg17[%dma_wait3A_1087, %dma_wait3A_1088] : memref<513x8xf32, #tpu.memory_space<vmem_shared>> -> memref<513x8xf32, #tpu.memory_space<vmem_shared>>
      tpu.wait_indirect_dma semaphore(%arg28 : memref<!tpu.dma_semaphore, #tpu.memory_space<semaphore_mem>>) src(%arg15 : memref<160x8xf32, #tpu.memory_space<vmem>>) dst(%dma_wait3A_1089 : memref<513x8xf32, #tpu.memory_space<vmem_shared>>)
    } else {
    }
    %mul3A_761 = arith.constant 20 : i32
    %mul3A_762 = arith.muli %add3A, %mul3A_761 : i32
    %add3A_763 = arith.constant 16 : i32
    %add3A_764 = arith.addi %mul3A_762, %add3A_763 : i32
    %mul3A_765 = arith.constant 160 : i32
    %mul3A_766 = arith.muli %add3A_764, %mul3A_765 : i32
    %add3A_767 = arith.constant 160 : i32
    %add3A_768 = arith.addi %mul3A_766, %add3A_767 : i32
    %le3A_769 = arith.constant 100000 : i32
    %le3A_770 = arith.cmpi sle, %add3A_768, %le3A_769 : i32
    %convert_element_type3A_771 = arith.extui %le3A_770 : i1 to i32
    %cond3A_772 = arith.constant 0 : i32
    %cond3A_773 = arith.cmpi ne, %convert_element_type3A_771, %cond3A_772 : i32
    scf.if %cond3A_773 {
      %mul3A_1080 = arith.constant 20 : i32
      %mul3A_1081 = arith.muli %add3A, %mul3A_1080 : i32
      %add3A_1082 = arith.constant 16 : i32
      %add3A_1083 = arith.addi %mul3A_1081, %add3A_1082 : i32
      %mul3A_1084 = arith.constant 160 : i32
      %mul3A_1085 = arith.muli %add3A_1083, %mul3A_1084 : i32
      %dma_start3A_1086 = arith.constant 0 : i32
      %dma_start3A_1087 = tpu.memref_slice %arg2[%mul3A_1085, %dma_start3A_1086] : memref<100000x128xf32, #tpu.memory_space<hbm>> -> memref<160x128xf32, #tpu.memory_space<hbm>>
      %dma_start3A_1088 = arith.constant 0 : i32
      %dma_start3A_1089 = tpu.memref_slice %arg2[%mul3A_1085, %dma_start3A_1088] : memref<100000x128xf32, #tpu.memory_space<hbm>> -> memref<160x128xf32, #tpu.memory_space<hbm>>
      tpu.enqueue_dma source(%dma_start3A_1089 : memref<160x128xf32, #tpu.memory_space<hbm>>) target(%arg10 : memref<160x128xf32, #tpu.memory_space<vmem>>) target_semaphore(%arg19 : memref<!tpu.dma_semaphore, #tpu.memory_space<semaphore_mem>>)
    } else {
    }
    %mul3A_774 = arith.constant 20 : i32
    %mul3A_775 = arith.muli %add3A, %mul3A_774 : i32
    %add3A_776 = arith.constant 14 : i32
    %add3A_777 = arith.addi %mul3A_775, %add3A_776 : i32
    %mul3A_778 = arith.constant 160 : i32
    %mul3A_779 = arith.muli %add3A_777, %mul3A_778 : i32
    %add3A_780 = arith.constant 160 : i32
    %add3A_781 = arith.addi %mul3A_779, %add3A_780 : i32
    %le3A_782 = arith.constant 100000 : i32
    %le3A_783 = arith.cmpi sle, %add3A_781, %le3A_782 : i32
    %convert_element_type3A_784 = arith.extui %le3A_783 : i1 to i32
    %cond3A_785 = arith.constant 0 : i32
    %cond3A_786 = arith.cmpi ne, %convert_element_type3A_784, %cond3A_785 : i32
    scf.if %cond3A_786 {
      %dma_start3A_1080 = arith.constant 2240 : i32
      %dma_start3A_1081 = tpu.memref_slice %arg14[%dma_start3A_1080] : memref<3200xi32, #tpu.memory_space<vmem>> -> memref<160xi32, #tpu.memory_space<vmem>>
      %dma_start3A_1082 = arith.constant 0 : i32
      %dma_start3A_1083 = arith.constant 0 : i32
      %dma_start3A_1084 = tpu.memref_slice %arg16[%dma_start3A_1082, %dma_start3A_1083] : memref<513x128xf32, #tpu.memory_space<vmem_shared>> -> memref<513x128xf32, #tpu.memory_space<vmem_shared>>
      tpu.enqueue_indirect_dma source(%arg13 : memref<160x128xf32, #tpu.memory_space<vmem>>) target(%dma_start3A_1084 : memref<513x128xf32, #tpu.memory_space<vmem_shared>>) offsets(%dma_start3A_1081 : memref<160xi32, #tpu.memory_space<vmem>>) semaphore(%arg27 : memref<!tpu.dma_semaphore, #tpu.memory_space<semaphore_mem>>) {add = true}
      %dma_start3A_1085 = arith.constant 2240 : i32
      %dma_start3A_1086 = tpu.memref_slice %arg14[%dma_start3A_1085] : memref<3200xi32, #tpu.memory_space<vmem>> -> memref<160xi32, #tpu.memory_space<vmem>>
      %dma_start3A_1087 = arith.constant 0 : i32
      %dma_start3A_1088 = arith.constant 0 : i32
      %dma_start3A_1089 = tpu.memref_slice %arg17[%dma_start3A_1087, %dma_start3A_1088] : memref<513x8xf32, #tpu.memory_space<vmem_shared>> -> memref<513x8xf32, #tpu.memory_space<vmem_shared>>
      tpu.enqueue_indirect_dma source(%arg15 : memref<160x8xf32, #tpu.memory_space<vmem>>) target(%dma_start3A_1089 : memref<513x8xf32, #tpu.memory_space<vmem_shared>>) offsets(%dma_start3A_1086 : memref<160xi32, #tpu.memory_space<vmem>>) semaphore(%arg28 : memref<!tpu.dma_semaphore, #tpu.memory_space<semaphore_mem>>) {add = true}
    } else {
    }
    %mul3A_787 = arith.constant 20 : i32
    %mul3A_788 = arith.muli %add3A, %mul3A_787 : i32
    %add3A_789 = arith.constant 15 : i32
    %add3A_790 = arith.addi %mul3A_788, %add3A_789 : i32
    %mul3A_791 = arith.constant 160 : i32
    %mul3A_792 = arith.muli %add3A_790, %mul3A_791 : i32
    %add3A_793 = arith.constant 160 : i32
    %add3A_794 = arith.addi %mul3A_792, %add3A_793 : i32
    %le3A_795 = arith.constant 100000 : i32
    %le3A_796 = arith.cmpi sle, %add3A_794, %le3A_795 : i32
    %convert_element_type3A_797 = arith.extui %le3A_796 : i1 to i32
    %cond3A_798 = arith.constant 0 : i32
    %cond3A_799 = arith.cmpi ne, %convert_element_type3A_797, %cond3A_798 : i32
    scf.if %cond3A_799 {
      %mul3A_1080 = arith.constant 20 : i32
      %mul3A_1081 = arith.muli %add3A, %mul3A_1080 : i32
      %add3A_1082 = arith.constant 15 : i32
      %add3A_1083 = arith.addi %mul3A_1081, %add3A_1082 : i32
      %mul3A_1084 = arith.constant 160 : i32
      %mul3A_1085 = arith.muli %add3A_1083, %mul3A_1084 : i32
      %dma_wait3A_1086 = arith.constant 0 : i32
      %dma_wait3A_1087 = tpu.memref_slice %arg2[%mul3A_1085, %dma_wait3A_1086] : memref<100000x128xf32, #tpu.memory_space<hbm>> -> memref<160x128xf32, #tpu.memory_space<hbm>>
      %dma_wait3A_1088 = arith.constant 0 : i32
      %dma_wait3A_1089 = tpu.memref_slice %arg2[%mul3A_1085, %dma_wait3A_1088] : memref<100000x128xf32, #tpu.memory_space<hbm>> -> memref<160x128xf32, #tpu.memory_space<hbm>>
      tpu.wait_dma2 semaphore(%arg18 : memref<!tpu.dma_semaphore, #tpu.memory_space<semaphore_mem>>) src(%dma_wait3A_1089 : memref<160x128xf32, #tpu.memory_space<hbm>>) dst(%arg9 : memref<160x128xf32, #tpu.memory_space<vmem>>)
    } else {
    }
    %mul3A_800 = arith.constant 20 : i32
    %mul3A_801 = arith.muli %add3A, %mul3A_800 : i32
    %add3A_802 = arith.constant 12 : i32
    %add3A_803 = arith.addi %mul3A_801, %add3A_802 : i32
    %mul3A_804 = arith.constant 160 : i32
    %mul3A_805 = arith.muli %add3A_803, %mul3A_804 : i32
    %add3A_806 = arith.constant 160 : i32
    %add3A_807 = arith.addi %mul3A_805, %add3A_806 : i32
    %le3A_808 = arith.constant 100000 : i32
    %le3A_809 = arith.cmpi sle, %add3A_807, %le3A_808 : i32
    %convert_element_type3A_810 = arith.extui %le3A_809 : i1 to i32
    %cond3A_811 = arith.constant 0 : i32
    %cond3A_812 = arith.cmpi ne, %convert_element_type3A_810, %cond3A_811 : i32
    scf.if %cond3A_812 {
      %dma_wait3A_1080 = arith.constant 1920 : i32
      %dma_wait3A_1081 = tpu.memref_slice %arg14[%dma_wait3A_1080] : memref<3200xi32, #tpu.memory_space<vmem>> -> memref<160xi32, #tpu.memory_space<vmem>>
      %dma_wait3A_1082 = arith.constant 0 : i32
      %dma_wait3A_1083 = arith.constant 0 : i32
      %dma_wait3A_1084 = tpu.memref_slice %arg16[%dma_wait3A_1082, %dma_wait3A_1083] : memref<513x128xf32, #tpu.memory_space<vmem_shared>> -> memref<513x128xf32, #tpu.memory_space<vmem_shared>>
      tpu.wait_indirect_dma semaphore(%arg25 : memref<!tpu.dma_semaphore, #tpu.memory_space<semaphore_mem>>) src(%arg11 : memref<160x128xf32, #tpu.memory_space<vmem>>) dst(%dma_wait3A_1084 : memref<513x128xf32, #tpu.memory_space<vmem_shared>>)
      %dma_wait3A_1085 = arith.constant 1920 : i32
      %dma_wait3A_1086 = tpu.memref_slice %arg14[%dma_wait3A_1085] : memref<3200xi32, #tpu.memory_space<vmem>> -> memref<160xi32, #tpu.memory_space<vmem>>
      %dma_wait3A_1087 = arith.constant 0 : i32
      %dma_wait3A_1088 = arith.constant 0 : i32
      %dma_wait3A_1089 = tpu.memref_slice %arg17[%dma_wait3A_1087, %dma_wait3A_1088] : memref<513x8xf32, #tpu.memory_space<vmem_shared>> -> memref<513x8xf32, #tpu.memory_space<vmem_shared>>
      tpu.wait_indirect_dma semaphore(%arg28 : memref<!tpu.dma_semaphore, #tpu.memory_space<semaphore_mem>>) src(%arg15 : memref<160x8xf32, #tpu.memory_space<vmem>>) dst(%dma_wait3A_1089 : memref<513x8xf32, #tpu.memory_space<vmem_shared>>)
    } else {
    }
    %mul3A_813 = arith.constant 20 : i32
    %mul3A_814 = arith.muli %add3A, %mul3A_813 : i32
    %add3A_815 = arith.constant 17 : i32
    %add3A_816 = arith.addi %mul3A_814, %add3A_815 : i32
    %mul3A_817 = arith.constant 160 : i32
    %mul3A_818 = arith.muli %add3A_816, %mul3A_817 : i32
    %add3A_819 = arith.constant 160 : i32
    %add3A_820 = arith.addi %mul3A_818, %add3A_819 : i32
    %le3A_821 = arith.constant 100000 : i32
    %le3A_822 = arith.cmpi sle, %add3A_820, %le3A_821 : i32
    %convert_element_type3A_823 = arith.extui %le3A_822 : i1 to i32
    %cond3A_824 = arith.constant 0 : i32
    %cond3A_825 = arith.cmpi ne, %convert_element_type3A_823, %cond3A_824 : i32
    scf.if %cond3A_825 {
      %mul3A_1080 = arith.constant 20 : i32
      %mul3A_1081 = arith.muli %add3A, %mul3A_1080 : i32
      %add3A_1082 = arith.constant 17 : i32
      %add3A_1083 = arith.addi %mul3A_1081, %add3A_1082 : i32
      %mul3A_1084 = arith.constant 160 : i32
      %mul3A_1085 = arith.muli %add3A_1083, %mul3A_1084 : i32
      %dma_start3A_1086 = arith.constant 0 : i32
      %dma_start3A_1087 = tpu.memref_slice %arg2[%mul3A_1085, %dma_start3A_1086] : memref<100000x128xf32, #tpu.memory_space<hbm>> -> memref<160x128xf32, #tpu.memory_space<hbm>>
      %dma_start3A_1088 = arith.constant 0 : i32
      %dma_start3A_1089 = tpu.memref_slice %arg2[%mul3A_1085, %dma_start3A_1088] : memref<100000x128xf32, #tpu.memory_space<hbm>> -> memref<160x128xf32, #tpu.memory_space<hbm>>
      tpu.enqueue_dma source(%dma_start3A_1089 : memref<160x128xf32, #tpu.memory_space<hbm>>) target(%arg11 : memref<160x128xf32, #tpu.memory_space<vmem>>) target_semaphore(%arg20 : memref<!tpu.dma_semaphore, #tpu.memory_space<semaphore_mem>>)
    } else {
    }
    %mul3A_826 = arith.constant 20 : i32
    %mul3A_827 = arith.muli %add3A, %mul3A_826 : i32
    %add3A_828 = arith.constant 15 : i32
    %add3A_829 = arith.addi %mul3A_827, %add3A_828 : i32
    %mul3A_830 = arith.constant 160 : i32
    %mul3A_831 = arith.muli %add3A_829, %mul3A_830 : i32
    %add3A_832 = arith.constant 160 : i32
    %add3A_833 = arith.addi %mul3A_831, %add3A_832 : i32
    %le3A_834 = arith.constant 100000 : i32
    %le3A_835 = arith.cmpi sle, %add3A_833, %le3A_834 : i32
    %convert_element_type3A_836 = arith.extui %le3A_835 : i1 to i32
    %cond3A_837 = arith.constant 0 : i32
    %cond3A_838 = arith.cmpi ne, %convert_element_type3A_836, %cond3A_837 : i32
    scf.if %cond3A_838 {
      %dma_start3A_1080 = arith.constant 2400 : i32
      %dma_start3A_1081 = tpu.memref_slice %arg14[%dma_start3A_1080] : memref<3200xi32, #tpu.memory_space<vmem>> -> memref<160xi32, #tpu.memory_space<vmem>>
      %dma_start3A_1082 = arith.constant 0 : i32
      %dma_start3A_1083 = arith.constant 0 : i32
      %dma_start3A_1084 = tpu.memref_slice %arg16[%dma_start3A_1082, %dma_start3A_1083] : memref<513x128xf32, #tpu.memory_space<vmem_shared>> -> memref<513x128xf32, #tpu.memory_space<vmem_shared>>
      tpu.enqueue_indirect_dma source(%arg9 : memref<160x128xf32, #tpu.memory_space<vmem>>) target(%dma_start3A_1084 : memref<513x128xf32, #tpu.memory_space<vmem_shared>>) offsets(%dma_start3A_1081 : memref<160xi32, #tpu.memory_space<vmem>>) semaphore(%arg23 : memref<!tpu.dma_semaphore, #tpu.memory_space<semaphore_mem>>) {add = true}
      %dma_start3A_1085 = arith.constant 2400 : i32
      %dma_start3A_1086 = tpu.memref_slice %arg14[%dma_start3A_1085] : memref<3200xi32, #tpu.memory_space<vmem>> -> memref<160xi32, #tpu.memory_space<vmem>>
      %dma_start3A_1087 = arith.constant 0 : i32
      %dma_start3A_1088 = arith.constant 0 : i32
      %dma_start3A_1089 = tpu.memref_slice %arg17[%dma_start3A_1087, %dma_start3A_1088] : memref<513x8xf32, #tpu.memory_space<vmem_shared>> -> memref<513x8xf32, #tpu.memory_space<vmem_shared>>
      tpu.enqueue_indirect_dma source(%arg15 : memref<160x8xf32, #tpu.memory_space<vmem>>) target(%dma_start3A_1089 : memref<513x8xf32, #tpu.memory_space<vmem_shared>>) offsets(%dma_start3A_1086 : memref<160xi32, #tpu.memory_space<vmem>>) semaphore(%arg28 : memref<!tpu.dma_semaphore, #tpu.memory_space<semaphore_mem>>) {add = true}
    } else {
    }
    %mul3A_839 = arith.constant 20 : i32
    %mul3A_840 = arith.muli %add3A, %mul3A_839 : i32
    %add3A_841 = arith.constant 16 : i32
    %add3A_842 = arith.addi %mul3A_840, %add3A_841 : i32
    %mul3A_843 = arith.constant 160 : i32
    %mul3A_844 = arith.muli %add3A_842, %mul3A_843 : i32
    %add3A_845 = arith.constant 160 : i32
    %add3A_846 = arith.addi %mul3A_844, %add3A_845 : i32
    %le3A_847 = arith.constant 100000 : i32
    %le3A_848 = arith.cmpi sle, %add3A_846, %le3A_847 : i32
    %convert_element_type3A_849 = arith.extui %le3A_848 : i1 to i32
    %cond3A_850 = arith.constant 0 : i32
    %cond3A_851 = arith.cmpi ne, %convert_element_type3A_849, %cond3A_850 : i32
    scf.if %cond3A_851 {
      %mul3A_1080 = arith.constant 20 : i32
      %mul3A_1081 = arith.muli %add3A, %mul3A_1080 : i32
      %add3A_1082 = arith.constant 16 : i32
      %add3A_1083 = arith.addi %mul3A_1081, %add3A_1082 : i32
      %mul3A_1084 = arith.constant 160 : i32
      %mul3A_1085 = arith.muli %add3A_1083, %mul3A_1084 : i32
      %dma_wait3A_1086 = arith.constant 0 : i32
      %dma_wait3A_1087 = tpu.memref_slice %arg2[%mul3A_1085, %dma_wait3A_1086] : memref<100000x128xf32, #tpu.memory_space<hbm>> -> memref<160x128xf32, #tpu.memory_space<hbm>>
      %dma_wait3A_1088 = arith.constant 0 : i32
      %dma_wait3A_1089 = tpu.memref_slice %arg2[%mul3A_1085, %dma_wait3A_1088] : memref<100000x128xf32, #tpu.memory_space<hbm>> -> memref<160x128xf32, #tpu.memory_space<hbm>>
      tpu.wait_dma2 semaphore(%arg19 : memref<!tpu.dma_semaphore, #tpu.memory_space<semaphore_mem>>) src(%dma_wait3A_1089 : memref<160x128xf32, #tpu.memory_space<hbm>>) dst(%arg10 : memref<160x128xf32, #tpu.memory_space<vmem>>)
    } else {
    }
    %mul3A_852 = arith.constant 20 : i32
    %mul3A_853 = arith.muli %add3A, %mul3A_852 : i32
    %add3A_854 = arith.constant 13 : i32
    %add3A_855 = arith.addi %mul3A_853, %add3A_854 : i32
    %mul3A_856 = arith.constant 160 : i32
    %mul3A_857 = arith.muli %add3A_855, %mul3A_856 : i32
    %add3A_858 = arith.constant 160 : i32
    %add3A_859 = arith.addi %mul3A_857, %add3A_858 : i32
    %le3A_860 = arith.constant 100000 : i32
    %le3A_861 = arith.cmpi sle, %add3A_859, %le3A_860 : i32
    %convert_element_type3A_862 = arith.extui %le3A_861 : i1 to i32
    %cond3A_863 = arith.constant 0 : i32
    %cond3A_864 = arith.cmpi ne, %convert_element_type3A_862, %cond3A_863 : i32
    scf.if %cond3A_864 {
      %dma_wait3A_1080 = arith.constant 2080 : i32
      %dma_wait3A_1081 = tpu.memref_slice %arg14[%dma_wait3A_1080] : memref<3200xi32, #tpu.memory_space<vmem>> -> memref<160xi32, #tpu.memory_space<vmem>>
      %dma_wait3A_1082 = arith.constant 0 : i32
      %dma_wait3A_1083 = arith.constant 0 : i32
      %dma_wait3A_1084 = tpu.memref_slice %arg16[%dma_wait3A_1082, %dma_wait3A_1083] : memref<513x128xf32, #tpu.memory_space<vmem_shared>> -> memref<513x128xf32, #tpu.memory_space<vmem_shared>>
      tpu.wait_indirect_dma semaphore(%arg26 : memref<!tpu.dma_semaphore, #tpu.memory_space<semaphore_mem>>) src(%arg12 : memref<160x128xf32, #tpu.memory_space<vmem>>) dst(%dma_wait3A_1084 : memref<513x128xf32, #tpu.memory_space<vmem_shared>>)
      %dma_wait3A_1085 = arith.constant 2080 : i32
      %dma_wait3A_1086 = tpu.memref_slice %arg14[%dma_wait3A_1085] : memref<3200xi32, #tpu.memory_space<vmem>> -> memref<160xi32, #tpu.memory_space<vmem>>
      %dma_wait3A_1087 = arith.constant 0 : i32
      %dma_wait3A_1088 = arith.constant 0 : i32
      %dma_wait3A_1089 = tpu.memref_slice %arg17[%dma_wait3A_1087, %dma_wait3A_1088] : memref<513x8xf32, #tpu.memory_space<vmem_shared>> -> memref<513x8xf32, #tpu.memory_space<vmem_shared>>
      tpu.wait_indirect_dma semaphore(%arg28 : memref<!tpu.dma_semaphore, #tpu.memory_space<semaphore_mem>>) src(%arg15 : memref<160x8xf32, #tpu.memory_space<vmem>>) dst(%dma_wait3A_1089 : memref<513x8xf32, #tpu.memory_space<vmem_shared>>)
    } else {
    }
    %mul3A_865 = arith.constant 20 : i32
    %mul3A_866 = arith.muli %add3A, %mul3A_865 : i32
    %add3A_867 = arith.constant 18 : i32
    %add3A_868 = arith.addi %mul3A_866, %add3A_867 : i32
    %mul3A_869 = arith.constant 160 : i32
    %mul3A_870 = arith.muli %add3A_868, %mul3A_869 : i32
    %add3A_871 = arith.constant 160 : i32
    %add3A_872 = arith.addi %mul3A_870, %add3A_871 : i32
    %le3A_873 = arith.constant 100000 : i32
    %le3A_874 = arith.cmpi sle, %add3A_872, %le3A_873 : i32
    %convert_element_type3A_875 = arith.extui %le3A_874 : i1 to i32
    %cond3A_876 = arith.constant 0 : i32
    %cond3A_877 = arith.cmpi ne, %convert_element_type3A_875, %cond3A_876 : i32
    scf.if %cond3A_877 {
      %mul3A_1080 = arith.constant 20 : i32
      %mul3A_1081 = arith.muli %add3A, %mul3A_1080 : i32
      %add3A_1082 = arith.constant 18 : i32
      %add3A_1083 = arith.addi %mul3A_1081, %add3A_1082 : i32
      %mul3A_1084 = arith.constant 160 : i32
      %mul3A_1085 = arith.muli %add3A_1083, %mul3A_1084 : i32
      %dma_start3A_1086 = arith.constant 0 : i32
      %dma_start3A_1087 = tpu.memref_slice %arg2[%mul3A_1085, %dma_start3A_1086] : memref<100000x128xf32, #tpu.memory_space<hbm>> -> memref<160x128xf32, #tpu.memory_space<hbm>>
      %dma_start3A_1088 = arith.constant 0 : i32
      %dma_start3A_1089 = tpu.memref_slice %arg2[%mul3A_1085, %dma_start3A_1088] : memref<100000x128xf32, #tpu.memory_space<hbm>> -> memref<160x128xf32, #tpu.memory_space<hbm>>
      tpu.enqueue_dma source(%dma_start3A_1089 : memref<160x128xf32, #tpu.memory_space<hbm>>) target(%arg12 : memref<160x128xf32, #tpu.memory_space<vmem>>) target_semaphore(%arg21 : memref<!tpu.dma_semaphore, #tpu.memory_space<semaphore_mem>>)
    } else {
    }
    %mul3A_878 = arith.constant 20 : i32
    %mul3A_879 = arith.muli %add3A, %mul3A_878 : i32
    %add3A_880 = arith.constant 16 : i32
    %add3A_881 = arith.addi %mul3A_879, %add3A_880 : i32
    %mul3A_882 = arith.constant 160 : i32
    %mul3A_883 = arith.muli %add3A_881, %mul3A_882 : i32
    %add3A_884 = arith.constant 160 : i32
    %add3A_885 = arith.addi %mul3A_883, %add3A_884 : i32
    %le3A_886 = arith.constant 100000 : i32
    %le3A_887 = arith.cmpi sle, %add3A_885, %le3A_886 : i32
    %convert_element_type3A_888 = arith.extui %le3A_887 : i1 to i32
    %cond3A_889 = arith.constant 0 : i32
    %cond3A_890 = arith.cmpi ne, %convert_element_type3A_888, %cond3A_889 : i32
    scf.if %cond3A_890 {
      %dma_start3A_1080 = arith.constant 2560 : i32
      %dma_start3A_1081 = tpu.memref_slice %arg14[%dma_start3A_1080] : memref<3200xi32, #tpu.memory_space<vmem>> -> memref<160xi32, #tpu.memory_space<vmem>>
      %dma_start3A_1082 = arith.constant 0 : i32
      %dma_start3A_1083 = arith.constant 0 : i32
      %dma_start3A_1084 = tpu.memref_slice %arg16[%dma_start3A_1082, %dma_start3A_1083] : memref<513x128xf32, #tpu.memory_space<vmem_shared>> -> memref<513x128xf32, #tpu.memory_space<vmem_shared>>
      tpu.enqueue_indirect_dma source(%arg10 : memref<160x128xf32, #tpu.memory_space<vmem>>) target(%dma_start3A_1084 : memref<513x128xf32, #tpu.memory_space<vmem_shared>>) offsets(%dma_start3A_1081 : memref<160xi32, #tpu.memory_space<vmem>>) semaphore(%arg24 : memref<!tpu.dma_semaphore, #tpu.memory_space<semaphore_mem>>) {add = true}
      %dma_start3A_1085 = arith.constant 2560 : i32
      %dma_start3A_1086 = tpu.memref_slice %arg14[%dma_start3A_1085] : memref<3200xi32, #tpu.memory_space<vmem>> -> memref<160xi32, #tpu.memory_space<vmem>>
      %dma_start3A_1087 = arith.constant 0 : i32
      %dma_start3A_1088 = arith.constant 0 : i32
      %dma_start3A_1089 = tpu.memref_slice %arg17[%dma_start3A_1087, %dma_start3A_1088] : memref<513x8xf32, #tpu.memory_space<vmem_shared>> -> memref<513x8xf32, #tpu.memory_space<vmem_shared>>
      tpu.enqueue_indirect_dma source(%arg15 : memref<160x8xf32, #tpu.memory_space<vmem>>) target(%dma_start3A_1089 : memref<513x8xf32, #tpu.memory_space<vmem_shared>>) offsets(%dma_start3A_1086 : memref<160xi32, #tpu.memory_space<vmem>>) semaphore(%arg28 : memref<!tpu.dma_semaphore, #tpu.memory_space<semaphore_mem>>) {add = true}
    } else {
    }
    %mul3A_891 = arith.constant 20 : i32
    %mul3A_892 = arith.muli %add3A, %mul3A_891 : i32
    %add3A_893 = arith.constant 17 : i32
    %add3A_894 = arith.addi %mul3A_892, %add3A_893 : i32
    %mul3A_895 = arith.constant 160 : i32
    %mul3A_896 = arith.muli %add3A_894, %mul3A_895 : i32
    %add3A_897 = arith.constant 160 : i32
    %add3A_898 = arith.addi %mul3A_896, %add3A_897 : i32
    %le3A_899 = arith.constant 100000 : i32
    %le3A_900 = arith.cmpi sle, %add3A_898, %le3A_899 : i32
    %convert_element_type3A_901 = arith.extui %le3A_900 : i1 to i32
    %cond3A_902 = arith.constant 0 : i32
    %cond3A_903 = arith.cmpi ne, %convert_element_type3A_901, %cond3A_902 : i32
    scf.if %cond3A_903 {
      %mul3A_1080 = arith.constant 20 : i32
      %mul3A_1081 = arith.muli %add3A, %mul3A_1080 : i32
      %add3A_1082 = arith.constant 17 : i32
      %add3A_1083 = arith.addi %mul3A_1081, %add3A_1082 : i32
      %mul3A_1084 = arith.constant 160 : i32
      %mul3A_1085 = arith.muli %add3A_1083, %mul3A_1084 : i32
      %dma_wait3A_1086 = arith.constant 0 : i32
      %dma_wait3A_1087 = tpu.memref_slice %arg2[%mul3A_1085, %dma_wait3A_1086] : memref<100000x128xf32, #tpu.memory_space<hbm>> -> memref<160x128xf32, #tpu.memory_space<hbm>>
      %dma_wait3A_1088 = arith.constant 0 : i32
      %dma_wait3A_1089 = tpu.memref_slice %arg2[%mul3A_1085, %dma_wait3A_1088] : memref<100000x128xf32, #tpu.memory_space<hbm>> -> memref<160x128xf32, #tpu.memory_space<hbm>>
      tpu.wait_dma2 semaphore(%arg20 : memref<!tpu.dma_semaphore, #tpu.memory_space<semaphore_mem>>) src(%dma_wait3A_1089 : memref<160x128xf32, #tpu.memory_space<hbm>>) dst(%arg11 : memref<160x128xf32, #tpu.memory_space<vmem>>)
    } else {
    }
    %mul3A_904 = arith.constant 20 : i32
    %mul3A_905 = arith.muli %add3A, %mul3A_904 : i32
    %add3A_906 = arith.constant 14 : i32
    %add3A_907 = arith.addi %mul3A_905, %add3A_906 : i32
    %mul3A_908 = arith.constant 160 : i32
    %mul3A_909 = arith.muli %add3A_907, %mul3A_908 : i32
    %add3A_910 = arith.constant 160 : i32
    %add3A_911 = arith.addi %mul3A_909, %add3A_910 : i32
    %le3A_912 = arith.constant 100000 : i32
    %le3A_913 = arith.cmpi sle, %add3A_911, %le3A_912 : i32
    %convert_element_type3A_914 = arith.extui %le3A_913 : i1 to i32
    %cond3A_915 = arith.constant 0 : i32
    %cond3A_916 = arith.cmpi ne, %convert_element_type3A_914, %cond3A_915 : i32
    scf.if %cond3A_916 {
      %dma_wait3A_1080 = arith.constant 2240 : i32
      %dma_wait3A_1081 = tpu.memref_slice %arg14[%dma_wait3A_1080] : memref<3200xi32, #tpu.memory_space<vmem>> -> memref<160xi32, #tpu.memory_space<vmem>>
      %dma_wait3A_1082 = arith.constant 0 : i32
      %dma_wait3A_1083 = arith.constant 0 : i32
      %dma_wait3A_1084 = tpu.memref_slice %arg16[%dma_wait3A_1082, %dma_wait3A_1083] : memref<513x128xf32, #tpu.memory_space<vmem_shared>> -> memref<513x128xf32, #tpu.memory_space<vmem_shared>>
      tpu.wait_indirect_dma semaphore(%arg27 : memref<!tpu.dma_semaphore, #tpu.memory_space<semaphore_mem>>) src(%arg13 : memref<160x128xf32, #tpu.memory_space<vmem>>) dst(%dma_wait3A_1084 : memref<513x128xf32, #tpu.memory_space<vmem_shared>>)
      %dma_wait3A_1085 = arith.constant 2240 : i32
      %dma_wait3A_1086 = tpu.memref_slice %arg14[%dma_wait3A_1085] : memref<3200xi32, #tpu.memory_space<vmem>> -> memref<160xi32, #tpu.memory_space<vmem>>
      %dma_wait3A_1087 = arith.constant 0 : i32
      %dma_wait3A_1088 = arith.constant 0 : i32
      %dma_wait3A_1089 = tpu.memref_slice %arg17[%dma_wait3A_1087, %dma_wait3A_1088] : memref<513x8xf32, #tpu.memory_space<vmem_shared>> -> memref<513x8xf32, #tpu.memory_space<vmem_shared>>
      tpu.wait_indirect_dma semaphore(%arg28 : memref<!tpu.dma_semaphore, #tpu.memory_space<semaphore_mem>>) src(%arg15 : memref<160x8xf32, #tpu.memory_space<vmem>>) dst(%dma_wait3A_1089 : memref<513x8xf32, #tpu.memory_space<vmem_shared>>)
    } else {
    }
    %mul3A_917 = arith.constant 20 : i32
    %mul3A_918 = arith.muli %add3A, %mul3A_917 : i32
    %add3A_919 = arith.constant 19 : i32
    %add3A_920 = arith.addi %mul3A_918, %add3A_919 : i32
    %mul3A_921 = arith.constant 160 : i32
    %mul3A_922 = arith.muli %add3A_920, %mul3A_921 : i32
    %add3A_923 = arith.constant 160 : i32
    %add3A_924 = arith.addi %mul3A_922, %add3A_923 : i32
    %le3A_925 = arith.constant 100000 : i32
    %le3A_926 = arith.cmpi sle, %add3A_924, %le3A_925 : i32
    %convert_element_type3A_927 = arith.extui %le3A_926 : i1 to i32
    %cond3A_928 = arith.constant 0 : i32
    %cond3A_929 = arith.cmpi ne, %convert_element_type3A_927, %cond3A_928 : i32
    scf.if %cond3A_929 {
      %mul3A_1080 = arith.constant 20 : i32
      %mul3A_1081 = arith.muli %add3A, %mul3A_1080 : i32
      %add3A_1082 = arith.constant 19 : i32
      %add3A_1083 = arith.addi %mul3A_1081, %add3A_1082 : i32
      %mul3A_1084 = arith.constant 160 : i32
      %mul3A_1085 = arith.muli %add3A_1083, %mul3A_1084 : i32
      %dma_start3A_1086 = arith.constant 0 : i32
      %dma_start3A_1087 = tpu.memref_slice %arg2[%mul3A_1085, %dma_start3A_1086] : memref<100000x128xf32, #tpu.memory_space<hbm>> -> memref<160x128xf32, #tpu.memory_space<hbm>>
      %dma_start3A_1088 = arith.constant 0 : i32
      %dma_start3A_1089 = tpu.memref_slice %arg2[%mul3A_1085, %dma_start3A_1088] : memref<100000x128xf32, #tpu.memory_space<hbm>> -> memref<160x128xf32, #tpu.memory_space<hbm>>
      tpu.enqueue_dma source(%dma_start3A_1089 : memref<160x128xf32, #tpu.memory_space<hbm>>) target(%arg13 : memref<160x128xf32, #tpu.memory_space<vmem>>) target_semaphore(%arg22 : memref<!tpu.dma_semaphore, #tpu.memory_space<semaphore_mem>>)
    } else {
    }
    %mul3A_930 = arith.constant 20 : i32
    %mul3A_931 = arith.muli %add3A, %mul3A_930 : i32
    %add3A_932 = arith.constant 17 : i32
    %add3A_933 = arith.addi %mul3A_931, %add3A_932 : i32
    %mul3A_934 = arith.constant 160 : i32
    %mul3A_935 = arith.muli %add3A_933, %mul3A_934 : i32
    %add3A_936 = arith.constant 160 : i32
    %add3A_937 = arith.addi %mul3A_935, %add3A_936 : i32
    %le3A_938 = arith.constant 100000 : i32
    %le3A_939 = arith.cmpi sle, %add3A_937, %le3A_938 : i32
    %convert_element_type3A_940 = arith.extui %le3A_939 : i1 to i32
    %cond3A_941 = arith.constant 0 : i32
    %cond3A_942 = arith.cmpi ne, %convert_element_type3A_940, %cond3A_941 : i32
    scf.if %cond3A_942 {
      %dma_start3A_1080 = arith.constant 2720 : i32
      %dma_start3A_1081 = tpu.memref_slice %arg14[%dma_start3A_1080] : memref<3200xi32, #tpu.memory_space<vmem>> -> memref<160xi32, #tpu.memory_space<vmem>>
      %dma_start3A_1082 = arith.constant 0 : i32
      %dma_start3A_1083 = arith.constant 0 : i32
      %dma_start3A_1084 = tpu.memref_slice %arg16[%dma_start3A_1082, %dma_start3A_1083] : memref<513x128xf32, #tpu.memory_space<vmem_shared>> -> memref<513x128xf32, #tpu.memory_space<vmem_shared>>
      tpu.enqueue_indirect_dma source(%arg11 : memref<160x128xf32, #tpu.memory_space<vmem>>) target(%dma_start3A_1084 : memref<513x128xf32, #tpu.memory_space<vmem_shared>>) offsets(%dma_start3A_1081 : memref<160xi32, #tpu.memory_space<vmem>>) semaphore(%arg25 : memref<!tpu.dma_semaphore, #tpu.memory_space<semaphore_mem>>) {add = true}
      %dma_start3A_1085 = arith.constant 2720 : i32
      %dma_start3A_1086 = tpu.memref_slice %arg14[%dma_start3A_1085] : memref<3200xi32, #tpu.memory_space<vmem>> -> memref<160xi32, #tpu.memory_space<vmem>>
      %dma_start3A_1087 = arith.constant 0 : i32
      %dma_start3A_1088 = arith.constant 0 : i32
      %dma_start3A_1089 = tpu.memref_slice %arg17[%dma_start3A_1087, %dma_start3A_1088] : memref<513x8xf32, #tpu.memory_space<vmem_shared>> -> memref<513x8xf32, #tpu.memory_space<vmem_shared>>
      tpu.enqueue_indirect_dma source(%arg15 : memref<160x8xf32, #tpu.memory_space<vmem>>) target(%dma_start3A_1089 : memref<513x8xf32, #tpu.memory_space<vmem_shared>>) offsets(%dma_start3A_1086 : memref<160xi32, #tpu.memory_space<vmem>>) semaphore(%arg28 : memref<!tpu.dma_semaphore, #tpu.memory_space<semaphore_mem>>) {add = true}
    } else {
    }
    %mul3A_943 = arith.constant 20 : i32
    %mul3A_944 = arith.muli %add3A, %mul3A_943 : i32
    %add3A_945 = arith.constant 18 : i32
    %add3A_946 = arith.addi %mul3A_944, %add3A_945 : i32
    %mul3A_947 = arith.constant 160 : i32
    %mul3A_948 = arith.muli %add3A_946, %mul3A_947 : i32
    %add3A_949 = arith.constant 160 : i32
    %add3A_950 = arith.addi %mul3A_948, %add3A_949 : i32
    %le3A_951 = arith.constant 100000 : i32
    %le3A_952 = arith.cmpi sle, %add3A_950, %le3A_951 : i32
    %convert_element_type3A_953 = arith.extui %le3A_952 : i1 to i32
    %cond3A_954 = arith.constant 0 : i32
    %cond3A_955 = arith.cmpi ne, %convert_element_type3A_953, %cond3A_954 : i32
    scf.if %cond3A_955 {
      %mul3A_1080 = arith.constant 20 : i32
      %mul3A_1081 = arith.muli %add3A, %mul3A_1080 : i32
      %add3A_1082 = arith.constant 18 : i32
      %add3A_1083 = arith.addi %mul3A_1081, %add3A_1082 : i32
      %mul3A_1084 = arith.constant 160 : i32
      %mul3A_1085 = arith.muli %add3A_1083, %mul3A_1084 : i32
      %dma_wait3A_1086 = arith.constant 0 : i32
      %dma_wait3A_1087 = tpu.memref_slice %arg2[%mul3A_1085, %dma_wait3A_1086] : memref<100000x128xf32, #tpu.memory_space<hbm>> -> memref<160x128xf32, #tpu.memory_space<hbm>>
      %dma_wait3A_1088 = arith.constant 0 : i32
      %dma_wait3A_1089 = tpu.memref_slice %arg2[%mul3A_1085, %dma_wait3A_1088] : memref<100000x128xf32, #tpu.memory_space<hbm>> -> memref<160x128xf32, #tpu.memory_space<hbm>>
      tpu.wait_dma2 semaphore(%arg21 : memref<!tpu.dma_semaphore, #tpu.memory_space<semaphore_mem>>) src(%dma_wait3A_1089 : memref<160x128xf32, #tpu.memory_space<hbm>>) dst(%arg12 : memref<160x128xf32, #tpu.memory_space<vmem>>)
    } else {
    }
    %mul3A_956 = arith.constant 20 : i32
    %mul3A_957 = arith.muli %add3A, %mul3A_956 : i32
    %add3A_958 = arith.constant 15 : i32
    %add3A_959 = arith.addi %mul3A_957, %add3A_958 : i32
    %mul3A_960 = arith.constant 160 : i32
    %mul3A_961 = arith.muli %add3A_959, %mul3A_960 : i32
    %add3A_962 = arith.constant 160 : i32
    %add3A_963 = arith.addi %mul3A_961, %add3A_962 : i32
    %le3A_964 = arith.constant 100000 : i32
    %le3A_965 = arith.cmpi sle, %add3A_963, %le3A_964 : i32
    %convert_element_type3A_966 = arith.extui %le3A_965 : i1 to i32
    %cond3A_967 = arith.constant 0 : i32
    %cond3A_968 = arith.cmpi ne, %convert_element_type3A_966, %cond3A_967 : i32
    scf.if %cond3A_968 {
      %dma_wait3A_1080 = arith.constant 2400 : i32
      %dma_wait3A_1081 = tpu.memref_slice %arg14[%dma_wait3A_1080] : memref<3200xi32, #tpu.memory_space<vmem>> -> memref<160xi32, #tpu.memory_space<vmem>>
      %dma_wait3A_1082 = arith.constant 0 : i32
      %dma_wait3A_1083 = arith.constant 0 : i32
      %dma_wait3A_1084 = tpu.memref_slice %arg16[%dma_wait3A_1082, %dma_wait3A_1083] : memref<513x128xf32, #tpu.memory_space<vmem_shared>> -> memref<513x128xf32, #tpu.memory_space<vmem_shared>>
      tpu.wait_indirect_dma semaphore(%arg23 : memref<!tpu.dma_semaphore, #tpu.memory_space<semaphore_mem>>) src(%arg9 : memref<160x128xf32, #tpu.memory_space<vmem>>) dst(%dma_wait3A_1084 : memref<513x128xf32, #tpu.memory_space<vmem_shared>>)
      %dma_wait3A_1085 = arith.constant 2400 : i32
      %dma_wait3A_1086 = tpu.memref_slice %arg14[%dma_wait3A_1085] : memref<3200xi32, #tpu.memory_space<vmem>> -> memref<160xi32, #tpu.memory_space<vmem>>
      %dma_wait3A_1087 = arith.constant 0 : i32
      %dma_wait3A_1088 = arith.constant 0 : i32
      %dma_wait3A_1089 = tpu.memref_slice %arg17[%dma_wait3A_1087, %dma_wait3A_1088] : memref<513x8xf32, #tpu.memory_space<vmem_shared>> -> memref<513x8xf32, #tpu.memory_space<vmem_shared>>
      tpu.wait_indirect_dma semaphore(%arg28 : memref<!tpu.dma_semaphore, #tpu.memory_space<semaphore_mem>>) src(%arg15 : memref<160x8xf32, #tpu.memory_space<vmem>>) dst(%dma_wait3A_1089 : memref<513x8xf32, #tpu.memory_space<vmem_shared>>)
    } else {
    }
    %mul3A_969 = arith.constant 20 : i32
    %mul3A_970 = arith.muli %add3A, %mul3A_969 : i32
    %add3A_971 = arith.constant 18 : i32
    %add3A_972 = arith.addi %mul3A_970, %add3A_971 : i32
    %mul3A_973 = arith.constant 160 : i32
    %mul3A_974 = arith.muli %add3A_972, %mul3A_973 : i32
    %add3A_975 = arith.constant 160 : i32
    %add3A_976 = arith.addi %mul3A_974, %add3A_975 : i32
    %le3A_977 = arith.constant 100000 : i32
    %le3A_978 = arith.cmpi sle, %add3A_976, %le3A_977 : i32
    %convert_element_type3A_979 = arith.extui %le3A_978 : i1 to i32
    %cond3A_980 = arith.constant 0 : i32
    %cond3A_981 = arith.cmpi ne, %convert_element_type3A_979, %cond3A_980 : i32
    scf.if %cond3A_981 {
      %dma_start3A_1080 = arith.constant 2880 : i32
      %dma_start3A_1081 = tpu.memref_slice %arg14[%dma_start3A_1080] : memref<3200xi32, #tpu.memory_space<vmem>> -> memref<160xi32, #tpu.memory_space<vmem>>
      %dma_start3A_1082 = arith.constant 0 : i32
      %dma_start3A_1083 = arith.constant 0 : i32
      %dma_start3A_1084 = tpu.memref_slice %arg16[%dma_start3A_1082, %dma_start3A_1083] : memref<513x128xf32, #tpu.memory_space<vmem_shared>> -> memref<513x128xf32, #tpu.memory_space<vmem_shared>>
      tpu.enqueue_indirect_dma source(%arg12 : memref<160x128xf32, #tpu.memory_space<vmem>>) target(%dma_start3A_1084 : memref<513x128xf32, #tpu.memory_space<vmem_shared>>) offsets(%dma_start3A_1081 : memref<160xi32, #tpu.memory_space<vmem>>) semaphore(%arg26 : memref<!tpu.dma_semaphore, #tpu.memory_space<semaphore_mem>>) {add = true}
      %dma_start3A_1085 = arith.constant 2880 : i32
      %dma_start3A_1086 = tpu.memref_slice %arg14[%dma_start3A_1085] : memref<3200xi32, #tpu.memory_space<vmem>> -> memref<160xi32, #tpu.memory_space<vmem>>
      %dma_start3A_1087 = arith.constant 0 : i32
      %dma_start3A_1088 = arith.constant 0 : i32
      %dma_start3A_1089 = tpu.memref_slice %arg17[%dma_start3A_1087, %dma_start3A_1088] : memref<513x8xf32, #tpu.memory_space<vmem_shared>> -> memref<513x8xf32, #tpu.memory_space<vmem_shared>>
      tpu.enqueue_indirect_dma source(%arg15 : memref<160x8xf32, #tpu.memory_space<vmem>>) target(%dma_start3A_1089 : memref<513x8xf32, #tpu.memory_space<vmem_shared>>) offsets(%dma_start3A_1086 : memref<160xi32, #tpu.memory_space<vmem>>) semaphore(%arg28 : memref<!tpu.dma_semaphore, #tpu.memory_space<semaphore_mem>>) {add = true}
    } else {
    }
    %mul3A_982 = arith.constant 20 : i32
    %mul3A_983 = arith.muli %add3A, %mul3A_982 : i32
    %add3A_984 = arith.constant 19 : i32
    %add3A_985 = arith.addi %mul3A_983, %add3A_984 : i32
    %mul3A_986 = arith.constant 160 : i32
    %mul3A_987 = arith.muli %add3A_985, %mul3A_986 : i32
    %add3A_988 = arith.constant 160 : i32
    %add3A_989 = arith.addi %mul3A_987, %add3A_988 : i32
    %le3A_990 = arith.constant 100000 : i32
    %le3A_991 = arith.cmpi sle, %add3A_989, %le3A_990 : i32
    %convert_element_type3A_992 = arith.extui %le3A_991 : i1 to i32
    %cond3A_993 = arith.constant 0 : i32
    %cond3A_994 = arith.cmpi ne, %convert_element_type3A_992, %cond3A_993 : i32
    scf.if %cond3A_994 {
      %mul3A_1080 = arith.constant 20 : i32
      %mul3A_1081 = arith.muli %add3A, %mul3A_1080 : i32
      %add3A_1082 = arith.constant 19 : i32
      %add3A_1083 = arith.addi %mul3A_1081, %add3A_1082 : i32
      %mul3A_1084 = arith.constant 160 : i32
      %mul3A_1085 = arith.muli %add3A_1083, %mul3A_1084 : i32
      %dma_wait3A_1086 = arith.constant 0 : i32
      %dma_wait3A_1087 = tpu.memref_slice %arg2[%mul3A_1085, %dma_wait3A_1086] : memref<100000x128xf32, #tpu.memory_space<hbm>> -> memref<160x128xf32, #tpu.memory_space<hbm>>
      %dma_wait3A_1088 = arith.constant 0 : i32
      %dma_wait3A_1089 = tpu.memref_slice %arg2[%mul3A_1085, %dma_wait3A_1088] : memref<100000x128xf32, #tpu.memory_space<hbm>> -> memref<160x128xf32, #tpu.memory_space<hbm>>
      tpu.wait_dma2 semaphore(%arg22 : memref<!tpu.dma_semaphore, #tpu.memory_space<semaphore_mem>>) src(%dma_wait3A_1089 : memref<160x128xf32, #tpu.memory_space<hbm>>) dst(%arg13 : memref<160x128xf32, #tpu.memory_space<vmem>>)
    } else {
    }
    %mul3A_995 = arith.constant 20 : i32
    %mul3A_996 = arith.muli %add3A, %mul3A_995 : i32
    %add3A_997 = arith.constant 16 : i32
    %add3A_998 = arith.addi %mul3A_996, %add3A_997 : i32
    %mul3A_999 = arith.constant 160 : i32
    %mul3A_1000 = arith.muli %add3A_998, %mul3A_999 : i32
    %add3A_1001 = arith.constant 160 : i32
    %add3A_1002 = arith.addi %mul3A_1000, %add3A_1001 : i32
    %le3A_1003 = arith.constant 100000 : i32
    %le3A_1004 = arith.cmpi sle, %add3A_1002, %le3A_1003 : i32
    %convert_element_type3A_1005 = arith.extui %le3A_1004 : i1 to i32
    %cond3A_1006 = arith.constant 0 : i32
    %cond3A_1007 = arith.cmpi ne, %convert_element_type3A_1005, %cond3A_1006 : i32
    scf.if %cond3A_1007 {
      %dma_wait3A_1080 = arith.constant 2560 : i32
      %dma_wait3A_1081 = tpu.memref_slice %arg14[%dma_wait3A_1080] : memref<3200xi32, #tpu.memory_space<vmem>> -> memref<160xi32, #tpu.memory_space<vmem>>
      %dma_wait3A_1082 = arith.constant 0 : i32
      %dma_wait3A_1083 = arith.constant 0 : i32
      %dma_wait3A_1084 = tpu.memref_slice %arg16[%dma_wait3A_1082, %dma_wait3A_1083] : memref<513x128xf32, #tpu.memory_space<vmem_shared>> -> memref<513x128xf32, #tpu.memory_space<vmem_shared>>
      tpu.wait_indirect_dma semaphore(%arg24 : memref<!tpu.dma_semaphore, #tpu.memory_space<semaphore_mem>>) src(%arg10 : memref<160x128xf32, #tpu.memory_space<vmem>>) dst(%dma_wait3A_1084 : memref<513x128xf32, #tpu.memory_space<vmem_shared>>)
      %dma_wait3A_1085 = arith.constant 2560 : i32
      %dma_wait3A_1086 = tpu.memref_slice %arg14[%dma_wait3A_1085] : memref<3200xi32, #tpu.memory_space<vmem>> -> memref<160xi32, #tpu.memory_space<vmem>>
      %dma_wait3A_1087 = arith.constant 0 : i32
      %dma_wait3A_1088 = arith.constant 0 : i32
      %dma_wait3A_1089 = tpu.memref_slice %arg17[%dma_wait3A_1087, %dma_wait3A_1088] : memref<513x8xf32, #tpu.memory_space<vmem_shared>> -> memref<513x8xf32, #tpu.memory_space<vmem_shared>>
      tpu.wait_indirect_dma semaphore(%arg28 : memref<!tpu.dma_semaphore, #tpu.memory_space<semaphore_mem>>) src(%arg15 : memref<160x8xf32, #tpu.memory_space<vmem>>) dst(%dma_wait3A_1089 : memref<513x8xf32, #tpu.memory_space<vmem_shared>>)
    } else {
    }
    %mul3A_1008 = arith.constant 20 : i32
    %mul3A_1009 = arith.muli %add3A, %mul3A_1008 : i32
    %add3A_1010 = arith.constant 19 : i32
    %add3A_1011 = arith.addi %mul3A_1009, %add3A_1010 : i32
    %mul3A_1012 = arith.constant 160 : i32
    %mul3A_1013 = arith.muli %add3A_1011, %mul3A_1012 : i32
    %add3A_1014 = arith.constant 160 : i32
    %add3A_1015 = arith.addi %mul3A_1013, %add3A_1014 : i32
    %le3A_1016 = arith.constant 100000 : i32
    %le3A_1017 = arith.cmpi sle, %add3A_1015, %le3A_1016 : i32
    %convert_element_type3A_1018 = arith.extui %le3A_1017 : i1 to i32
    %cond3A_1019 = arith.constant 0 : i32
    %cond3A_1020 = arith.cmpi ne, %convert_element_type3A_1018, %cond3A_1019 : i32
    scf.if %cond3A_1020 {
      %dma_start3A_1080 = arith.constant 3040 : i32
      %dma_start3A_1081 = tpu.memref_slice %arg14[%dma_start3A_1080] : memref<3200xi32, #tpu.memory_space<vmem>> -> memref<160xi32, #tpu.memory_space<vmem>>
      %dma_start3A_1082 = arith.constant 0 : i32
      %dma_start3A_1083 = arith.constant 0 : i32
      %dma_start3A_1084 = tpu.memref_slice %arg16[%dma_start3A_1082, %dma_start3A_1083] : memref<513x128xf32, #tpu.memory_space<vmem_shared>> -> memref<513x128xf32, #tpu.memory_space<vmem_shared>>
      tpu.enqueue_indirect_dma source(%arg13 : memref<160x128xf32, #tpu.memory_space<vmem>>) target(%dma_start3A_1084 : memref<513x128xf32, #tpu.memory_space<vmem_shared>>) offsets(%dma_start3A_1081 : memref<160xi32, #tpu.memory_space<vmem>>) semaphore(%arg27 : memref<!tpu.dma_semaphore, #tpu.memory_space<semaphore_mem>>) {add = true}
      %dma_start3A_1085 = arith.constant 3040 : i32
      %dma_start3A_1086 = tpu.memref_slice %arg14[%dma_start3A_1085] : memref<3200xi32, #tpu.memory_space<vmem>> -> memref<160xi32, #tpu.memory_space<vmem>>
      %dma_start3A_1087 = arith.constant 0 : i32
      %dma_start3A_1088 = arith.constant 0 : i32
      %dma_start3A_1089 = tpu.memref_slice %arg17[%dma_start3A_1087, %dma_start3A_1088] : memref<513x8xf32, #tpu.memory_space<vmem_shared>> -> memref<513x8xf32, #tpu.memory_space<vmem_shared>>
      tpu.enqueue_indirect_dma source(%arg15 : memref<160x8xf32, #tpu.memory_space<vmem>>) target(%dma_start3A_1089 : memref<513x8xf32, #tpu.memory_space<vmem_shared>>) offsets(%dma_start3A_1086 : memref<160xi32, #tpu.memory_space<vmem>>) semaphore(%arg28 : memref<!tpu.dma_semaphore, #tpu.memory_space<semaphore_mem>>) {add = true}
    } else {
    }
    %mul3A_1021 = arith.constant 20 : i32
    %mul3A_1022 = arith.muli %add3A, %mul3A_1021 : i32
    %add3A_1023 = arith.constant 17 : i32
    %add3A_1024 = arith.addi %mul3A_1022, %add3A_1023 : i32
    %mul3A_1025 = arith.constant 160 : i32
    %mul3A_1026 = arith.muli %add3A_1024, %mul3A_1025 : i32
    %add3A_1027 = arith.constant 160 : i32
    %add3A_1028 = arith.addi %mul3A_1026, %add3A_1027 : i32
    %le3A_1029 = arith.constant 100000 : i32
    %le3A_1030 = arith.cmpi sle, %add3A_1028, %le3A_1029 : i32
    %convert_element_type3A_1031 = arith.extui %le3A_1030 : i1 to i32
    %cond3A_1032 = arith.constant 0 : i32
    %cond3A_1033 = arith.cmpi ne, %convert_element_type3A_1031, %cond3A_1032 : i32
    scf.if %cond3A_1033 {
      %dma_wait3A_1080 = arith.constant 2720 : i32
      %dma_wait3A_1081 = tpu.memref_slice %arg14[%dma_wait3A_1080] : memref<3200xi32, #tpu.memory_space<vmem>> -> memref<160xi32, #tpu.memory_space<vmem>>
      %dma_wait3A_1082 = arith.constant 0 : i32
      %dma_wait3A_1083 = arith.constant 0 : i32
      %dma_wait3A_1084 = tpu.memref_slice %arg16[%dma_wait3A_1082, %dma_wait3A_1083] : memref<513x128xf32, #tpu.memory_space<vmem_shared>> -> memref<513x128xf32, #tpu.memory_space<vmem_shared>>
      tpu.wait_indirect_dma semaphore(%arg25 : memref<!tpu.dma_semaphore, #tpu.memory_space<semaphore_mem>>) src(%arg11 : memref<160x128xf32, #tpu.memory_space<vmem>>) dst(%dma_wait3A_1084 : memref<513x128xf32, #tpu.memory_space<vmem_shared>>)
      %dma_wait3A_1085 = arith.constant 2720 : i32
      %dma_wait3A_1086 = tpu.memref_slice %arg14[%dma_wait3A_1085] : memref<3200xi32, #tpu.memory_space<vmem>> -> memref<160xi32, #tpu.memory_space<vmem>>
      %dma_wait3A_1087 = arith.constant 0 : i32
      %dma_wait3A_1088 = arith.constant 0 : i32
      %dma_wait3A_1089 = tpu.memref_slice %arg17[%dma_wait3A_1087, %dma_wait3A_1088] : memref<513x8xf32, #tpu.memory_space<vmem_shared>> -> memref<513x8xf32, #tpu.memory_space<vmem_shared>>
      tpu.wait_indirect_dma semaphore(%arg28 : memref<!tpu.dma_semaphore, #tpu.memory_space<semaphore_mem>>) src(%arg15 : memref<160x8xf32, #tpu.memory_space<vmem>>) dst(%dma_wait3A_1089 : memref<513x8xf32, #tpu.memory_space<vmem_shared>>)
    } else {
    }
    %mul3A_1034 = arith.constant 20 : i32
    %mul3A_1035 = arith.muli %add3A, %mul3A_1034 : i32
    %add3A_1036 = arith.constant 18 : i32
    %add3A_1037 = arith.addi %mul3A_1035, %add3A_1036 : i32
    %mul3A_1038 = arith.constant 160 : i32
    %mul3A_1039 = arith.muli %add3A_1037, %mul3A_1038 : i32
    %add3A_1040 = arith.constant 160 : i32
    %add3A_1041 = arith.addi %mul3A_1039, %add3A_1040 : i32
    %le3A_1042 = arith.constant 100000 : i32
    %le3A_1043 = arith.cmpi sle, %add3A_1041, %le3A_1042 : i32
    %convert_element_type3A_1044 = arith.extui %le3A_1043 : i1 to i32
    %cond3A_1045 = arith.constant 0 : i32
    %cond3A_1046 = arith.cmpi ne, %convert_element_type3A_1044, %cond3A_1045 : i32
    scf.if %cond3A_1046 {
      %dma_wait3A_1080 = arith.constant 2880 : i32
      %dma_wait3A_1081 = tpu.memref_slice %arg14[%dma_wait3A_1080] : memref<3200xi32, #tpu.memory_space<vmem>> -> memref<160xi32, #tpu.memory_space<vmem>>
      %dma_wait3A_1082 = arith.constant 0 : i32
      %dma_wait3A_1083 = arith.constant 0 : i32
      %dma_wait3A_1084 = tpu.memref_slice %arg16[%dma_wait3A_1082, %dma_wait3A_1083] : memref<513x128xf32, #tpu.memory_space<vmem_shared>> -> memref<513x128xf32, #tpu.memory_space<vmem_shared>>
      tpu.wait_indirect_dma semaphore(%arg26 : memref<!tpu.dma_semaphore, #tpu.memory_space<semaphore_mem>>) src(%arg12 : memref<160x128xf32, #tpu.memory_space<vmem>>) dst(%dma_wait3A_1084 : memref<513x128xf32, #tpu.memory_space<vmem_shared>>)
      %dma_wait3A_1085 = arith.constant 2880 : i32
      %dma_wait3A_1086 = tpu.memref_slice %arg14[%dma_wait3A_1085] : memref<3200xi32, #tpu.memory_space<vmem>> -> memref<160xi32, #tpu.memory_space<vmem>>
      %dma_wait3A_1087 = arith.constant 0 : i32
      %dma_wait3A_1088 = arith.constant 0 : i32
      %dma_wait3A_1089 = tpu.memref_slice %arg17[%dma_wait3A_1087, %dma_wait3A_1088] : memref<513x8xf32, #tpu.memory_space<vmem_shared>> -> memref<513x8xf32, #tpu.memory_space<vmem_shared>>
      tpu.wait_indirect_dma semaphore(%arg28 : memref<!tpu.dma_semaphore, #tpu.memory_space<semaphore_mem>>) src(%arg15 : memref<160x8xf32, #tpu.memory_space<vmem>>) dst(%dma_wait3A_1089 : memref<513x8xf32, #tpu.memory_space<vmem_shared>>)
    } else {
    }
    %mul3A_1047 = arith.constant 20 : i32
    %mul3A_1048 = arith.muli %add3A, %mul3A_1047 : i32
    %add3A_1049 = arith.constant 19 : i32
    %add3A_1050 = arith.addi %mul3A_1048, %add3A_1049 : i32
    %mul3A_1051 = arith.constant 160 : i32
    %mul3A_1052 = arith.muli %add3A_1050, %mul3A_1051 : i32
    %add3A_1053 = arith.constant 160 : i32
    %add3A_1054 = arith.addi %mul3A_1052, %add3A_1053 : i32
    %le3A_1055 = arith.constant 100000 : i32
    %le3A_1056 = arith.cmpi sle, %add3A_1054, %le3A_1055 : i32
    %convert_element_type3A_1057 = arith.extui %le3A_1056 : i1 to i32
    %cond3A_1058 = arith.constant 0 : i32
    %cond3A_1059 = arith.cmpi ne, %convert_element_type3A_1057, %cond3A_1058 : i32
    scf.if %cond3A_1059 {
      %dma_wait3A_1080 = arith.constant 3040 : i32
      %dma_wait3A_1081 = tpu.memref_slice %arg14[%dma_wait3A_1080] : memref<3200xi32, #tpu.memory_space<vmem>> -> memref<160xi32, #tpu.memory_space<vmem>>
      %dma_wait3A_1082 = arith.constant 0 : i32
      %dma_wait3A_1083 = arith.constant 0 : i32
      %dma_wait3A_1084 = tpu.memref_slice %arg16[%dma_wait3A_1082, %dma_wait3A_1083] : memref<513x128xf32, #tpu.memory_space<vmem_shared>> -> memref<513x128xf32, #tpu.memory_space<vmem_shared>>
      tpu.wait_indirect_dma semaphore(%arg27 : memref<!tpu.dma_semaphore, #tpu.memory_space<semaphore_mem>>) src(%arg13 : memref<160x128xf32, #tpu.memory_space<vmem>>) dst(%dma_wait3A_1084 : memref<513x128xf32, #tpu.memory_space<vmem_shared>>)
      %dma_wait3A_1085 = arith.constant 3040 : i32
      %dma_wait3A_1086 = tpu.memref_slice %arg14[%dma_wait3A_1085] : memref<3200xi32, #tpu.memory_space<vmem>> -> memref<160xi32, #tpu.memory_space<vmem>>
      %dma_wait3A_1087 = arith.constant 0 : i32
      %dma_wait3A_1088 = arith.constant 0 : i32
      %dma_wait3A_1089 = tpu.memref_slice %arg17[%dma_wait3A_1087, %dma_wait3A_1088] : memref<513x8xf32, #tpu.memory_space<vmem_shared>> -> memref<513x8xf32, #tpu.memory_space<vmem_shared>>
      tpu.wait_indirect_dma semaphore(%arg28 : memref<!tpu.dma_semaphore, #tpu.memory_space<semaphore_mem>>) src(%arg15 : memref<160x8xf32, #tpu.memory_space<vmem>>) dst(%dma_wait3A_1089 : memref<513x8xf32, #tpu.memory_space<vmem_shared>>)
    } else {
    }
    %barrier3A_1060 = arith.constant 0 : index
    tpu.barrier barrier_id(%barrier3A_1060)
    %mul3A_1061 = arith.constant 512 : i32
    %mul3A_1062 = arith.muli %arg0, %mul3A_1061 : i32
    %add3A_1063 = arith.addi %mul3A_1062, %mul3A_2 : i32
    %dma_start3A_1064 = arith.constant 0 : i32
    %dma_start3A_1065 = tpu.memref_slice %arg7[%add3A_1063, %dma_start3A_1064] : memref<1024x128xf32, #tpu.memory_space<hbm>> -> memref<32x128xf32, #tpu.memory_space<hbm>>
    %dma_start3A_1066 = arith.constant 0 : i32
    %dma_start3A_1067 = tpu.memref_slice %arg16[%mul3A_2, %dma_start3A_1066] : memref<513x128xf32, #tpu.memory_space<vmem_shared>> -> memref<32x128xf32, #tpu.memory_space<vmem_shared>>
    tpu.enqueue_dma source(%dma_start3A_1067 : memref<32x128xf32, #tpu.memory_space<vmem_shared>>) target(%dma_start3A_1065 : memref<32x128xf32, #tpu.memory_space<hbm>>) target_semaphore(%arg18 : memref<!tpu.dma_semaphore, #tpu.memory_space<semaphore_mem>>)
    %dma_start3A_1068 = arith.constant 0 : i32
    %dma_start3A_1069 = tpu.memref_slice %arg8[%add3A_1063, %dma_start3A_1068] : memref<1024x8xf32, #tpu.memory_space<hbm>> -> memref<32x8xf32, #tpu.memory_space<hbm>>
    %dma_start3A_1070 = arith.constant 0 : i32
    %dma_start3A_1071 = tpu.memref_slice %arg17[%mul3A_2, %dma_start3A_1070] : memref<513x8xf32, #tpu.memory_space<vmem_shared>> -> memref<32x8xf32, #tpu.memory_space<vmem_shared>>
    tpu.enqueue_dma source(%dma_start3A_1071 : memref<32x8xf32, #tpu.memory_space<vmem_shared>>) target(%dma_start3A_1069 : memref<32x8xf32, #tpu.memory_space<hbm>>) target_semaphore(%arg19 : memref<!tpu.dma_semaphore, #tpu.memory_space<semaphore_mem>>)
    %dma_wait3A_1072 = arith.constant 0 : i32
    %dma_wait3A_1073 = tpu.memref_slice %arg7[%add3A_1063, %dma_wait3A_1072] : memref<1024x128xf32, #tpu.memory_space<hbm>> -> memref<32x128xf32, #tpu.memory_space<hbm>>
    %dma_wait3A_1074 = arith.constant 0 : i32
    %dma_wait3A_1075 = tpu.memref_slice %arg16[%mul3A_2, %dma_wait3A_1074] : memref<513x128xf32, #tpu.memory_space<vmem_shared>> -> memref<32x128xf32, #tpu.memory_space<vmem_shared>>
    tpu.wait_dma2 semaphore(%arg18 : memref<!tpu.dma_semaphore, #tpu.memory_space<semaphore_mem>>) src(%dma_wait3A_1075 : memref<32x128xf32, #tpu.memory_space<vmem_shared>>) dst(%dma_wait3A_1073 : memref<32x128xf32, #tpu.memory_space<hbm>>)
    %dma_wait3A_1076 = arith.constant 0 : i32
    %dma_wait3A_1077 = tpu.memref_slice %arg8[%add3A_1063, %dma_wait3A_1076] : memref<1024x8xf32, #tpu.memory_space<hbm>> -> memref<32x8xf32, #tpu.memory_space<hbm>>
    %dma_wait3A_1078 = arith.constant 0 : i32
    %dma_wait3A_1079 = tpu.memref_slice %arg17[%mul3A_2, %dma_wait3A_1078] : memref<513x8xf32, #tpu.memory_space<vmem_shared>> -> memref<32x8xf32, #tpu.memory_space<vmem_shared>>
    tpu.wait_dma2 semaphore(%arg19 : memref<!tpu.dma_semaphore, #tpu.memory_space<semaphore_mem>>) src(%dma_wait3A_1079 : memref<32x8xf32, #tpu.memory_space<vmem_shared>>) dst(%dma_wait3A_1077 : memref<32x8xf32, #tpu.memory_space<hbm>>)
    return
  }
}

module attributes {stable_mosaic.version = 14 : i64} {
  func.func @_mlp_body(%arg0: memref<1024x128xf32, #tpu.memory_space<vmem>>, %arg1: memref<1024x8xf32, #tpu.memory_space<vmem>>, %arg2: memref<128x128xf32, #tpu.memory_space<vmem>>, %arg3: memref<1x128xf32, #tpu.memory_space<vmem>>, %arg4: memref<128x128xf32, #tpu.memory_space<vmem>>, %arg5: memref<1x128xf32, #tpu.memory_space<vmem>>, %arg6: memref<512x128xf32, #tpu.memory_space<vmem>>) attributes {dimension_semantics = [], scalar_prefetch = 0 : i64, scratch_operands = 0 : i64, tpu.core_type = #tpu.core_type<tc>} {
    %get3A = arith.constant 0 : index
    %get3A_0 = arith.constant 0 : index
    %get3A_1 = vector.load %arg0[%get3A, %get3A_0] : memref<1024x128xf32, #tpu.memory_space<vmem>>, vector<512x128xf32>
    %get3A_2 = arith.constant 512 : index
    %get3A_3 = arith.constant 0 : index
    %get3A_4 = vector.load %arg0[%get3A_2, %get3A_3] : memref<1024x128xf32, #tpu.memory_space<vmem>>, vector<512x128xf32>
    %add3A = arith.addf %get3A_1, %get3A_4 : vector<512x128xf32>
    %get3A_5 = arith.constant 0 : index
    %get3A_6 = arith.constant 0 : index
    %get3A_7 = vector.load %arg1[%get3A_5, %get3A_6] : memref<1024x8xf32, #tpu.memory_space<vmem>>, vector<512x1xf32>
    %get3A_8 = arith.constant 512 : index
    %get3A_9 = arith.constant 0 : index
    %get3A_10 = vector.load %arg1[%get3A_8, %get3A_9] : memref<1024x8xf32, #tpu.memory_space<vmem>>, vector<512x1xf32>
    %add3A_11 = arith.addf %get3A_7, %get3A_10 : vector<512x1xf32>
    %max3A = arith.constant 1.000000e+00 : f32
    %max3A_12 = vector.broadcast %max3A : f32 to vector<512x1xf32>
    %max3A_13 = arith.maximumf %add3A_11, %max3A_12 : vector<512x1xf32>
    %div3A = vector.broadcast %max3A_13 : vector<512x1xf32> to vector<512x128xf32>
    %div3A_14 = arith.divf %add3A, %div3A : vector<512x128xf32>
    %get3A_15 = arith.constant 0 : index
    %get3A_16 = arith.constant 0 : index
    %get3A_17 = vector.load %arg2[%get3A_15, %get3A_16] : memref<128x128xf32, #tpu.memory_space<vmem>>, vector<128x128xf32>
    %dot_general3A = arith.constant dense<0.000000e+00> : vector<512x128xf32>
    %dot_general3A_18 = tpu.matmul %div3A_14, %get3A_17, %dot_general3A {dimension_numbers = #tpu.dot_dimension_numbers<[1], [0], [0], [1], [0, 0, 1, 1], [], []>, transpose_lhs_hint = false} : vector<512x128xf32>, vector<128x128xf32>, vector<512x128xf32> -> vector<512x128xf32>
    %get3A_19 = arith.constant 0 : index
    %get3A_20 = arith.constant 0 : index
    %get3A_21 = vector.load %arg3[%get3A_19, %get3A_20] : memref<1x128xf32, #tpu.memory_space<vmem>>, vector<1x128xf32>
    %add3A_22 = vector.broadcast %get3A_21 : vector<1x128xf32> to vector<512x128xf32>
    %add3A_23 = arith.addf %dot_general3A_18, %add3A_22 : vector<512x128xf32>
    %max3A_24 = arith.constant 0.000000e+00 : f32
    %max3A_25 = vector.broadcast %max3A_24 : f32 to vector<512x128xf32>
    %max3A_26 = arith.maximumf %add3A_23, %max3A_25 : vector<512x128xf32>
    %get3A_27 = arith.constant 0 : index
    %get3A_28 = arith.constant 0 : index
    %get3A_29 = vector.load %arg4[%get3A_27, %get3A_28] : memref<128x128xf32, #tpu.memory_space<vmem>>, vector<128x128xf32>
    %dot_general3A_30 = arith.constant dense<0.000000e+00> : vector<512x128xf32>
    %dot_general3A_31 = tpu.matmul %max3A_26, %get3A_29, %dot_general3A_30 {dimension_numbers = #tpu.dot_dimension_numbers<[1], [0], [0], [1], [0, 0, 1, 1], [], []>, transpose_lhs_hint = false} : vector<512x128xf32>, vector<128x128xf32>, vector<512x128xf32> -> vector<512x128xf32>
    %get3A_32 = arith.constant 0 : index
    %get3A_33 = arith.constant 0 : index
    %get3A_34 = vector.load %arg5[%get3A_32, %get3A_33] : memref<1x128xf32, #tpu.memory_space<vmem>>, vector<1x128xf32>
    %add3A_35 = vector.broadcast %get3A_34 : vector<1x128xf32> to vector<512x128xf32>
    %add3A_36 = arith.addf %dot_general3A_31, %add3A_35 : vector<512x128xf32>
    %swap3A = arith.constant 0 : index
    %swap3A_37 = arith.constant 0 : index
    %swap3A_38 = vector.load %arg6[%swap3A, %swap3A_37] : memref<512x128xf32, #tpu.memory_space<vmem>>, vector<512x128xf32>
    tpu.vector_store %arg6[%swap3A, %swap3A_37], %add3A_36 {strides = array<i32>} : memref<512x128xf32, #tpu.memory_space<vmem>>, vector<512x128xf32>,
    return
  }
}

</mosaic_0001>

<sc_bundles>
// kernel: kernel.4.cloned.1.call-start
scs
__scs_entry_jumppad:
0x0: {  	(pc) =	sbr.rel $0x88, $3  }
0x1: {  	(tag) =	ssettag $0x0;
	lr =	simm.s32 $0x1  }
0x2: {  	[smem:$0x3F9B] =	sst lr;
	_ =	strace $0xD0000000  }
0x3: {  	_ = 	snop  }
0x4: {  	_ = 	snop  }
0x5: {  	_ = 	snop  }
0x6: {  	_ = 	snop  }
0x7: {  	_ = 	snop  }
__scs_overlays_trampoline_lowered:
0x8: {  	[smem:$0x3FAA] =	sst s0  }
0x9: {  	[smem:$0x3FAB] =	sst s1  }
0xa: {  	[smem:$0x3FAC] =	sst s2  }
0xb: {  	[smem:$0x3FAD] =	sst s3  }
0xc: {  	[smem:$0x3FAE] =	sst s4  }
0xd: {  	[smem:$0x3FAF] =	sst s5  }
0xe: {  	[smem:$0x3FB0] =	sst s6  }
0xf: {  	[smem:$0x3FB1] =	sst s7  }
0x10: {  	[smem:$0x3FB2] =	sst s8  }
0x11: {  	[smem:$0x3FB3] =	sst s9;
	s0 =	simm.s32 @!p0 $0x0  }
0x12: {  	s1 =	sld [smem:$0x3F99];
	s0 =	simm.s32 @p0 $0x1  }
0x13: {  	[smem:$0x3FB4] =	sst s0;
	s0 =	simm.s32 @!p1 $0x0  }
0x14: {  	s2 =	sld [smem:$0x3F98];
	s0 =	simm.s32 @p1 $0x1  }
0x15: {  	[smem:$0x3FB5] =	sst s0;
	s0 =	simm.s32 @!p2 $0x0  }
0x16: {  	s3 =	sld [smem:$0x3FDB];
	s0 =	simm.s32 @p2 $0x1  }
0x17: {  	s4 =	simm.s32 $0x1BF5;
	[smem:$0x3FB7] =	sst s0  }
0x18: {  	s0 =	sld [smem:$0x3F9A];
	_ =	swait.ge [sflag:s4], $0x0  }
0x19: {  	s7 =	sld [smem:$0x3F9B]  }
0x1a: {  	s8 =	sadd.s32 $0xFFFFE003, lr  }
0x1b: {  	s9 =	sadd.s32 $0xFFFFFEF7, lr;
	s5 =	simm.s32 $0xFFFFFFFF;
	p2 =	slt.u32 s8, $0xFFFFF086  }
0x1c: {  	p1 =	slt.u32 s9, $0xF7A;
	s5 =	simm.s32 @!p2 $0x0  }
0x1d: {  	s5 =	simm.s32 @p1 $0x1;
	p0 =	seq.s32 s7, s2  }
0x1e: {  	s7 =	smul.u32 @!p0 $0xF7A, s2;
	p2 =	seq.s32 @!p0 s5, $0x0  }
0x1f: {  	s9 =	smul.u32 $0xF7A, s1;
	s8 =	simm.s32 @!p0 $0x1BF5;
	p2 =	por !p2, p0  }
0x20: {  	[sflag:s8] =	ssyncset.s32 @!p0 $0xFFFFF086;
	s6 =	sadd.s32 @!p0 s3, s7;
	s7 =	simm.s32 @!p0 $0x108  }
0x21: {  	s3 =	sadd.s32 s3, s9;
	s6 =	sadd.s32 @!p0 $0x88, s6;
	s7 =	simm.s32 @p2 $0x1082  }
0x22: {  	[simem:s7], [sflag:s8] =	dma.local @!p0 [hbm:s6], $0xF7A  }
0x23: {  	s9 =	sor.u32 $0xD0000000, s2;
	s6 =	simm.s32 $0x108;
	_ =	swait.ge @!p0 [sflag:s8], $0x0  }
0x24: {  	s3 =	sadd.s32 $0x88, s3;
	s6 =	simm.s32 @!p1 $0x1082;
	[sflag:s4] =	ssyncset.s32 $0xFFFFF086  }
0x25: {  	[simem:s6], [sflag:s4] =	dma.local [hbm:s3], $0xF7A  }
0x26: {  	[smem:$0x3F9B] =	sst s1;
	(tag) =	ssettag s2;
	_ =	strace s9  }
0x27: {  	s1 =	sld [smem:$0x3FAB]  }
0x28: {  	s2 =	sld [smem:$0x3FAC]  }
0x29: {  	s4 =	sld [smem:$0x3FAE]  }
0x2a: {  	p0 =	seq.s32 s5, $0x0;
	s5 =	sld [smem:$0x3FAF]  }
0x2b: {  	s6 =	sld [smem:$0x3FB0]  }
0x2c: {  	s7 =	sld [smem:$0x3FB1]  }
0x2d: {  	s3 =	simm.s32 $0x108;
	s8 =	sld [smem:$0x3FB2]  }
0x2e: {  	s3 =	simm.s32 @!p0 $0x1082;
	s9 =	sld [smem:$0x3FB3]  }
0x2f: {  	lr =	sadd.s32 s0, s3;
	s0 =	sld [smem:$0x3FAA]  }
0x30: {  	s3 =	sld [smem:$0x3FAD]  }
0x31: {  	[smem:$0x3FB6] =	sst s10  }
0x32: {  	s10 =	sld [smem:$0x3FB4];
	_ =	sdelay $0x3  }
0x33: {  	p0 =	seq.s32 s10, $0x1;
	s10 =	sld [smem:$0x3FB6];
	_ =	sdelay $0x3  }
0x34: {  	[smem:$0x3FB6] =	sst s10  }
0x35: {  	s10 =	sld [smem:$0x3FB5];
	_ =	sdelay $0x3  }
0x36: {  	p1 =	seq.s32 s10, $0x1;
	s10 =	sld [smem:$0x3FB6];
	_ =	sdelay $0x3  }
0x37: {  	[smem:$0x3FB6] =	sst s10  }
0x38: {  	s10 =	sld [smem:$0x3FB7]  }
0x39: {  	_ = 	snop;
	(pc) =	sbr.ind lr, $3  }
0x3a: {  	_ = 	snop  }
0x3b: {  	_ = 	snop  }
0x3c: {  	p2 =	seq.s32 s10, $0x1;
	s10 =	sld [smem:$0x3FB6]  }
0x3d: {  	_ =	shalt  }
0x3e: {  	_ =	shalt  }
0x3f: {  	_ =	shalt  }
0x40: {  	_ =	shalt  }
0x41: {  	_ =	shalt  }
0x42: {  	_ =	shalt  }
0x43: {  	_ =	shalt  }
0x44: {  	_ =	shalt  }
0x45: {  	_ =	shalt  }
0x46: {  	_ =	shalt  }
0x47: {  	_ =	shalt  }
0x48: {  	_ =	shalt  }
0x49: {  	_ =	shalt  }
0x4a: {  	_ =	shalt  }
0x4b: {  	_ =	shalt  }
0x4c: {  	_ =	shalt  }
0x4d: {  	_ =	shalt  }
0x4e: {  	_ =	shalt  }
0x4f: {  	_ =	shalt  }
0x50: {  	_ =	shalt  }
0x51: {  	_ =	shalt  }
0x52: {  	_ =	shalt  }
0x53: {  	_ =	shalt  }
0x54: {  	_ =	shalt  }
0x55: {  	_ =	shalt  }
0x56: {  	_ =	shalt  }
0x57: {  	_ =	shalt  }
0x58: {  	_ =	shalt  }
0x59: {  	_ =	shalt  }
0x5a: {  	_ =	shalt  }
0x5b: {  	_ =	shalt  }
0x5c: {  	_ =	shalt  }
0x5d: {  	_ =	shalt  }
0x5e: {  	_ =	shalt  }
0x5f: {  	_ =	shalt  }
0x60: {  	_ =	shalt  }
0x61: {  	_ =	shalt  }
0x62: {  	_ =	shalt  }
0x63: {  	_ =	shalt  }
0x64: {  	_ =	shalt  }
0x65: {  	_ =	shalt  }
0x66: {  	_ =	shalt  }
0x67: {  	_ =	shalt  }
0x68: {  	_ =	shalt  }
0x69: {  	_ =	shalt  }
0x6a: {  	_ =	shalt  }
0x6b: {  	_ =	shalt  }
0x6c: {  	_ =	shalt  }
0x6d: {  	_ =	shalt  }
0x6e: {  	_ =	shalt  }
0x6f: {  	_ =	shalt  }
0x70: {  	_ =	shalt  }
0x71: {  	_ =	shalt  }
0x72: {  	_ =	shalt  }
0x73: {  	_ =	shalt  }
0x74: {  	_ =	shalt  }
0x75: {  	_ =	shalt  }
0x76: {  	_ =	shalt  }
0x77: {  	_ =	shalt  }
0x78: {  	_ =	shalt  }
0x79: {  	_ =	shalt  }
0x7a: {  	_ =	shalt  }
0x7b: {  	_ =	shalt  }
0x7c: {  	_ =	shalt  }
0x7d: {  	_ =	shalt  }
0x7e: {  	_ =	shalt  }
0x7f: {  	_ =	shalt  }
0x80: {  	_ =	shalt  }
0x81: {  	_ =	shalt  }
0x82: {  	_ =	shalt  }
0x83: {  	_ =	shalt  }
0x84: {  	_ =	shalt  }
0x85: {  	_ =	shalt  }
0x86: {  	_ =	shalt  }
0x87: {  	_ =	shalt  }
.Lfunc_end0:
.L_simem_size_0:
called_computation_lowered:
.L_overlay_start_0:
0x88: {  	s2 =	sld [smem:$0x3FD9]  }
0x89: {  	s3 =	sld [smem:$0x3FFE];
	_ =	sdelay $0x1  }
0x8a: {  	s1 =	srdreg.scid  }
0x8b: {  	s0 =	sand.u32 $0x1, s1  }
0x8c: {  	s17 =	sshll.u32 s0, $0xA;
	s2 =	sadd.s32 s3, s2  }
0x8d: {  	s2 =	sadd.s32 s2, s17  }
0x8e: {  	[smem:$0x3FC2] =	sst s2  }
0x8f: {  	_ = 	snop  }
0x90: {  	s2 =	sld [smem:$0x3FC9]  }
0x91: {  	s18 =	sld [smem:$0x3FD0];
	(tm) =	ssettm $0x1  }
0x92: {  	s4 =	sld [smem:$0x3FFB];
	_ =	sdelay $0x3  }
0x93: {  	_ =	strace s4  }
0x94: {  	s4 =	sld [smem:$0x3FFC];
	_ =	sdelay $0x3  }
0x95: {  	_ =	strace s4  }
0x96: {  	s4 =	sld [smem:$0x3FFD];
	_ =	sdelay $0x3  }
0x97: {  	_ =	strace s4  }
0x98: {  	_ =	strace $0x8FFFFFFF  }
0x99: {  	s19 =	sld [smem:$0x3FDB];
	_ =	sdelay $0x1  }
0x9a: {  	s5 =	simm.s32 $_scs_section_size  }
0x9b: {  	s6 =	simm.s32 $_size__tile_overlayer_lowered;
	s7 =	simm.s32 $_tile_overlayer_lowered  }
0x9c: {  	s22 =	simm.s32 $0x1BFF;
	s21 =	sshll.u32 s7, $0x1;
	s4 =	sadd.s32 s5, s19  }
0x9d: {  	s8 =	simm.s32 $0x0;
	s20 =	sshll.u32 s6, $0x1;
	s6 =	sadd.s32 s21, s4  }
0x9e: {  	[timem:s8], [sflag:s22] =	dma.local [hbm:s6], s20  }
0x9f: {  	_ =	swait.ge [sflag:s22], s20  }
0xa0: {  	s5 =	ssub.s32 $0x0, s20;
	[sflag:s22] =	ssyncset.done $0x0  }
0xa1: {  	[sflag:s22] =	ssyncadd.s32 s5;
	_ =	sdelay $0x1  }
0xa2: {  	s23 =	simm.s32 $0x1B8B  }
0xa3: {  	_ =	swait.ge [sflag:s23], $0x1  }
0xa4: {  	[sflag:s23] =	ssyncset.done $0x0  }
0xa5: {  	s25 =	simm.s32 $0x1B8E;
	s24 =	sld [smem:$0x3FFE];
	[sflag:s23] =	ssyncadd.s32 $0xFFFFFFFF  }
0xa6: {  	s26 =	simm.s32 $execute0_lowered;
	[smem:$0x3FD2] =	sst s25  }
0xa7: {  	s6 =	sshll.u32 s26, $0x1;
	_ =	strace $0x80000046;
	[dreg:$0x1] =	wrdreg $0xFFFFFFFF  }
0xa8: {  	s28 =	simm.s32 $_size_execute0_lowered;
	s4 =	sadd.s32 s4, s6;
	[dreg:$0x0] =	wrdreg $0x0  }
0xa9: {  	s6 =	sshll.u32 s28, $0x1;
	[dreg:$0x2] =	wrdreg s4  }
0xaa: {  	[dreg:$0x3] =	wrdreg s6  }
0xab: {  	[dreg:$0x4] =	wrdreg $0xC0  }
0xac: {  	_ =	task [dreg:s8], $0x5FFFF  }
0xad: {  	[dreg:$0x1] =	wrdreg $0xFFFFFFFF  }
0xae: {  	[dreg:$0x0] =	wrdreg $0x60  }
0xaf: {  	[dreg:$0x2] =	wrdreg s2  }
0xb0: {  	[dreg:$0x3] =	wrdreg s24  }
0xb1: {  	[dreg:$0x4] =	wrdreg s18  }
0xb2: {  	[dreg:$0x5] =	wrdreg $0x1A1800  }
0xb3: {  	[dreg:$0x6] =	wrdreg $0x1B1880  }
0xb4: {  	[dreg:$0x7] =	wrdreg $0x9  }
0xb5: {  	_ =	task.clear_ibuf [dreg:s8], $0x8FFFF;
	_ =	strace $0x90000046  }
0xb6: {  	s29 =	simm.s32 $0x9;
	_ =	strace $0x80000048  }
0xb7: {  	_ =	swait.ge [sflag:s29], $0x1  }
0xb8: {  	[sflag:s29] =	ssyncadd.s32 $0xFFFFFFFF  }
0xb9: {  	_ =	strace $0x90000048  }
0xba: {  	_ =	sfence  }
0xbb: {  	s30 =	sld [smem:$0x0];
	_ =	sdelay $0x2  }
0xbc: {  	s31 =	sshll.u32 s1, $0xD;
	s1 =	sshrl.u32 s1, $0x2  }
0xbd: {  	s3 =	sand.u32 $0x4000, s31;
	s1 =	sadd.s32 s1, s30  }
0xbe: {  	s0 =	sor.u32 s3, s0;
	s1 =	sshll.u32 s1, $0x11  }
0xbf: {  	s0 =	sor.u32 s1, s0  }
0xc0: {  	s0 =	sadd.s32 $0x8F2B, s0  }
0xc1: {  	[sflag:s0] =	ssyncadd.remote.s32 $0x1  }
0xc2: {  	_ =	sfence.sel $0xFFFF  }
0xc3: {  	[dreg:$0x0] =	wrdreg $0xFFFFFFFF;
	(pc) =	sbr.abs _section_cstart, $3  }
0xc4: {  	[dreg:$0x1] =	wrdreg $0xFFFFFFFF  }
0xc5: {  	_ =	task.clear_ibuf [dreg:s8], $0x2FFFF;
	_ =	strace $0x9FFFFFFF  }
0xc6: {  	(tm) =	ssettm $0x7FFFFFFF  }
0xc7: {  	_ =	shalt  }
tec
execute0_lowered:
.L_overlay_start_1:
0x0: {  	(tag) =	ssettag $0x1  }
0x1: {  	s0 =	rddreg [dreg:$0x0]  }
0x2: {  	s1 =	rddreg [dreg:$0x1]  }
0x3: {  	s2 =	srdreg.scid;
	s5 =	rddreg [dreg:$0x2]  }
0x4: {  	s13 =	stileid.u32;
	s3 =	rddreg [dreg:$0x4]  }
0x5: {  	s6 =	sand.u32 $0x1, s2;
	s2 =	rddreg [dreg:$0x3];
	s9 =	sshll.u32 s13, $0x5  }
0x6: {  	s12 =	sadd.s32 $0x4400, s1;
	s16 =	sshll.u32 s13, $0xC;
	s17 =	sshll.u32 s13, $0x9  }
0x7: {  	s19 =	sshll.u32 s13, $0x8;
	s4 =	sshll.u32 s6, $0x4;
	s10 =	sshll.u32 s6, $0x9  }
0x8: {  	s5 =	sadd.s32 s5, s17;
	s7 =	sor.u32 s13, s4;
	s4 =	simm.s32 $0x0  }
0x9: {  	s10 =	sor.u32 s9, s10;
	s9 =	sadd.s32 s9, s1;
	s8 =	smul.u32 $0x190, s7  }
0xa: {  	[smem:$0x7FF] =	sst s4;
	s11 =	sshll.u32 s10, $0x4;
	s18 =	smul.u32 $0x64000, s7  }
0xb: {  	s20 =	smul.u32 $0xC800, s7;
	_ =	strace $0x80000047;
	[dreg:$0x6] =	wrdreg s12  }
0xc: {  	s21 =	sadd.s32 $0x4600, s9;
	s11 =	sadd.s32 s11, s1;
	[dreg:$0x8] =	wrdreg s5  }
0xd: {  	s5 =	sadd.s32 s19, s3;
	[dreg:$0xa] =	wrdreg s21;
	s8 =	sadd.s32 s8, s1  }
0xe: {  	s1 =	sadd.s32 s10, s1;
	s10 =	sadd.s32 s16, s2;
	[dreg:$0x9] =	wrdreg s5  }
0xf: {  	s22 =	sshrl.u32 s18, $0x3;
	s23 =	sadd.s32 s0, s20;
	[dreg:$0x7] =	wrdreg s10  }
0x10: {  	s8 =	sadd.s32 $0x1200, s8;
	[dreg:$0xc] =	wrdreg s23;
	s0 =	sadd.s32 s0, s22  }
0x11: {  	[dreg:$0xb] =	wrdreg s8;
	s5 =	sadd.s32 $0xA00, s0  }
0x12: {  	s24 =	sadd.s32 $0x1400, s0;
	[dreg:$0xd] =	wrdreg s5  }
0x13: {  	s25 =	sadd.s32 $0x1E00, s0;
	[dreg:$0xe] =	wrdreg s24  }
0x14: {  	s26 =	sadd.s32 $0x2800, s0;
	[dreg:$0xf] =	wrdreg s25  }
0x15: {  	s8 =	sadd.s32 $0x3200, s0;
	[dreg:$0x10] =	wrdreg s26  }
0x16: {  	s9 =	sadd.s32 $0x3C00, s0;
	[dreg:$0x11] =	wrdreg s8  }
0x17: {  	s10 =	sadd.s32 $0x4600, s0;
	[dreg:$0x12] =	wrdreg s9  }
0x18: {  	s6 =	ssub.s32 $0x2, s6;
	s12 =	sadd.s32 $0x5000, s0;
	[dreg:$0x13] =	wrdreg s10  }
0x19: {  	s15 =	sshrl.u32 s6, $0x1;
	s14 =	sadd.s32 $0x5A00, s0;
	[dreg:$0x14] =	wrdreg s12  }
0x1a: {  	s6 =	ssub.s32 s6, s15;
	s15 =	sadd.s32 $0x6400, s0;
	[dreg:$0x15] =	wrdreg s14  }
0x1b: {  	s16 =	sadd.s32 $0x6E00, s0;
	[dreg:$0x16] =	wrdreg s15  }
0x1c: {  	s17 =	sadd.s32 $0x7800, s0;
	[dreg:$0x17] =	wrdreg s16  }
0x1d: {  	s18 =	sadd.s32 $0x8200, s0;
	[dreg:$0x18] =	wrdreg s17  }
0x1e: {  	s28 =	simm.s32 $0x3;
	s19 =	sadd.s32 $0x8C00, s0;
	[dreg:$0x19] =	wrdreg s18  }
0x1f: {  	s29 =	simm.s32 $0x4;
	s20 =	sadd.s32 $0x9600, s0;
	[dreg:$0x1a] =	wrdreg s19  }
0x20: {  	s30 =	simm.s32 $0x5000;
	s21 =	sadd.s32 $0xA000, s0;
	[dreg:$0x1b] =	wrdreg s20  }
0x21: {  	s31 =	simm.s32 $0xA000;
	s22 =	sadd.s32 $0xAA00, s0;
	[dreg:$0x1c] =	wrdreg s21  }
0x22: {  	p0 =	seq.s32 s7, $0x1F;
	s23 =	sadd.s32 $0xB400, s0;
	[dreg:$0x1d] =	wrdreg s22  }
0x23: {  	p1 =	sne.s32 s7, $0x1F;
	s0 =	sadd.s32 $0xBE00, s0;
	[dreg:$0x1e] =	wrdreg s23  }
0x24: {  	[dreg:$0x1f] =	wrdreg s0;
	s24 =	sadd.s32 $0x4C00, s11;
	s25 =	sadd.s32 $0x4800, s1  }
0x25: {  	s26 =	sshll.u32 s13, $0x6;
	s21 =	smax.u32 s6, $0x1;
	s23 =	simm.s32 $0x19000  }
0x26: {  	s5 =	simm.s32 $0xA0;
	s6 =	simm.s32 $0xF000;
	s8 =	simm.s32 $0x14000  }
.Ltmp0:
0x27: {  	s10 =	simm.s32 $0x6;
	s11 =	simm.s32 $0xB;
	(pc) =	sbr.rel .LBB2_1-.Ltmp0, $4  }
0x28: {  	s13 =	simm.s32 $0x5;
	s14 =	simm.s32 $0x7;
	[smem:$0x7FB] =	sst s24  }
0x29: {  	s15 =	simm.s32 $0x8;
	s16 =	simm.s32 $0xA;
	[smem:$0x7FC] =	sst s25  }
0x2a: {  	s17 =	simm.s32 $0x9;
	[smem:$0x7FD] =	sst s26;
	s22 =	sor.u32 $0x1C01, s26  }
0x2b: {  	s24 =	simm.s32 $0x19C80;
	s25 =	simm.s32 $0x1;
	s26 =	simm.s32 $0x2  }
.LBB2_3:
0x2c: {  	[bflag:$0x0] =	sbarrier.arrive $0xFFFF  }
0x2d: {  	s0 =	sld [smem:$0x7FB];
	_ =	sdelay $0x2  }
0x2e: {  	[hbm:s0], [sflag:s22] =	dma.local [spmem:s18], $0x200  }
0x2f: {  	s0 =	sld [smem:$0x7FC];
	_ =	sdelay $0x1  }
0x30: {  	s21 =	sadd.s32 $0xFFFFFFFF, s21  }
0x31: {  	[hbm:s0], [sflag:s19] =	dma.local [spmem:s1], $0x20  }
0x32: {  	p2 =	sne.s32 s21, $0x0;
	_ =	swait.ge [sflag:s25], $0x200  }
.Ltmp1:
0x33: {  	[sflag:s25] =	ssyncset.done $0x0;
	(pc) =	sbr.rel @!p2 .LBB2_4-.Ltmp1, $4  }
0x34: {  	[sflag:s25] =	ssyncadd.s32 $0xFFFFFE00  }
0x35: {  	_ =	swait.ge [sflag:s26], $0x20  }
0x36: {  	[sflag:s26] =	ssyncset.done $0x0  }
0x37: {  	[sflag:s26] =	ssyncadd.s32 $0xFFFFFFE0  }
.LBB2_1:
0x38: {  	s0 =	rddreg [dreg:$0x7]  }
0x39: {  	s7 =	rddreg [dreg:$0x8];
	s18 =	sshrl.u32 s0, $0x3  }
0x3a: {  	[spmem:s18], [sflag:s22] =	dma.local [hbm:s7], $0x200  }
0x3b: {  	s0 =	sld [smem:$0x7FD];
	_ =	sdelay $0x1  }
0x3c: {  	s9 =	rddreg [dreg:$0x9]  }
0x3d: {  	s12 =	rddreg [dreg:$0xa];
	s1 =	sshrl.u32 s9, $0x3;
	s19 =	sor.u32 $0x1C02, s0  }
0x3e: {  	[spmem:s1], [sflag:s19] =	dma.local [hbm:s12], $0x20  }
0x3f: {  	s0 =	rddreg [dreg:$0xb]  }
0x40: {  	[tilespmem:s23], [sflag:$0x3] =	stream.linear.gather [hbm4b:s0+s4], $0xC80, $0x38;
	[tilespmem:$0x1B290] =	vst v63  }
0x41: {  	s20 =	rddreg [dreg:$0x6]  }
0x42: {  	[tilespmem:s24], [sflag:$0x4] =	stream.linear.gather [hbm4b:s20+s4], $0x500, $0x38;
	[tilespmem:$0x1B290] =	vst v63  }
0x43: {  	_ =	swait.ge [sflag:s25], $0x200  }
0x44: {  	[sflag:s25] =	ssyncset.done $0x0  }
0x45: {  	[sflag:s25] =	ssyncadd.s32 $0xFFFFFE00  }
0x46: {  	_ =	swait.ge [sflag:s26], $0x20  }
0x47: {  	[sflag:s26] =	ssyncset.done $0x0  }
0x48: {  	[sflag:s26] =	ssyncadd.s32 $0xFFFFFFE0  }
0x49: {  	_ =	swait.ge [sflag:s28], $0xC80  }
0x4a: {  	[sflag:s28] =	ssyncset.done $0x0  }
0x4b: {  	[sflag:s28] =	ssyncadd.s32 $0xFFFFF380  }
0x4c: {  	_ =	swait.ge [sflag:s29], $0x500  }
0x4d: {  	[sflag:s29] =	ssyncset.done $0x0  }
0x4e: {  	[sflag:s29] =	ssyncadd.s32 $0xFFFFFB00  }
0x4f: {  	[bflag:$0x0] =	sbarrier.arrive $0xFFFF  }
0x50: {  	s7 =	rddreg [dreg:$0xc]  }
0x51: {  	[tilespmem:s4], [sflag:$0x1] =	stream.linear.gather [hbm4b:s7+s4], $0x5000, $0x38;
	[tilespmem:$0x1B290] =	vst v63  }
0x52: {  	s9 =	rddreg [dreg:$0xd]  }
0x53: {  	[tilespmem:s30], [sflag:$0x2] =	stream.linear.gather [hbm4b:s9+s4], $0x5000, $0x38;
	[tilespmem:$0x1B290] =	vst v63  }
0x54: {  	_ =	swait.ge [sflag:s25], $0x5000  }
0x55: {  	[sflag:s25] =	ssyncset.done $0x0  }
0x56: {  	s12 =	rddreg [dreg:$0xe];
	[sflag:s25] =	ssyncadd.s32 $0xFFFFB000  }
0x57: {  	[tilespmem:s31], [sflag:$0x3] =	stream.linear.gather [hbm4b:s12+s4], $0x5000, $0x38;
	[tilespmem:$0x1B290] =	vst v63  }
0x58: {  	_ = 	snop  }
0x59: {  	[spmem:s2] =	stream.indirect.scatter.add.f32 [tilespmem:s4], [sflag:$0x6], $0x80, s23, s5, $0xb8;
	[tilespmem:$0x1B290] =	vst v63  }
0x5a: {  	_ = 	snop  }
0x5b: {  	[spmem:s3] =	stream.indirect.scatter.add.f32 [tilespmem:s24], [sflag:$0xB], $0x8, s23, s5, $0xb8;
	[tilespmem:$0x1B290] =	vst v63  }
0x5c: {  	_ =	swait.ge [sflag:s26], $0x5000  }
0x5d: {  	[sflag:s26] =	ssyncset.done $0x0  }
0x5e: {  	s20 =	rddreg [dreg:$0xf];
	[sflag:s26] =	ssyncadd.s32 $0xFFFFB000  }
0x5f: {  	[tilespmem:s6], [sflag:$0x4] =	stream.linear.gather [hbm4b:s20+s4], $0x5000, $0x38;
	[tilespmem:$0x1B290] =	vst v63  }
0x60: {  	s7 =	simm.s32 $0x190A0  }
0x61: {  	[spmem:s2] =	stream.indirect.scatter.add.f32 [tilespmem:s30], [sflag:$0x7], $0x80, s7, s5, $0xb8;
	[tilespmem:$0x1B290] =	vst v63  }
0x62: {  	_ = 	snop  }
0x63: {  	[spmem:s3] =	stream.indirect.scatter.add.f32 [tilespmem:s24], [sflag:$0xB], $0x8, s7, s5, $0xb8;
	[tilespmem:$0x1B290] =	vst v63  }
0x64: {  	_ =	swait.ge [sflag:s28], $0x5000  }
0x65: {  	[sflag:s28] =	ssyncset.done $0x0  }
0x66: {  	s9 =	rddreg [dreg:$0x10];
	[sflag:s28] =	ssyncadd.s32 $0xFFFFB000  }
0x67: {  	[tilespmem:s8], [sflag:$0x5] =	stream.linear.gather [hbm4b:s9+s4], $0x5000, $0x38;
	[tilespmem:$0x1B290] =	vst v63  }
0x68: {  	s12 =	simm.s32 $0x19140  }
0x69: {  	[spmem:s2] =	stream.indirect.scatter.add.f32 [tilespmem:s31], [sflag:$0x8], $0x80, s12, s5, $0xb8;
	[tilespmem:$0x1B290] =	vst v63  }
0x6a: {  	_ = 	snop  }
0x6b: {  	[spmem:s3] =	stream.indirect.scatter.add.f32 [tilespmem:s24], [sflag:$0xB], $0x8, s12, s5, $0xb8;
	[tilespmem:$0x1B290] =	vst v63  }
0x6c: {  	_ =	swait.ge [sflag:s29], $0x5000  }
0x6d: {  	[sflag:s29] =	ssyncset.done $0x0  }
0x6e: {  	[sflag:s29] =	ssyncadd.s32 $0xFFFFB000  }
0x6f: {  	_ =	swait.ge [sflag:s10], $0x5000  }
0x70: {  	[sflag:s10] =	ssyncset.done $0x0  }
0x71: {  	[sflag:s10] =	ssyncadd.s32 $0xFFFFB000  }
0x72: {  	_ =	swait.ge [sflag:s11], $0x500  }
0x73: {  	[sflag:s11] =	ssyncset.done $0x0  }
0x74: {  	s0 =	simm.s32 @!p0 $0x0;
	s7 =	rddreg [dreg:$0x11];
	[sflag:s11] =	ssyncadd.s32 $0xFFFFFB00  }
0x75: {  	[tilespmem:s0], [sflag:$0x1] =	stream.linear.gather @!p0 [hbm4b:s7+s0], $0x5000, $0x38;
	[tilespmem:$0x1B290] =	vst v63  }
0x76: {  	s20 =	simm.s32 $0x191E0  }
0x77: {  	[spmem:s2] =	stream.indirect.scatter.add.f32 [tilespmem:s6], [sflag:$0x9], $0x80, s20, s5, $0xb8;
	[tilespmem:$0x1B290] =	vst v63  }
0x78: {  	_ = 	snop  }
0x79: {  	[spmem:s3] =	stream.indirect.scatter.add.f32 [tilespmem:s24], [sflag:$0xB], $0x8, s20, s5, $0xb8;
	[tilespmem:$0x1B290] =	vst v63  }
0x7a: {  	_ =	swait.ge [sflag:s13], $0x5000  }
0x7b: {  	[sflag:s13] =	ssyncset.done $0x0  }
0x7c: {  	[sflag:s13] =	ssyncadd.s32 $0xFFFFB000  }
0x7d: {  	_ =	swait.ge [sflag:s14], $0x5000  }
0x7e: {  	[sflag:s14] =	ssyncset.done $0x0  }
0x7f: {  	[sflag:s14] =	ssyncadd.s32 $0xFFFFB000  }
0x80: {  	_ =	swait.ge [sflag:s11], $0x500  }
0x81: {  	s9 =	simm.s32 @p1 $0x5000;
	[sflag:s11] =	ssyncset.done $0x0  }
0x82: {  	s7 =	simm.s32 @p1 $0x0;
	s20 =	rddreg [dreg:$0x12];
	[sflag:s11] =	ssyncadd.s32 $0xFFFFFB00  }
0x83: {  	[tilespmem:s9], [sflag:$0x2] =	stream.linear.gather @p1 [hbm4b:s20+s7], $0x5000, $0x38;
	[tilespmem:$0x1B290] =	vst v63  }
0x84: {  	s7 =	simm.s32 @p1 $0xA0;
	s9 =	simm.s32 @p1 $0x19280;
	s20 =	simm.s32 @p1 $0x14000  }
0x85: {  	[spmem:s2] =	stream.indirect.scatter.add.f32 @p1 [tilespmem:s20], [sflag:$0xA], $0x80, s9, s7, $0xb8;
	[tilespmem:$0x1B290] =	vst v63  }
0x86: {  	s20 =	simm.s32 @p1 $0x19C80  }
0x87: {  	[spmem:s3] =	stream.indirect.scatter.add.f32 @p1 [tilespmem:s20], [sflag:$0xB], $0x8, s9, s7, $0xb8;
	[tilespmem:$0x1B290] =	vst v63  }
0x88: {  	s7 =	simm.s32 @p1 $0x1  }
0x89: {  	_ =	swait.ge @p1 [sflag:s7], $0x5000  }
0x8a: {  	s9 =	simm.s32 @!p1 $0x19280;
	[sflag:s7] =	ssyncset.done @p1 $0x0  }
0x8b: {  	s20 =	simm.s32 @!p1 $0x14000;
	[sflag:s7] =	ssyncadd.s32 @p1 $0xFFFFB000;
	s7 =	simm.s32 @!p1 $0xA0  }
0x8c: {  	[spmem:s2] =	stream.indirect.scatter.add.f32 @!p1 [tilespmem:s20], [sflag:$0xA], $0x80, s9, s7, $0xb8;
	[tilespmem:$0x1B290] =	vst v63  }
0x8d: {  	s20 =	simm.s32 @!p1 $0x19C80  }
0x8e: {  	[spmem:s3] =	stream.indirect.scatter.add.f32 @!p1 [tilespmem:s20], [sflag:$0xB], $0x8, s9, s7, $0xb8;
	[tilespmem:$0x1B290] =	vst v63  }
0x8f: {  	_ =	swait.ge [sflag:s15], $0x5000  }
0x90: {  	[sflag:s15] =	ssyncset.done $0x0  }
0x91: {  	[sflag:s15] =	ssyncadd.s32 $0xFFFFB000  }
0x92: {  	_ =	swait.ge [sflag:s11], $0x500  }
0x93: {  	[sflag:s11] =	ssyncset.done $0x0  }
0x94: {  	s7 =	simm.s32 @p0 $0x9;
	[sflag:s11] =	ssyncadd.s32 $0xFFFFFB00  }
0x95: {  	_ =	swait.ge @p0 [sflag:s7], $0x5000  }
0x96: {  	[sflag:s7] =	ssyncset.done @p0 $0x0  }
0x97: {  	[sflag:s7] =	ssyncadd.s32 @p0 $0xFFFFB000;
	s7 =	simm.s32 @p0 $0xB  }
0x98: {  	_ =	swait.ge @p0 [sflag:s7], $0x500  }
0x99: {  	[sflag:s7] =	ssyncset.done @p0 $0x0  }
0x9a: {  	s9 =	rddreg [dreg:$0x13];
	[sflag:s7] =	ssyncadd.s32 @p0 $0xFFFFFB00;
	s7 =	simm.s32 @!p0 $0xA000  }
0x9b: {  	[tilespmem:s7], [sflag:$0x3] =	stream.linear.gather @!p0 [hbm4b:s9+s0], $0x5000, $0x38;
	[tilespmem:$0x1B290] =	vst v63  }
0x9c: {  	s7 =	simm.s32 @!p0 $0xA0;
	s9 =	simm.s32 @!p0 $0x19320  }
0x9d: {  	[spmem:s2] =	stream.indirect.scatter.add.f32 @!p0 [tilespmem:s0], [sflag:$0x6], $0x80, s9, s7, $0xb8;
	[tilespmem:$0x1B290] =	vst v63  }
0x9e: {  	s20 =	simm.s32 @!p0 $0x19C80  }
0x9f: {  	[spmem:s3] =	stream.indirect.scatter.add.f32 @!p0 [tilespmem:s20], [sflag:$0xB], $0x8, s9, s7, $0xb8;
	[tilespmem:$0x1B290] =	vst v63  }
0xa0: {  	s9 =	simm.s32 @!p0 $0x2  }
0xa1: {  	_ =	swait.ge @!p0 [sflag:s9], $0x5000  }
0xa2: {  	[sflag:s9] =	ssyncset.done @!p0 $0x0  }
0xa3: {  	[sflag:s9] =	ssyncadd.s32 @!p0 $0xFFFFB000;
	s9 =	simm.s32 @!p0 $0x9  }
0xa4: {  	_ =	swait.ge @!p0 [sflag:s9], $0x5000  }
0xa5: {  	[sflag:s9] =	ssyncset.done @!p0 $0x0  }
0xa6: {  	[sflag:s9] =	ssyncadd.s32 @!p0 $0xFFFFB000;
	s9 =	simm.s32 @!p0 $0xB  }
0xa7: {  	_ =	swait.ge @!p0 [sflag:s9], $0x500  }
0xa8: {  	[sflag:s9] =	ssyncset.done @!p0 $0x0  }
0xa9: {  	s12 =	rddreg [dreg:$0x14];
	[sflag:s9] =	ssyncadd.s32 @!p0 $0xFFFFFB00;
	s9 =	simm.s32 @!p0 $0xF000  }
0xaa: {  	[tilespmem:s9], [sflag:$0x4] =	stream.linear.gather @!p0 [hbm4b:s12+s0], $0x5000, $0x38;
	[tilespmem:$0x1B290] =	vst v63  }
0xab: {  	s0 =	simm.s32 @!p0 $0x193C0;
	s9 =	simm.s32 @!p0 $0x5000  }
0xac: {  	[spmem:s2] =	stream.indirect.scatter.add.f32 @!p0 [tilespmem:s9], [sflag:$0x7], $0x80, s0, s7, $0xb8;
	[tilespmem:$0x1B290] =	vst v63  }
0xad: {  	_ = 	snop  }
0xae: {  	[spmem:s3] =	stream.indirect.scatter.add.f32 @!p0 [tilespmem:s20], [sflag:$0xB], $0x8, s0, s7, $0xb8;
	[tilespmem:$0x1B290] =	vst v63  }
0xaf: {  	s0 =	simm.s32 @!p0 $0x3  }
0xb0: {  	_ =	swait.ge @!p0 [sflag:s0], $0x5000  }
0xb1: {  	[sflag:s0] =	ssyncset.done @!p0 $0x0  }
0xb2: {  	[sflag:s0] =	ssyncadd.s32 @!p0 $0xFFFFB000  }
0xb3: {  	_ =	swait.ge [sflag:s16], $0x5000  }
.Ltmp2:
0xb4: {  	[sflag:s16] =	ssyncset.done $0x0;
	(pc) =	sbr.rel @p0 .LBB2_3-.Ltmp2, $4  }
0xb5: {  	[sflag:s16] =	ssyncadd.s32 $0xFFFFB000  }
0xb6: {  	_ =	swait.ge [sflag:s11], $0x500  }
0xb7: {  	[sflag:s11] =	ssyncset.done $0x0  }
0xb8: {  	[sflag:s11] =	ssyncadd.s32 $0xFFFFFB00  }
0xb9: {  	s0 =	rddreg [dreg:$0x15]  }
0xba: {  	[tilespmem:s8], [sflag:$0x5] =	stream.linear.gather [hbm4b:s0+s4], $0x5000, $0x38;
	[tilespmem:$0x1B290] =	vst v63  }
0xbb: {  	s9 =	simm.s32 $0x19460  }
0xbc: {  	[spmem:s2] =	stream.indirect.scatter.add.f32 [tilespmem:s31], [sflag:$0x8], $0x80, s9, s5, $0xb8;
	[tilespmem:$0x1B290] =	vst v63  }
0xbd: {  	_ = 	snop  }
0xbe: {  	[spmem:s3] =	stream.indirect.scatter.add.f32 [tilespmem:s24], [sflag:$0xB], $0x8, s9, s5, $0xb8;
	[tilespmem:$0x1B290] =	vst v63  }
0xbf: {  	_ =	swait.ge [sflag:s29], $0x5000  }
0xc0: {  	[sflag:s29] =	ssyncset.done $0x0  }
0xc1: {  	[sflag:s29] =	ssyncadd.s32 $0xFFFFB000  }
0xc2: {  	_ =	swait.ge [sflag:s10], $0x5000  }
0xc3: {  	[sflag:s10] =	ssyncset.done $0x0  }
0xc4: {  	[sflag:s10] =	ssyncadd.s32 $0xFFFFB000  }
0xc5: {  	_ =	swait.ge [sflag:s11], $0x500  }
0xc6: {  	[sflag:s11] =	ssyncset.done $0x0  }
0xc7: {  	s12 =	rddreg [dreg:$0x16];
	[sflag:s11] =	ssyncadd.s32 $0xFFFFFB00  }
0xc8: {  	[tilespmem:s4], [sflag:$0x1] =	stream.linear.gather [hbm4b:s12+s4], $0x5000, $0x38;
	[tilespmem:$0x1B290] =	vst v63  }
0xc9: {  	s20 =	simm.s32 $0x19500  }
0xca: {  	[spmem:s2] =	stream.indirect.scatter.add.f32 [tilespmem:s6], [sflag:$0x9], $0x80, s20, s5, $0xb8;
	[tilespmem:$0x1B290] =	vst v63  }
0xcb: {  	_ = 	snop  }
0xcc: {  	[spmem:s3] =	stream.indirect.scatter.add.f32 [tilespmem:s24], [sflag:$0xB], $0x8, s20, s5, $0xb8;
	[tilespmem:$0x1B290] =	vst v63  }
0xcd: {  	_ =	swait.ge [sflag:s13], $0x5000  }
0xce: {  	[sflag:s13] =	ssyncset.done $0x0  }
0xcf: {  	[sflag:s13] =	ssyncadd.s32 $0xFFFFB000  }
0xd0: {  	_ =	swait.ge [sflag:s14], $0x5000  }
0xd1: {  	[sflag:s14] =	ssyncset.done $0x0  }
0xd2: {  	[sflag:s14] =	ssyncadd.s32 $0xFFFFB000  }
0xd3: {  	_ =	swait.ge [sflag:s11], $0x500  }
0xd4: {  	[sflag:s11] =	ssyncset.done $0x0  }
0xd5: {  	s7 =	rddreg [dreg:$0x17];
	[sflag:s11] =	ssyncadd.s32 $0xFFFFFB00  }
0xd6: {  	[tilespmem:s30], [sflag:$0x2] =	stream.linear.gather [hbm4b:s7+s4], $0x5000, $0x38;
	[tilespmem:$0x1B290] =	vst v63  }
0xd7: {  	s9 =	simm.s32 $0x195A0  }
0xd8: {  	[spmem:s2] =	stream.indirect.scatter.add.f32 [tilespmem:s8], [sflag:$0xA], $0x80, s9, s5, $0xb8;
	[tilespmem:$0x1B290] =	vst v63  }
0xd9: {  	_ = 	snop  }
0xda: {  	[spmem:s3] =	stream.indirect.scatter.add.f32 [tilespmem:s24], [sflag:$0xB], $0x8, s9, s5, $0xb8;
	[tilespmem:$0x1B290] =	vst v63  }
0xdb: {  	_ =	swait.ge [sflag:s25], $0x5000  }
0xdc: {  	[sflag:s25] =	ssyncset.done $0x0  }
0xdd: {  	[sflag:s25] =	ssyncadd.s32 $0xFFFFB000  }
0xde: {  	_ =	swait.ge [sflag:s15], $0x5000  }
0xdf: {  	[sflag:s15] =	ssyncset.done $0x0  }
0xe0: {  	[sflag:s15] =	ssyncadd.s32 $0xFFFFB000  }
0xe1: {  	_ =	swait.ge [sflag:s11], $0x500  }
0xe2: {  	[sflag:s11] =	ssyncset.done $0x0  }
0xe3: {  	s12 =	rddreg [dreg:$0x18];
	[sflag:s11] =	ssyncadd.s32 $0xFFFFFB00  }
0xe4: {  	[tilespmem:s31], [sflag:$0x3] =	stream.linear.gather [hbm4b:s12+s4], $0x5000, $0x38;
	[tilespmem:$0x1B290] =	vst v63  }
0xe5: {  	s20 =	simm.s32 $0x19640  }
0xe6: {  	[spmem:s2] =	stream.indirect.scatter.add.f32 [tilespmem:s4], [sflag:$0x6], $0x80, s20, s5, $0xb8;
	[tilespmem:$0x1B290] =	vst v63  }
0xe7: {  	_ = 	snop  }
0xe8: {  	[spmem:s3] =	stream.indirect.scatter.add.f32 [tilespmem:s24], [sflag:$0xB], $0x8, s20, s5, $0xb8;
	[tilespmem:$0x1B290] =	vst v63  }
0xe9: {  	_ =	swait.ge [sflag:s26], $0x5000  }
0xea: {  	[sflag:s26] =	ssyncset.done $0x0  }
0xeb: {  	[sflag:s26] =	ssyncadd.s32 $0xFFFFB000  }
0xec: {  	_ =	swait.ge [sflag:s17], $0x5000  }
0xed: {  	[sflag:s17] =	ssyncset.done $0x0  }
0xee: {  	[sflag:s17] =	ssyncadd.s32 $0xFFFFB000  }
0xef: {  	_ =	swait.ge [sflag:s11], $0x500  }
0xf0: {  	[sflag:s11] =	ssyncset.done $0x0  }
0xf1: {  	s7 =	rddreg [dreg:$0x19];
	[sflag:s11] =	ssyncadd.s32 $0xFFFFFB00  }
0xf2: {  	[tilespmem:s6], [sflag:$0x4] =	stream.linear.gather [hbm4b:s7+s4], $0x5000, $0x38;
	[tilespmem:$0x1B290] =	vst v63  }
0xf3: {  	s9 =	simm.s32 $0x196E0  }
0xf4: {  	[spmem:s2] =	stream.indirect.scatter.add.f32 [tilespmem:s30], [sflag:$0x7], $0x80, s9, s5, $0xb8;
	[tilespmem:$0x1B290] =	vst v63  }
0xf5: {  	_ = 	snop  }
0xf6: {  	[spmem:s3] =	stream.indirect.scatter.add.f32 [tilespmem:s24], [sflag:$0xB], $0x8, s9, s5, $0xb8;
	[tilespmem:$0x1B290] =	vst v63  }
0xf7: {  	_ =	swait.ge [sflag:s28], $0x5000  }
0xf8: {  	[sflag:s28] =	ssyncset.done $0x0  }
0xf9: {  	[sflag:s28] =	ssyncadd.s32 $0xFFFFB000  }
0xfa: {  	_ =	swait.ge [sflag:s16], $0x5000  }
0xfb: {  	[sflag:s16] =	ssyncset.done $0x0  }
0xfc: {  	[sflag:s16] =	ssyncadd.s32 $0xFFFFB000  }
0xfd: {  	_ =	swait.ge [sflag:s11], $0x500  }
0xfe: {  	[sflag:s11] =	ssyncset.done $0x0  }
0xff: {  	s12 =	rddreg [dreg:$0x1a];
	[sflag:s11] =	ssyncadd.s32 $0xFFFFFB00  }
0x100: {  	[tilespmem:s8], [sflag:$0x5] =	stream.linear.gather [hbm4b:s12+s4], $0x5000, $0x38;
	[tilespmem:$0x1B290] =	vst v63  }
0x101: {  	s20 =	simm.s32 $0x19780  }
0x102: {  	[spmem:s2] =	stream.indirect.scatter.add.f32 [tilespmem:s31], [sflag:$0x8], $0x80, s20, s5, $0xb8;
	[tilespmem:$0x1B290] =	vst v63  }
0x103: {  	_ = 	snop  }
0x104: {  	[spmem:s3] =	stream.indirect.scatter.add.f32 [tilespmem:s24], [sflag:$0xB], $0x8, s20, s5, $0xb8;
	[tilespmem:$0x1B290] =	vst v63  }
0x105: {  	_ =	swait.ge [sflag:s29], $0x5000  }
0x106: {  	[sflag:s29] =	ssyncset.done $0x0  }
0x107: {  	[sflag:s29] =	ssyncadd.s32 $0xFFFFB000  }
0x108: {  	_ =	swait.ge [sflag:s10], $0x5000  }
0x109: {  	[sflag:s10] =	ssyncset.done $0x0  }
0x10a: {  	[sflag:s10] =	ssyncadd.s32 $0xFFFFB000  }
0x10b: {  	_ =	swait.ge [sflag:s11], $0x500  }
0x10c: {  	[sflag:s11] =	ssyncset.done $0x0  }
0x10d: {  	s7 =	rddreg [dreg:$0x1b];
	[sflag:s11] =	ssyncadd.s32 $0xFFFFFB00  }
0x10e: {  	[tilespmem:s4], [sflag:$0x1] =	stream.linear.gather [hbm4b:s7+s4], $0x5000, $0x38;
	[tilespmem:$0x1B290] =	vst v63  }
0x10f: {  	s9 =	simm.s32 $0x19820  }
0x110: {  	[spmem:s2] =	stream.indirect.scatter.add.f32 [tilespmem:s6], [sflag:$0x9], $0x80, s9, s5, $0xb8;
	[tilespmem:$0x1B290] =	vst v63  }
0x111: {  	_ = 	snop  }
0x112: {  	[spmem:s3] =	stream.indirect.scatter.add.f32 [tilespmem:s24], [sflag:$0xB], $0x8, s9, s5, $0xb8;
	[tilespmem:$0x1B290] =	vst v63  }
0x113: {  	_ =	swait.ge [sflag:s13], $0x5000  }
0x114: {  	[sflag:s13] =	ssyncset.done $0x0  }
0x115: {  	[sflag:s13] =	ssyncadd.s32 $0xFFFFB000  }
0x116: {  	_ =	swait.ge [sflag:s14], $0x5000  }
0x117: {  	[sflag:s14] =	ssyncset.done $0x0  }
0x118: {  	[sflag:s14] =	ssyncadd.s32 $0xFFFFB000  }
0x119: {  	_ =	swait.ge [sflag:s11], $0x500  }
0x11a: {  	[sflag:s11] =	ssyncset.done $0x0  }
0x11b: {  	s12 =	rddreg [dreg:$0x1c];
	[sflag:s11] =	ssyncadd.s32 $0xFFFFFB00  }
0x11c: {  	[tilespmem:s30], [sflag:$0x2] =	stream.linear.gather [hbm4b:s12+s4], $0x5000, $0x38;
	[tilespmem:$0x1B290] =	vst v63  }
0x11d: {  	s20 =	simm.s32 $0x198C0  }
0x11e: {  	[spmem:s2] =	stream.indirect.scatter.add.f32 [tilespmem:s8], [sflag:$0xA], $0x80, s20, s5, $0xb8;
	[tilespmem:$0x1B290] =	vst v63  }
0x11f: {  	_ = 	snop  }
0x120: {  	[spmem:s3] =	stream.indirect.scatter.add.f32 [tilespmem:s24], [sflag:$0xB], $0x8, s20, s5, $0xb8;
	[tilespmem:$0x1B290] =	vst v63  }
0x121: {  	_ =	swait.ge [sflag:s25], $0x5000  }
0x122: {  	[sflag:s25] =	ssyncset.done $0x0  }
0x123: {  	[sflag:s25] =	ssyncadd.s32 $0xFFFFB000  }
0x124: {  	_ =	swait.ge [sflag:s15], $0x5000  }
0x125: {  	[sflag:s15] =	ssyncset.done $0x0  }
0x126: {  	[sflag:s15] =	ssyncadd.s32 $0xFFFFB000  }
0x127: {  	_ =	swait.ge [sflag:s11], $0x500  }
0x128: {  	[sflag:s11] =	ssyncset.done $0x0  }
0x129: {  	s7 =	rddreg [dreg:$0x1d];
	[sflag:s11] =	ssyncadd.s32 $0xFFFFFB00  }
0x12a: {  	[tilespmem:s31], [sflag:$0x3] =	stream.linear.gather [hbm4b:s7+s4], $0x5000, $0x38;
	[tilespmem:$0x1B290] =	vst v63  }
0x12b: {  	s9 =	simm.s32 $0x19960  }
0x12c: {  	[spmem:s2] =	stream.indirect.scatter.add.f32 [tilespmem:s4], [sflag:$0x6], $0x80, s9, s5, $0xb8;
	[tilespmem:$0x1B290] =	vst v63  }
0x12d: {  	_ = 	snop  }
0x12e: {  	[spmem:s3] =	stream.indirect.scatter.add.f32 [tilespmem:s24], [sflag:$0xB], $0x8, s9, s5, $0xb8;
	[tilespmem:$0x1B290] =	vst v63  }
0x12f: {  	_ =	swait.ge [sflag:s26], $0x5000  }
0x130: {  	[sflag:s26] =	ssyncset.done $0x0  }
0x131: {  	[sflag:s26] =	ssyncadd.s32 $0xFFFFB000  }
0x132: {  	_ =	swait.ge [sflag:s17], $0x5000  }
0x133: {  	[sflag:s17] =	ssyncset.done $0x0  }
0x134: {  	[sflag:s17] =	ssyncadd.s32 $0xFFFFB000  }
0x135: {  	_ =	swait.ge [sflag:s11], $0x500  }
0x136: {  	[sflag:s11] =	ssyncset.done $0x0  }
0x137: {  	s12 =	rddreg [dreg:$0x1e];
	[sflag:s11] =	ssyncadd.s32 $0xFFFFFB00  }
0x138: {  	[tilespmem:s6], [sflag:$0x4] =	stream.linear.gather [hbm4b:s12+s4], $0x5000, $0x38;
	[tilespmem:$0x1B290] =	vst v63  }
0x139: {  	s20 =	simm.s32 $0x19A00  }
0x13a: {  	[spmem:s2] =	stream.indirect.scatter.add.f32 [tilespmem:s30], [sflag:$0x7], $0x80, s20, s5, $0xb8;
	[tilespmem:$0x1B290] =	vst v63  }
0x13b: {  	_ = 	snop  }
0x13c: {  	[spmem:s3] =	stream.indirect.scatter.add.f32 [tilespmem:s24], [sflag:$0xB], $0x8, s20, s5, $0xb8;
	[tilespmem:$0x1B290] =	vst v63  }
0x13d: {  	_ =	swait.ge [sflag:s28], $0x5000  }
0x13e: {  	[sflag:s28] =	ssyncset.done $0x0  }
0x13f: {  	[sflag:s28] =	ssyncadd.s32 $0xFFFFB000  }
0x140: {  	_ =	swait.ge [sflag:s16], $0x5000  }
0x141: {  	[sflag:s16] =	ssyncset.done $0x0  }
0x142: {  	[sflag:s16] =	ssyncadd.s32 $0xFFFFB000  }
0x143: {  	_ =	swait.ge [sflag:s11], $0x500  }
0x144: {  	[sflag:s11] =	ssyncset.done $0x0  }
0x145: {  	s7 =	rddreg [dreg:$0x1f];
	[sflag:s11] =	ssyncadd.s32 $0xFFFFFB00  }
0x146: {  	[tilespmem:s8], [sflag:$0x5] =	stream.linear.gather [hbm4b:s7+s4], $0x5000, $0x38;
	[tilespmem:$0x1B290] =	vst v63  }
0x147: {  	s9 =	simm.s32 $0x19AA0  }
0x148: {  	[spmem:s2] =	stream.indirect.scatter.add.f32 [tilespmem:s31], [sflag:$0x8], $0x80, s9, s5, $0xb8;
	[tilespmem:$0x1B290] =	vst v63  }
0x149: {  	_ = 	snop  }
0x14a: {  	[spmem:s3] =	stream.indirect.scatter.add.f32 [tilespmem:s24], [sflag:$0xB], $0x8, s9, s5, $0xb8;
	[tilespmem:$0x1B290] =	vst v63  }
0x14b: {  	_ =	swait.ge [sflag:s29], $0x5000  }
0x14c: {  	[sflag:s29] =	ssyncset.done $0x0  }
0x14d: {  	[sflag:s29] =	ssyncadd.s32 $0xFFFFB000  }
0x14e: {  	_ =	swait.ge [sflag:s10], $0x5000  }
0x14f: {  	[sflag:s10] =	ssyncset.done $0x0  }
0x150: {  	[sflag:s10] =	ssyncadd.s32 $0xFFFFB000  }
0x151: {  	_ =	swait.ge [sflag:s11], $0x500  }
0x152: {  	[sflag:s11] =	ssyncset.done $0x0  }
0x153: {  	s12 =	simm.s32 $0x19B40;
	[sflag:s11] =	ssyncadd.s32 $0xFFFFFB00  }
0x154: {  	[spmem:s2] =	stream.indirect.scatter.add.f32 [tilespmem:s6], [sflag:$0x9], $0x80, s12, s5, $0xb8;
	[tilespmem:$0x1B290] =	vst v63  }
0x155: {  	_ = 	snop  }
0x156: {  	[spmem:s3] =	stream.indirect.scatter.add.f32 [tilespmem:s24], [sflag:$0xB], $0x8, s12, s5, $0xb8;
	[tilespmem:$0x1B290] =	vst v63  }
0x157: {  	_ =	swait.ge [sflag:s13], $0x5000  }
0x158: {  	[sflag:s13] =	ssyncset.done $0x0  }
0x159: {  	[sflag:s13] =	ssyncadd.s32 $0xFFFFB000  }
0x15a: {  	_ =	swait.ge [sflag:s14], $0x5000  }
0x15b: {  	[sflag:s14] =	ssyncset.done $0x0  }
0x15c: {  	[sflag:s14] =	ssyncadd.s32 $0xFFFFB000  }
0x15d: {  	_ =	swait.ge [sflag:s11], $0x500  }
0x15e: {  	[sflag:s11] =	ssyncset.done $0x0  }
0x15f: {  	s20 =	simm.s32 $0x19BE0;
	[sflag:s11] =	ssyncadd.s32 $0xFFFFFB00  }
0x160: {  	[spmem:s2] =	stream.indirect.scatter.add.f32 [tilespmem:s8], [sflag:$0xA], $0x80, s20, s5, $0xb8;
	[tilespmem:$0x1B290] =	vst v63  }
0x161: {  	_ = 	snop  }
0x162: {  	[spmem:s3] =	stream.indirect.scatter.add.f32 [tilespmem:s24], [sflag:$0xB], $0x8, s20, s5, $0xb8;
	[tilespmem:$0x1B290] =	vst v63  }
0x163: {  	_ =	swait.ge [sflag:s15], $0x5000  }
0x164: {  	[sflag:s15] =	ssyncset.done $0x0  }
0x165: {  	[sflag:s15] =	ssyncadd.s32 $0xFFFFB000  }
0x166: {  	_ =	swait.ge [sflag:s11], $0x500  }
0x167: {  	[sflag:s11] =	ssyncset.done $0x0  }
0x168: {  	[sflag:s11] =	ssyncadd.s32 $0xFFFFFB00  }
0x169: {  	_ =	swait.ge [sflag:s17], $0x5000  }
0x16a: {  	[sflag:s17] =	ssyncset.done $0x0  }
0x16b: {  	[sflag:s17] =	ssyncadd.s32 $0xFFFFB000  }
0x16c: {  	_ =	swait.ge [sflag:s11], $0x500  }
0x16d: {  	[sflag:s11] =	ssyncset.done $0x0  }
0x16e: {  	[sflag:s11] =	ssyncadd.s32 $0xFFFFFB00  }
0x16f: {  	_ =	swait.ge [sflag:s16], $0x5000  }
.Ltmp3:
0x170: {  	[sflag:s16] =	ssyncset.done $0x0;
	(pc) =	sbr.rel .LBB2_3-.Ltmp3, $4  }
0x171: {  	[sflag:s16] =	ssyncadd.s32 $0xFFFFB000  }
0x172: {  	_ =	swait.ge [sflag:s11], $0x500  }
0x173: {  	[sflag:s11] =	ssyncset.done $0x0  }
0x174: {  	[sflag:s11] =	ssyncadd.s32 $0xFFFFFB00  }
.LBB2_4:
0x175: {  	_ =	sfence.sel $0x180000  }
0x176: {  	[bflag:$0x0] =	sbarrier.arrive $0xFFFF  }
0x177: {  	_ =	strace $0x90000047  }
0x178: {  	s0 =	stileid.u32;
	[bflag:$0x2] =	sbarrier.arrive $0xFFFF  }
0x179: {  	p0 =	sne.s32 s0, $0x0;
	s0 =	rddreg [dreg:$0x5]  }
0x17a: {  	s0 =	sadd.s32 @!p0 $0x100000, s0  }
0x17b: {  	[sflag:s0] =	ssyncadd.tile.s32 @!p0 $0x1;
	_ =	shalt  }
.Lfunc_end2:
_tile_overlayer_lowered:
.L_overlay_start_2:
0x17c: {  	(tag) =	ssettag $0x2  }
0x17d: {  	s0 =	rddreg [dreg:$0x0];
	s2 =	stileid.u32  }
0x17e: {  	s1 =	rddreg [dreg:$0x1];
	p0 =	sne.s32 s2, $0x0  }
0x17f: {  	s3 =	rddreg [dreg:$0x2];
	[bflag:$0x3] =	sbarrier.arrive $0xFFFF;
	s2 =	simm.s32 @!p0 $0x1C0C  }
0x180: {  	[timem:s3], [sflag:s2] =	dma.local @!p0 [hbm:s0], s1  }
0x181: {  	s0 =	simm.s32 @!p0 $0xC  }
0x182: {  	_ =	swait.ge @!p0 [sflag:s0], s1  }
0x183: {  	s1 =	ssub.s32 @!p0 $0x0, s1;
	[sflag:s0] =	ssyncset.done @!p0 $0x0  }
0x184: {  	[sflag:s0] =	ssyncadd.s32 @!p0 s1  }
0x185: {  	[bflag:$0x3] =	sbarrier.arrive $0xFFFF  }
0x186: {  	_ =	shalt  }

</sc_bundles>
